<compile_context>
chip_gen: v7x
topology: tpu7x:2x2x1
jax: 0.10.2.dev20260603
libtpu: 0.0.44.dev20260713+nightly
codegen_flags: <defaults>
</compile_context>

<pallas_src>
import functools

import jax
import jax.numpy as jnp
from jax import lax
from jax.experimental import pallas as pl
from jax.experimental.pallas import tpu as pltpu
from jax.experimental.pallas import tpu_sc as plsc

_N_CORES = 2
_N_SUBCORES = 16
_NW = _N_CORES * _N_SUBCORES
_LANES = 16

_G = 80
_NG = 5
_CHUNK = _G * _NG
_NBUF = 2


def _proj_body(emb_ref, w1a_ref, w1b_ref, b1_ref, ps_ref, pd_ref):
    e = emb_ref[...]
    ps_ref[...] = (
        jnp.dot(e, w1a_ref[...], preferred_element_type=jnp.float32) + b1_ref[...]
    ).astype(jnp.bfloat16)
    pd_ref[...] = jnp.dot(
        e, w1b_ref[...], preferred_element_type=jnp.float32).astype(jnp.bfloat16)


def _node_projections(emb, W1, b1):
    n, d = emb.shape
    h = W1.shape[1]
    return pl.pallas_call(
        _proj_body,
        out_shape=(
            jax.ShapeDtypeStruct((n, h), jnp.bfloat16),
            jax.ShapeDtypeStruct((n, h), jnp.bfloat16),
        ),
    )(emb, W1[:d], W1[d:], b1.reshape(1, h))


def _edge_body(ps_hbm, pd_hbm, w2b_hbm, src_hbm, dst_hbm, out_hbm,
               sidx_all, didx_all, srows, drows, outv, w2v, tbuf, ps_sh, pd_sh,
               gsems, osems):
    sid = lax.axis_index("s")
    wid = sid * _N_CORES + lax.axis_index("c")
    epw = src_hbm.shape[0] // _NW
    nchunks = epw // _CHUNK
    h = ps_hbm.shape[1]
    nk = h // (2 * _LANES)
    n_nodes = ps_hbm.shape[0]
    stripe = n_nodes // _N_SUBCORES
    pltpu.sync_copy(ps_hbm.at[pl.ds(sid * stripe, stripe)],
                    ps_sh.at[pl.ds(sid * stripe, stripe)])
    pltpu.sync_copy(pd_hbm.at[pl.ds(sid * stripe, stripe)],
                    pd_sh.at[pl.ds(sid * stripe, stripe)])
    pltpu.sync_copy(src_hbm.at[pl.ds(wid * epw, epw)], sidx_all)
    pltpu.sync_copy(dst_hbm.at[pl.ds(wid * epw, epw)], didx_all)
    pltpu.sync_copy(w2b_hbm, w2v)
    plsc.subcore_barrier()

    w2k = [w2v[pl.ds(_LANES * k, _LANES)] for k in range(h // _LANES)]
    w2pk = [plsc.pack(w2k[2 * k], w2k[2 * k + 1],
                      format=plsc.PackFormat.INTERLEAVED) for k in range(nk)]
    b2vec = w2v[pl.ds(h, _LANES)]
    col_idx = [lax.iota(jnp.int32, _LANES) * _LANES + l for l in range(_LANES)]

    def fetch(c, b):
        for j in range(_NG):
            idx = pl.ds(c * _CHUNK + j * _G, _G)
            dst_sl = pl.ds(j * _G, _G)
            pltpu.async_copy(ps_sh.at[sidx_all.at[idx]], srows.at[b, dst_sl],
                             gsems.at[b])
            pltpu.async_copy(pd_sh.at[didx_all.at[idx]], drows.at[b, dst_sl],
                             gsems.at[b])

    def wait_gathers(b):
        for _ in range(2 * _NG):
            pltpu.make_async_copy(
                ps_hbm.at[pl.ds(0, _G)],
                srows.at[b, pl.ds(0, _G)], gsems.at[b]).wait()

    def compute(c, b, out_pending):
        def group_body(g, gcarry):
            for q in range(_LANES // 4):
                accs = [None] * 4
                for k in range(nk):
                    for i in range(4):
                        e = g * _LANES + q * 4 + i
                        s = srows[b, e, pl.ds(2 * _LANES * k, 2 * _LANES)]
                        dd = drows[b, e, pl.ds(2 * _LANES * k, 2 * _LANES)]
                        t = jnp.maximum(s + dd, 0.0) * w2pk[k]
                        accs[i] = t if k == 0 else accs[i] + t
                for i in range(4):
                    pa, pb = plsc.unpack(
                        accs[i], format=plsc.PackFormat.INTERLEAVED,
                        preferred_element_type=jnp.float32)
                    tbuf[pl.ds((q * 4 + i) * _LANES, _LANES)] = pa + pb
            res = b2vec
            for l in range(_LANES):
                res = res + plsc.load_gather(tbuf, [col_idx[l]])
            outv[b, pl.ds(g * _LANES, _LANES)] = res
            return gcarry

        @pl.when(out_pending)
        def _():
            pltpu.make_async_copy(
                outv.at[b], out_hbm.at[pl.ds(0, _CHUNK)], osems.at[b]).wait()

        lax.fori_loop(0, _CHUNK // _LANES, group_body, 0)
        pltpu.async_copy(outv.at[b],
                         out_hbm.at[pl.ds(wid * epw + c * _CHUNK, _CHUNK)],
                         osems.at[b])

    cmax = nchunks - 1
    fetch(0, 0)

    def pair_body(p, carry):
        c0 = 2 * p
        fetch(jnp.minimum(c0 + 1, cmax), 1)
        wait_gathers(0)
        compute(c0, 0, p > 0)
        fetch(jnp.minimum(c0 + 2, cmax), 0)
        wait_gathers(1)
        compute(jnp.minimum(c0 + 1, cmax), 1, p > 0)
        return carry

    lax.fori_loop(0, (nchunks + 1) // 2, pair_body, 0)
    for b in range(_NBUF):
        pltpu.make_async_copy(
            outv.at[b], out_hbm.at[pl.ds(0, _CHUNK)], osems.at[b]).wait()


def kernel(emb, edges_src_ids, edges_dst_ids, W1, b1, W2, b2):
    e_total = edges_src_ids.shape[0]
    h = W1.shape[1]

    ps, pd = _node_projections(emb, W1, b1)

    src = edges_src_ids.astype(jnp.int32)
    dst = edges_dst_ids.astype(jnp.int32)

    w2col = W2[:, 0]
    w2parts = []
    for k in range(h // (2 * _LANES)):
        blk = w2col[2 * _LANES * k:2 * _LANES * (k + 1)]
        w2parts += [blk[0::2], blk[1::2]]
    w2b = jnp.concatenate(w2parts + [jnp.broadcast_to(b2, (_LANES,))])

    epw = e_total // _NW
    emb_rows = emb.shape[0]
    edge_fn = functools.partial(
        pl.kernel,
        out_type=jax.ShapeDtypeStruct((e_total,), jnp.float32),
        mesh=plsc.VectorSubcoreMesh(
            core_axis_name="c", subcore_axis_name="s",
            num_cores=_N_CORES, num_subcores=_N_SUBCORES),
        scratch_types=[
            pltpu.VMEM((epw,), jnp.int32),
            pltpu.VMEM((epw,), jnp.int32),
            pltpu.VMEM((_NBUF, _CHUNK, h), jnp.bfloat16),
            pltpu.VMEM((_NBUF, _CHUNK, h), jnp.bfloat16),
            pltpu.VMEM((_NBUF, _CHUNK), jnp.float32),
            pltpu.VMEM((h + _LANES,), jnp.float32),
            pltpu.VMEM((_LANES * _LANES,), jnp.float32),
            pltpu.VMEM_SHARED((emb_rows, h), jnp.bfloat16),
            pltpu.VMEM_SHARED((emb_rows, h), jnp.bfloat16),
            pltpu.SemaphoreType.DMA((_NBUF,)),
            pltpu.SemaphoreType.DMA((_NBUF,)),
        ],
        compiler_params=pltpu.CompilerParams(
            needs_layout_passes=False, use_tc_tiling_on_sc=False),
    )(_edge_body)

    out = edge_fn(ps, pd, w2b, src, dst)
    return out.reshape(e_total, 1)

# --- scband reference (transcript-rebuilt; emitter-appended) ---
"""Pipeline reference for scband-pgexplainer-2688649527838 (READ-ONLY COPY).

The authoritative reference and input builder live on the scoring server;
editing this copy changes nothing except your own understanding.
"""

import jax, jax.numpy as jnp
import numpy as np

N_NODES = 10000
N_EDGES = 320000
D_FEAT = 128
HIDDEN = 64

def setup_inputs(seed: int = 0) -> dict:
    key = jax.random.key(seed)
    ks = jax.random.split(key, 6)
    emb = jax.random.normal(ks[0], (N_NODES, D_FEAT), dtype=jnp.float32)
    edges_src_ids = jax.random.randint(ks[1], (N_EDGES,), 0, N_NODES, dtype=jnp.int64 if jax.config.jax_enable_x64 else jnp.int32)
    edges_dst_ids = jax.random.randint(ks[2], (N_EDGES,), 0, N_NODES, dtype=jnp.int64 if jax.config.jax_enable_x64 else jnp.int32)
    W1 = jax.random.normal(ks[3], (2 * D_FEAT, HIDDEN), dtype=jnp.float32) * 0.05
    b1 = jnp.zeros((HIDDEN,), dtype=jnp.float32)
    W2 = jax.random.normal(ks[4], (HIDDEN, 1), dtype=jnp.float32) * 0.05
    b2 = jnp.zeros((1,), dtype=jnp.float32)
    return {"emb": emb, "edges_src_ids": edges_src_ids, "edges_dst_ids": edges_dst_ids, "W1": W1, "b1": b1, "W2": W2, "b2": b2}

def reference(emb, edges_src_ids, edges_dst_ids, W1, b1, W2, b2):
    # PGExplainer.forward: gather src/dst node embeddings for each edge,
    # concatenate, then pass through elayers MLP (Linear -> ReLU -> Linear)
    # to produce per-edge logits of shape [E, 1].
    emb_s = jnp.take(emb, edges_src_ids, axis=0)
    emb_d = jnp.take(emb, edges_dst_ids, axis=0)
    edge_feats = jnp.concatenate([emb_s, emb_d], axis=1)
    h = jax.nn.relu(edge_feats @ W1 + b1)
    edge_logits = h @ W2 + b2
    return edge_logits

if __name__ == "__main__":
    import jax
    _d = setup_inputs()
    print(jax.jit(kernel)(*tuple(_d.values())))

</pallas_src>

<mosaic_0001>
#map = affine_map<(d0, d1) -> (0, 0)>
#map1 = affine_map<(d0, d1) -> (0)>
module attributes {stable_mosaic.version = 14 : i64} {
  func.func @_edge_body(%arg0: i32, %arg1: i32, %arg2: memref<10000x64xbf16, #tpu.memory_space<hbm>>, %arg3: memref<10000x64xbf16, #tpu.memory_space<hbm>>, %arg4: memref<80xf32, #tpu.memory_space<hbm>>, %arg5: memref<320000xi32, #tpu.memory_space<hbm>>, %arg6: memref<320000xi32, #tpu.memory_space<hbm>>, %arg7: memref<320000xf32, #tpu.memory_space<hbm>>, %arg8: memref<10000xi32, #tpu.memory_space<vmem>>, %arg9: memref<10000xi32, #tpu.memory_space<vmem>>, %arg10: memref<2x400x64xbf16, #tpu.memory_space<vmem>>, %arg11: memref<2x400x64xbf16, #tpu.memory_space<vmem>>, %arg12: memref<2x400xf32, #tpu.memory_space<vmem>>, %arg13: memref<80xf32, #tpu.memory_space<vmem>>, %arg14: memref<256xf32, #tpu.memory_space<vmem>>, %arg15: memref<10000x64xbf16, #tpu.memory_space<vmem_shared>>, %arg16: memref<10000x64xbf16, #tpu.memory_space<vmem_shared>>, %arg17: memref<2x!tpu.dma_semaphore, #tpu.memory_space<semaphore_mem>>, %arg18: memref<2x!tpu.dma_semaphore, #tpu.memory_space<semaphore_mem>>) attributes {dimension_semantics = [#tpu.dimension_semantics<core_parallel>, #tpu.dimension_semantics<subcore_parallel>], iteration_bounds = array<i64: 2, 16>, scalar_prefetch = 0 : i64, scratch_operands = 11 : i64, tpu.core_type = #tpu.core_type<sc_vector_subcore>, window_params = [{transform_indices = #map}, {transform_indices = #map}, {transform_indices = #map1}, {transform_indices = #map1}, {transform_indices = #map1}, {transform_indices = #map1}]} {
    %mul3A = arith.constant 2 : i32
    %mul3A_0 = arith.muli %arg1, %mul3A : i32
    %add3A = arith.addi %mul3A_0, %arg0 : i32
    %mul3A_1 = arith.constant 625 : i32
    %mul3A_2 = arith.muli %arg1, %mul3A_1 : i32
    %mul3A_3 = arith.constant 625 : i32
    %mul3A_4 = arith.muli %arg1, %mul3A_3 : i32
    "tpu.region"() ({
      %run_scoped3A = tpu.sem_alloc : memref<!tpu.dma_semaphore, #tpu.memory_space<semaphore_mem>>
      %dma_start3A_295 = arith.constant 0 : i32
      %dma_start3A_296 = tpu.memref_slice %arg15[%mul3A_4, %dma_start3A_295] : memref<10000x64xbf16, #tpu.memory_space<vmem_shared>> -> memref<625x64xbf16, #tpu.memory_space<vmem_shared>>
      %dma_start3A_297 = arith.constant 0 : i32
      %dma_start3A_298 = tpu.memref_slice %arg2[%mul3A_2, %dma_start3A_297] : memref<10000x64xbf16, #tpu.memory_space<hbm>> -> memref<625x64xbf16, #tpu.memory_space<hbm>>
      tpu.enqueue_dma source(%dma_start3A_298 : memref<625x64xbf16, #tpu.memory_space<hbm>>) target(%dma_start3A_296 : memref<625x64xbf16, #tpu.memory_space<vmem_shared>>) target_semaphore(%run_scoped3A : memref<!tpu.dma_semaphore, #tpu.memory_space<semaphore_mem>>)
      %dma_wait3A_299 = arith.constant 0 : i32
      %dma_wait3A_300 = tpu.memref_slice %arg15[%mul3A_4, %dma_wait3A_299] : memref<10000x64xbf16, #tpu.memory_space<vmem_shared>> -> memref<625x64xbf16, #tpu.memory_space<vmem_shared>>
      %dma_wait3A_301 = arith.constant 0 : i32
      %dma_wait3A_302 = tpu.memref_slice %arg2[%mul3A_2, %dma_wait3A_301] : memref<10000x64xbf16, #tpu.memory_space<hbm>> -> memref<625x64xbf16, #tpu.memory_space<hbm>>
      tpu.wait_dma2 semaphore(%run_scoped3A : memref<!tpu.dma_semaphore, #tpu.memory_space<semaphore_mem>>) src(%dma_wait3A_302 : memref<625x64xbf16, #tpu.memory_space<hbm>>) dst(%dma_wait3A_300 : memref<625x64xbf16, #tpu.memory_space<vmem_shared>>)
      tpu.yield
    }) : () -> ()
    %mul3A_5 = arith.constant 625 : i32
    %mul3A_6 = arith.muli %arg1, %mul3A_5 : i32
    %mul3A_7 = arith.constant 625 : i32
    %mul3A_8 = arith.muli %arg1, %mul3A_7 : i32
    "tpu.region"() ({
      %run_scoped3A = tpu.sem_alloc : memref<!tpu.dma_semaphore, #tpu.memory_space<semaphore_mem>>
      %dma_start3A_295 = arith.constant 0 : i32
      %dma_start3A_296 = tpu.memref_slice %arg16[%mul3A_8, %dma_start3A_295] : memref<10000x64xbf16, #tpu.memory_space<vmem_shared>> -> memref<625x64xbf16, #tpu.memory_space<vmem_shared>>
      %dma_start3A_297 = arith.constant 0 : i32
      %dma_start3A_298 = tpu.memref_slice %arg3[%mul3A_6, %dma_start3A_297] : memref<10000x64xbf16, #tpu.memory_space<hbm>> -> memref<625x64xbf16, #tpu.memory_space<hbm>>
      tpu.enqueue_dma source(%dma_start3A_298 : memref<625x64xbf16, #tpu.memory_space<hbm>>) target(%dma_start3A_296 : memref<625x64xbf16, #tpu.memory_space<vmem_shared>>) target_semaphore(%run_scoped3A : memref<!tpu.dma_semaphore, #tpu.memory_space<semaphore_mem>>)
      %dma_wait3A_299 = arith.constant 0 : i32
      %dma_wait3A_300 = tpu.memref_slice %arg16[%mul3A_8, %dma_wait3A_299] : memref<10000x64xbf16, #tpu.memory_space<vmem_shared>> -> memref<625x64xbf16, #tpu.memory_space<vmem_shared>>
      %dma_wait3A_301 = arith.constant 0 : i32
      %dma_wait3A_302 = tpu.memref_slice %arg3[%mul3A_6, %dma_wait3A_301] : memref<10000x64xbf16, #tpu.memory_space<hbm>> -> memref<625x64xbf16, #tpu.memory_space<hbm>>
      tpu.wait_dma2 semaphore(%run_scoped3A : memref<!tpu.dma_semaphore, #tpu.memory_space<semaphore_mem>>) src(%dma_wait3A_302 : memref<625x64xbf16, #tpu.memory_space<hbm>>) dst(%dma_wait3A_300 : memref<625x64xbf16, #tpu.memory_space<vmem_shared>>)
      tpu.yield
    }) : () -> ()
    %mul3A_9 = arith.constant 10000 : i32
    %mul3A_10 = arith.muli %add3A, %mul3A_9 : i32
    "tpu.region"() ({
      %run_scoped3A = tpu.sem_alloc : memref<!tpu.dma_semaphore, #tpu.memory_space<semaphore_mem>>
      %dma_start3A_295 = tpu.memref_slice %arg5[%mul3A_10] : memref<320000xi32, #tpu.memory_space<hbm>> -> memref<10000xi32, #tpu.memory_space<hbm>>
      %dma_start3A_296 = tpu.memref_slice %arg5[%mul3A_10] : memref<320000xi32, #tpu.memory_space<hbm>> -> memref<10000xi32, #tpu.memory_space<hbm>>
      tpu.enqueue_dma source(%dma_start3A_296 : memref<10000xi32, #tpu.memory_space<hbm>>) target(%arg8 : memref<10000xi32, #tpu.memory_space<vmem>>) target_semaphore(%run_scoped3A : memref<!tpu.dma_semaphore, #tpu.memory_space<semaphore_mem>>)
      %dma_wait3A_297 = tpu.memref_slice %arg5[%mul3A_10] : memref<320000xi32, #tpu.memory_space<hbm>> -> memref<10000xi32, #tpu.memory_space<hbm>>
      %dma_wait3A_298 = tpu.memref_slice %arg5[%mul3A_10] : memref<320000xi32, #tpu.memory_space<hbm>> -> memref<10000xi32, #tpu.memory_space<hbm>>
      tpu.wait_dma2 semaphore(%run_scoped3A : memref<!tpu.dma_semaphore, #tpu.memory_space<semaphore_mem>>) src(%dma_wait3A_298 : memref<10000xi32, #tpu.memory_space<hbm>>) dst(%arg8 : memref<10000xi32, #tpu.memory_space<vmem>>)
      tpu.yield
    }) : () -> ()
    %mul3A_11 = arith.constant 10000 : i32
    %mul3A_12 = arith.muli %add3A, %mul3A_11 : i32
    "tpu.region"() ({
      %run_scoped3A = tpu.sem_alloc : memref<!tpu.dma_semaphore, #tpu.memory_space<semaphore_mem>>
      %dma_start3A_295 = tpu.memref_slice %arg6[%mul3A_12] : memref<320000xi32, #tpu.memory_space<hbm>> -> memref<10000xi32, #tpu.memory_space<hbm>>
      %dma_start3A_296 = tpu.memref_slice %arg6[%mul3A_12] : memref<320000xi32, #tpu.memory_space<hbm>> -> memref<10000xi32, #tpu.memory_space<hbm>>
      tpu.enqueue_dma source(%dma_start3A_296 : memref<10000xi32, #tpu.memory_space<hbm>>) target(%arg9 : memref<10000xi32, #tpu.memory_space<vmem>>) target_semaphore(%run_scoped3A : memref<!tpu.dma_semaphore, #tpu.memory_space<semaphore_mem>>)
      %dma_wait3A_297 = tpu.memref_slice %arg6[%mul3A_12] : memref<320000xi32, #tpu.memory_space<hbm>> -> memref<10000xi32, #tpu.memory_space<hbm>>
      %dma_wait3A_298 = tpu.memref_slice %arg6[%mul3A_12] : memref<320000xi32, #tpu.memory_space<hbm>> -> memref<10000xi32, #tpu.memory_space<hbm>>
      tpu.wait_dma2 semaphore(%run_scoped3A : memref<!tpu.dma_semaphore, #tpu.memory_space<semaphore_mem>>) src(%dma_wait3A_298 : memref<10000xi32, #tpu.memory_space<hbm>>) dst(%arg9 : memref<10000xi32, #tpu.memory_space<vmem>>)
      tpu.yield
    }) : () -> ()
    "tpu.region"() ({
      %run_scoped3A = tpu.sem_alloc : memref<!tpu.dma_semaphore, #tpu.memory_space<semaphore_mem>>
      tpu.enqueue_dma source(%arg4 : memref<80xf32, #tpu.memory_space<hbm>>) target(%arg13 : memref<80xf32, #tpu.memory_space<vmem>>) target_semaphore(%run_scoped3A : memref<!tpu.dma_semaphore, #tpu.memory_space<semaphore_mem>>)
      tpu.wait_dma2 semaphore(%run_scoped3A : memref<!tpu.dma_semaphore, #tpu.memory_space<semaphore_mem>>) src(%arg4 : memref<80xf32, #tpu.memory_space<hbm>>) dst(%arg13 : memref<80xf32, #tpu.memory_space<vmem>>)
      tpu.yield
    }) : () -> ()
    %barrier3A = arith.constant 0 : index
    tpu.barrier barrier_id(%barrier3A)
    %get3A = arith.constant 0 : index
    %get3A_13 = tpu.vector_load %arg13[%get3A] {strides = array<i32>} : memref<80xf32, #tpu.memory_space<vmem>>, vector<16xf32>,
    %get3A_14 = arith.constant 16 : index
    %get3A_15 = tpu.vector_load %arg13[%get3A_14] {strides = array<i32>} : memref<80xf32, #tpu.memory_space<vmem>>, vector<16xf32>,
    %get3A_16 = arith.constant 32 : index
    %get3A_17 = tpu.vector_load %arg13[%get3A_16] {strides = array<i32>} : memref<80xf32, #tpu.memory_space<vmem>>, vector<16xf32>,
    %get3A_18 = arith.constant 48 : index
    %get3A_19 = tpu.vector_load %arg13[%get3A_18] {strides = array<i32>} : memref<80xf32, #tpu.memory_space<vmem>>, vector<16xf32>,
    %pack3A = tpu.pack_subelements %get3A_13, %get3A_15 {pack_format = #tpu.pack_format<interleaved>, positions = array<i32: 0, 1>} : vector<16xf32>, vector<16xf32> -> vector<32xbf16>
    %pack3A_20 = tpu.pack_subelements %get3A_17, %get3A_19 {pack_format = #tpu.pack_format<interleaved>, positions = array<i32: 0, 1>} : vector<16xf32>, vector<16xf32> -> vector<32xbf16>
    %get3A_21 = arith.constant 64 : index
    %get3A_22 = tpu.vector_load %arg13[%get3A_21] {strides = array<i32>} : memref<80xf32, #tpu.memory_space<vmem>>, vector<16xf32>,
    %iota3A = tpu.iota {dimensions = array<i32: 0>} : vector<16xi32>
    %mul3A_23 = arith.constant 16 : i32
    %mul3A_24 = vector.broadcast %mul3A_23 : i32 to vector<16xi32>
    %mul3A_25 = arith.muli %iota3A, %mul3A_24 : vector<16xi32>
    %add3A_26 = arith.constant 0 : i32
    %add3A_27 = vector.broadcast %add3A_26 : i32 to vector<16xi32>
    %add3A_28 = arith.addi %mul3A_25, %add3A_27 : vector<16xi32>
    %iota3A_29 = tpu.iota {dimensions = array<i32: 0>} : vector<16xi32>
    %mul3A_30 = arith.constant 16 : i32
    %mul3A_31 = vector.broadcast %mul3A_30 : i32 to vector<16xi32>
    %mul3A_32 = arith.muli %iota3A_29, %mul3A_31 : vector<16xi32>
    %add3A_33 = arith.constant 1 : i32
    %add3A_34 = vector.broadcast %add3A_33 : i32 to vector<16xi32>
    %add3A_35 = arith.addi %mul3A_32, %add3A_34 : vector<16xi32>
    %iota3A_36 = tpu.iota {dimensions = array<i32: 0>} : vector<16xi32>
    %mul3A_37 = arith.constant 16 : i32
    %mul3A_38 = vector.broadcast %mul3A_37 : i32 to vector<16xi32>
    %mul3A_39 = arith.muli %iota3A_36, %mul3A_38 : vector<16xi32>
    %add3A_40 = arith.constant 2 : i32
    %add3A_41 = vector.broadcast %add3A_40 : i32 to vector<16xi32>
    %add3A_42 = arith.addi %mul3A_39, %add3A_41 : vector<16xi32>
    %iota3A_43 = tpu.iota {dimensions = array<i32: 0>} : vector<16xi32>
    %mul3A_44 = arith.constant 16 : i32
    %mul3A_45 = vector.broadcast %mul3A_44 : i32 to vector<16xi32>
    %mul3A_46 = arith.muli %iota3A_43, %mul3A_45 : vector<16xi32>
    %add3A_47 = arith.constant 3 : i32
    %add3A_48 = vector.broadcast %add3A_47 : i32 to vector<16xi32>
    %add3A_49 = arith.addi %mul3A_46, %add3A_48 : vector<16xi32>
    %iota3A_50 = tpu.iota {dimensions = array<i32: 0>} : vector<16xi32>
    %mul3A_51 = arith.constant 16 : i32
    %mul3A_52 = vector.broadcast %mul3A_51 : i32 to vector<16xi32>
    %mul3A_53 = arith.muli %iota3A_50, %mul3A_52 : vector<16xi32>
    %add3A_54 = arith.constant 4 : i32
    %add3A_55 = vector.broadcast %add3A_54 : i32 to vector<16xi32>
    %add3A_56 = arith.addi %mul3A_53, %add3A_55 : vector<16xi32>
    %iota3A_57 = tpu.iota {dimensions = array<i32: 0>} : vector<16xi32>
    %mul3A_58 = arith.constant 16 : i32
    %mul3A_59 = vector.broadcast %mul3A_58 : i32 to vector<16xi32>
    %mul3A_60 = arith.muli %iota3A_57, %mul3A_59 : vector<16xi32>
    %add3A_61 = arith.constant 5 : i32
    %add3A_62 = vector.broadcast %add3A_61 : i32 to vector<16xi32>
    %add3A_63 = arith.addi %mul3A_60, %add3A_62 : vector<16xi32>
    %iota3A_64 = tpu.iota {dimensions = array<i32: 0>} : vector<16xi32>
    %mul3A_65 = arith.constant 16 : i32
    %mul3A_66 = vector.broadcast %mul3A_65 : i32 to vector<16xi32>
    %mul3A_67 = arith.muli %iota3A_64, %mul3A_66 : vector<16xi32>
    %add3A_68 = arith.constant 6 : i32
    %add3A_69 = vector.broadcast %add3A_68 : i32 to vector<16xi32>
    %add3A_70 = arith.addi %mul3A_67, %add3A_69 : vector<16xi32>
    %iota3A_71 = tpu.iota {dimensions = array<i32: 0>} : vector<16xi32>
    %mul3A_72 = arith.constant 16 : i32
    %mul3A_73 = vector.broadcast %mul3A_72 : i32 to vector<16xi32>
    %mul3A_74 = arith.muli %iota3A_71, %mul3A_73 : vector<16xi32>
    %add3A_75 = arith.constant 7 : i32
    %add3A_76 = vector.broadcast %add3A_75 : i32 to vector<16xi32>
    %add3A_77 = arith.addi %mul3A_74, %add3A_76 : vector<16xi32>
    %iota3A_78 = tpu.iota {dimensions = array<i32: 0>} : vector<16xi32>
    %mul3A_79 = arith.constant 16 : i32
    %mul3A_80 = vector.broadcast %mul3A_79 : i32 to vector<16xi32>
    %mul3A_81 = arith.muli %iota3A_78, %mul3A_80 : vector<16xi32>
    %add3A_82 = arith.constant 8 : i32
    %add3A_83 = vector.broadcast %add3A_82 : i32 to vector<16xi32>
    %add3A_84 = arith.addi %mul3A_81, %add3A_83 : vector<16xi32>
    %iota3A_85 = tpu.iota {dimensions = array<i32: 0>} : vector<16xi32>
    %mul3A_86 = arith.constant 16 : i32
    %mul3A_87 = vector.broadcast %mul3A_86 : i32 to vector<16xi32>
    %mul3A_88 = arith.muli %iota3A_85, %mul3A_87 : vector<16xi32>
    %add3A_89 = arith.constant 9 : i32
    %add3A_90 = vector.broadcast %add3A_89 : i32 to vector<16xi32>
    %add3A_91 = arith.addi %mul3A_88, %add3A_90 : vector<16xi32>
    %iota3A_92 = tpu.iota {dimensions = array<i32: 0>} : vector<16xi32>
    %mul3A_93 = arith.constant 16 : i32
    %mul3A_94 = vector.broadcast %mul3A_93 : i32 to vector<16xi32>
    %mul3A_95 = arith.muli %iota3A_92, %mul3A_94 : vector<16xi32>
    %add3A_96 = arith.constant 10 : i32
    %add3A_97 = vector.broadcast %add3A_96 : i32 to vector<16xi32>
    %add3A_98 = arith.addi %mul3A_95, %add3A_97 : vector<16xi32>
    %iota3A_99 = tpu.iota {dimensions = array<i32: 0>} : vector<16xi32>
    %mul3A_100 = arith.constant 16 : i32
    %mul3A_101 = vector.broadcast %mul3A_100 : i32 to vector<16xi32>
    %mul3A_102 = arith.muli %iota3A_99, %mul3A_101 : vector<16xi32>
    %add3A_103 = arith.constant 11 : i32
    %add3A_104 = vector.broadcast %add3A_103 : i32 to vector<16xi32>
    %add3A_105 = arith.addi %mul3A_102, %add3A_104 : vector<16xi32>
    %iota3A_106 = tpu.iota {dimensions = array<i32: 0>} : vector<16xi32>
    %mul3A_107 = arith.constant 16 : i32
    %mul3A_108 = vector.broadcast %mul3A_107 : i32 to vector<16xi32>
    %mul3A_109 = arith.muli %iota3A_106, %mul3A_108 : vector<16xi32>
    %add3A_110 = arith.constant 12 : i32
    %add3A_111 = vector.broadcast %add3A_110 : i32 to vector<16xi32>
    %add3A_112 = arith.addi %mul3A_109, %add3A_111 : vector<16xi32>
    %iota3A_113 = tpu.iota {dimensions = array<i32: 0>} : vector<16xi32>
    %mul3A_114 = arith.constant 16 : i32
    %mul3A_115 = vector.broadcast %mul3A_114 : i32 to vector<16xi32>
    %mul3A_116 = arith.muli %iota3A_113, %mul3A_115 : vector<16xi32>
    %add3A_117 = arith.constant 13 : i32
    %add3A_118 = vector.broadcast %add3A_117 : i32 to vector<16xi32>
    %add3A_119 = arith.addi %mul3A_116, %add3A_118 : vector<16xi32>
    %iota3A_120 = tpu.iota {dimensions = array<i32: 0>} : vector<16xi32>
    %mul3A_121 = arith.constant 16 : i32
    %mul3A_122 = vector.broadcast %mul3A_121 : i32 to vector<16xi32>
    %mul3A_123 = arith.muli %iota3A_120, %mul3A_122 : vector<16xi32>
    %add3A_124 = arith.constant 14 : i32
    %add3A_125 = vector.broadcast %add3A_124 : i32 to vector<16xi32>
    %add3A_126 = arith.addi %mul3A_123, %add3A_125 : vector<16xi32>
    %iota3A_127 = tpu.iota {dimensions = array<i32: 0>} : vector<16xi32>
    %mul3A_128 = arith.constant 16 : i32
    %mul3A_129 = vector.broadcast %mul3A_128 : i32 to vector<16xi32>
    %mul3A_130 = arith.muli %iota3A_127, %mul3A_129 : vector<16xi32>
    %add3A_131 = arith.constant 15 : i32
    %add3A_132 = vector.broadcast %add3A_131 : i32 to vector<16xi32>
    %add3A_133 = arith.addi %mul3A_130, %add3A_132 : vector<16xi32>
    %dma_start3A = arith.constant 0 : i32
    %dma_start3A_134 = arith.constant 0 : i32
    %dma_start3A_135 = arith.constant 0 : i32
    %dma_start3A_136 = arith.constant 0 : i32
    %dma_start3A_137 = tpu.memref_slice %arg10[%dma_start3A, %dma_start3A_135, %dma_start3A_136] : memref<2x400x64xbf16, #tpu.memory_space<vmem>> -> memref<1x80x64xbf16, #tpu.memory_space<vmem>>
    %dma_start3A_138 = tpu.memref_squeeze %dma_start3A_137 : memref<1x80x64xbf16, #tpu.memory_space<vmem>> -> memref<80x64xbf16, #tpu.memory_space<vmem>>
    %dma_start3A_139 = arith.constant 0 : i32
    %dma_start3A_140 = tpu.memref_slice %arg8[%dma_start3A_139] : memref<10000xi32, #tpu.memory_space<vmem>> -> memref<80xi32, #tpu.memory_space<vmem>>
    %dma_start3A_141 = arith.constant 0 : i32
    %dma_start3A_142 = arith.constant 0 : i32
    %dma_start3A_143 = tpu.memref_slice %arg15[%dma_start3A_141, %dma_start3A_142] : memref<10000x64xbf16, #tpu.memory_space<vmem_shared>> -> memref<10000x64xbf16, #tpu.memory_space<vmem_shared>>
    %dma_start3A_144 = tpu.memref_slice %arg17[%dma_start3A_134] : memref<2x!tpu.dma_semaphore, #tpu.memory_space<semaphore_mem>> -> memref<1x!tpu.dma_semaphore, #tpu.memory_space<semaphore_mem>>
    %dma_start3A_145 = tpu.memref_squeeze %dma_start3A_144 : memref<1x!tpu.dma_semaphore, #tpu.memory_space<semaphore_mem>> -> memref<!tpu.dma_semaphore, #tpu.memory_space<semaphore_mem>>
    tpu.enqueue_indirect_dma source(%dma_start3A_143 : memref<10000x64xbf16, #tpu.memory_space<vmem_shared>>) target(%dma_start3A_138 : memref<80x64xbf16, #tpu.memory_space<vmem>>) offsets(%dma_start3A_140 : memref<80xi32, #tpu.memory_space<vmem>>) semaphore(%dma_start3A_145 : memref<!tpu.dma_semaphore, #tpu.memory_space<semaphore_mem>>)
    %dma_start3A_146 = arith.constant 0 : i32
    %dma_start3A_147 = arith.constant 0 : i32
    %dma_start3A_148 = arith.constant 0 : i32
    %dma_start3A_149 = arith.constant 0 : i32
    %dma_start3A_150 = tpu.memref_slice %arg11[%dma_start3A_146, %dma_start3A_148, %dma_start3A_149] : memref<2x400x64xbf16, #tpu.memory_space<vmem>> -> memref<1x80x64xbf16, #tpu.memory_space<vmem>>
    %dma_start3A_151 = tpu.memref_squeeze %dma_start3A_150 : memref<1x80x64xbf16, #tpu.memory_space<vmem>> -> memref<80x64xbf16, #tpu.memory_space<vmem>>
    %dma_start3A_152 = arith.constant 0 : i32
    %dma_start3A_153 = tpu.memref_slice %arg9[%dma_start3A_152] : memref<10000xi32, #tpu.memory_space<vmem>> -> memref<80xi32, #tpu.memory_space<vmem>>
    %dma_start3A_154 = arith.constant 0 : i32
    %dma_start3A_155 = arith.constant 0 : i32
    %dma_start3A_156 = tpu.memref_slice %arg16[%dma_start3A_154, %dma_start3A_155] : memref<10000x64xbf16, #tpu.memory_space<vmem_shared>> -> memref<10000x64xbf16, #tpu.memory_space<vmem_shared>>
    %dma_start3A_157 = tpu.memref_slice %arg17[%dma_start3A_147] : memref<2x!tpu.dma_semaphore, #tpu.memory_space<semaphore_mem>> -> memref<1x!tpu.dma_semaphore, #tpu.memory_space<semaphore_mem>>
    %dma_start3A_158 = tpu.memref_squeeze %dma_start3A_157 : memref<1x!tpu.dma_semaphore, #tpu.memory_space<semaphore_mem>> -> memref<!tpu.dma_semaphore, #tpu.memory_space<semaphore_mem>>
    tpu.enqueue_indirect_dma source(%dma_start3A_156 : memref<10000x64xbf16, #tpu.memory_space<vmem_shared>>) target(%dma_start3A_151 : memref<80x64xbf16, #tpu.memory_space<vmem>>) offsets(%dma_start3A_153 : memref<80xi32, #tpu.memory_space<vmem>>) semaphore(%dma_start3A_158 : memref<!tpu.dma_semaphore, #tpu.memory_space<semaphore_mem>>)
    %dma_start3A_159 = arith.constant 0 : i32
    %dma_start3A_160 = arith.constant 0 : i32
    %dma_start3A_161 = arith.constant 80 : i32
    %dma_start3A_162 = arith.constant 0 : i32
    %dma_start3A_163 = tpu.memref_slice %arg10[%dma_start3A_159, %dma_start3A_161, %dma_start3A_162] : memref<2x400x64xbf16, #tpu.memory_space<vmem>> -> memref<1x80x64xbf16, #tpu.memory_space<vmem>>
    %dma_start3A_164 = tpu.memref_squeeze %dma_start3A_163 : memref<1x80x64xbf16, #tpu.memory_space<vmem>> -> memref<80x64xbf16, #tpu.memory_space<vmem>>
    %dma_start3A_165 = arith.constant 80 : i32
    %dma_start3A_166 = tpu.memref_slice %arg8[%dma_start3A_165] : memref<10000xi32, #tpu.memory_space<vmem>> -> memref<80xi32, #tpu.memory_space<vmem>>
    %dma_start3A_167 = arith.constant 0 : i32
    %dma_start3A_168 = arith.constant 0 : i32
    %dma_start3A_169 = tpu.memref_slice %arg15[%dma_start3A_167, %dma_start3A_168] : memref<10000x64xbf16, #tpu.memory_space<vmem_shared>> -> memref<10000x64xbf16, #tpu.memory_space<vmem_shared>>
    %dma_start3A_170 = tpu.memref_slice %arg17[%dma_start3A_160] : memref<2x!tpu.dma_semaphore, #tpu.memory_space<semaphore_mem>> -> memref<1x!tpu.dma_semaphore, #tpu.memory_space<semaphore_mem>>
    %dma_start3A_171 = tpu.memref_squeeze %dma_start3A_170 : memref<1x!tpu.dma_semaphore, #tpu.memory_space<semaphore_mem>> -> memref<!tpu.dma_semaphore, #tpu.memory_space<semaphore_mem>>
    tpu.enqueue_indirect_dma source(%dma_start3A_169 : memref<10000x64xbf16, #tpu.memory_space<vmem_shared>>) target(%dma_start3A_164 : memref<80x64xbf16, #tpu.memory_space<vmem>>) offsets(%dma_start3A_166 : memref<80xi32, #tpu.memory_space<vmem>>) semaphore(%dma_start3A_171 : memref<!tpu.dma_semaphore, #tpu.memory_space<semaphore_mem>>)
    %dma_start3A_172 = arith.constant 0 : i32
    %dma_start3A_173 = arith.constant 0 : i32
    %dma_start3A_174 = arith.constant 80 : i32
    %dma_start3A_175 = arith.constant 0 : i32
    %dma_start3A_176 = tpu.memref_slice %arg11[%dma_start3A_172, %dma_start3A_174, %dma_start3A_175] : memref<2x400x64xbf16, #tpu.memory_space<vmem>> -> memref<1x80x64xbf16, #tpu.memory_space<vmem>>
    %dma_start3A_177 = tpu.memref_squeeze %dma_start3A_176 : memref<1x80x64xbf16, #tpu.memory_space<vmem>> -> memref<80x64xbf16, #tpu.memory_space<vmem>>
    %dma_start3A_178 = arith.constant 80 : i32
    %dma_start3A_179 = tpu.memref_slice %arg9[%dma_start3A_178] : memref<10000xi32, #tpu.memory_space<vmem>> -> memref<80xi32, #tpu.memory_space<vmem>>
    %dma_start3A_180 = arith.constant 0 : i32
    %dma_start3A_181 = arith.constant 0 : i32
    %dma_start3A_182 = tpu.memref_slice %arg16[%dma_start3A_180, %dma_start3A_181] : memref<10000x64xbf16, #tpu.memory_space<vmem_shared>> -> memref<10000x64xbf16, #tpu.memory_space<vmem_shared>>
    %dma_start3A_183 = tpu.memref_slice %arg17[%dma_start3A_173] : memref<2x!tpu.dma_semaphore, #tpu.memory_space<semaphore_mem>> -> memref<1x!tpu.dma_semaphore, #tpu.memory_space<semaphore_mem>>
    %dma_start3A_184 = tpu.memref_squeeze %dma_start3A_183 : memref<1x!tpu.dma_semaphore, #tpu.memory_space<semaphore_mem>> -> memref<!tpu.dma_semaphore, #tpu.memory_space<semaphore_mem>>
    tpu.enqueue_indirect_dma source(%dma_start3A_182 : memref<10000x64xbf16, #tpu.memory_space<vmem_shared>>) target(%dma_start3A_177 : memref<80x64xbf16, #tpu.memory_space<vmem>>) offsets(%dma_start3A_179 : memref<80xi32, #tpu.memory_space<vmem>>) semaphore(%dma_start3A_184 : memref<!tpu.dma_semaphore, #tpu.memory_space<semaphore_mem>>)
    %dma_start3A_185 = arith.constant 0 : i32
    %dma_start3A_186 = arith.constant 0 : i32
    %dma_start3A_187 = arith.constant 160 : i32
    %dma_start3A_188 = arith.constant 0 : i32
    %dma_start3A_189 = tpu.memref_slice %arg10[%dma_start3A_185, %dma_start3A_187, %dma_start3A_188] : memref<2x400x64xbf16, #tpu.memory_space<vmem>> -> memref<1x80x64xbf16, #tpu.memory_space<vmem>>
    %dma_start3A_190 = tpu.memref_squeeze %dma_start3A_189 : memref<1x80x64xbf16, #tpu.memory_space<vmem>> -> memref<80x64xbf16, #tpu.memory_space<vmem>>
    %dma_start3A_191 = arith.constant 160 : i32
    %dma_start3A_192 = tpu.memref_slice %arg8[%dma_start3A_191] : memref<10000xi32, #tpu.memory_space<vmem>> -> memref<80xi32, #tpu.memory_space<vmem>>
    %dma_start3A_193 = arith.constant 0 : i32
    %dma_start3A_194 = arith.constant 0 : i32
    %dma_start3A_195 = tpu.memref_slice %arg15[%dma_start3A_193, %dma_start3A_194] : memref<10000x64xbf16, #tpu.memory_space<vmem_shared>> -> memref<10000x64xbf16, #tpu.memory_space<vmem_shared>>
    %dma_start3A_196 = tpu.memref_slice %arg17[%dma_start3A_186] : memref<2x!tpu.dma_semaphore, #tpu.memory_space<semaphore_mem>> -> memref<1x!tpu.dma_semaphore, #tpu.memory_space<semaphore_mem>>
    %dma_start3A_197 = tpu.memref_squeeze %dma_start3A_196 : memref<1x!tpu.dma_semaphore, #tpu.memory_space<semaphore_mem>> -> memref<!tpu.dma_semaphore, #tpu.memory_space<semaphore_mem>>
    tpu.enqueue_indirect_dma source(%dma_start3A_195 : memref<10000x64xbf16, #tpu.memory_space<vmem_shared>>) target(%dma_start3A_190 : memref<80x64xbf16, #tpu.memory_space<vmem>>) offsets(%dma_start3A_192 : memref<80xi32, #tpu.memory_space<vmem>>) semaphore(%dma_start3A_197 : memref<!tpu.dma_semaphore, #tpu.memory_space<semaphore_mem>>)
    %dma_start3A_198 = arith.constant 0 : i32
    %dma_start3A_199 = arith.constant 0 : i32
    %dma_start3A_200 = arith.constant 160 : i32
    %dma_start3A_201 = arith.constant 0 : i32
    %dma_start3A_202 = tpu.memref_slice %arg11[%dma_start3A_198, %dma_start3A_200, %dma_start3A_201] : memref<2x400x64xbf16, #tpu.memory_space<vmem>> -> memref<1x80x64xbf16, #tpu.memory_space<vmem>>
    %dma_start3A_203 = tpu.memref_squeeze %dma_start3A_202 : memref<1x80x64xbf16, #tpu.memory_space<vmem>> -> memref<80x64xbf16, #tpu.memory_space<vmem>>
    %dma_start3A_204 = arith.constant 160 : i32
    %dma_start3A_205 = tpu.memref_slice %arg9[%dma_start3A_204] : memref<10000xi32, #tpu.memory_space<vmem>> -> memref<80xi32, #tpu.memory_space<vmem>>
    %dma_start3A_206 = arith.constant 0 : i32
    %dma_start3A_207 = arith.constant 0 : i32
    %dma_start3A_208 = tpu.memref_slice %arg16[%dma_start3A_206, %dma_start3A_207] : memref<10000x64xbf16, #tpu.memory_space<vmem_shared>> -> memref<10000x64xbf16, #tpu.memory_space<vmem_shared>>
    %dma_start3A_209 = tpu.memref_slice %arg17[%dma_start3A_199] : memref<2x!tpu.dma_semaphore, #tpu.memory_space<semaphore_mem>> -> memref<1x!tpu.dma_semaphore, #tpu.memory_space<semaphore_mem>>
    %dma_start3A_210 = tpu.memref_squeeze %dma_start3A_209 : memref<1x!tpu.dma_semaphore, #tpu.memory_space<semaphore_mem>> -> memref<!tpu.dma_semaphore, #tpu.memory_space<semaphore_mem>>
    tpu.enqueue_indirect_dma source(%dma_start3A_208 : memref<10000x64xbf16, #tpu.memory_space<vmem_shared>>) target(%dma_start3A_203 : memref<80x64xbf16, #tpu.memory_space<vmem>>) offsets(%dma_start3A_205 : memref<80xi32, #tpu.memory_space<vmem>>) semaphore(%dma_start3A_210 : memref<!tpu.dma_semaphore, #tpu.memory_space<semaphore_mem>>)
    %dma_start3A_211 = arith.constant 0 : i32
    %dma_start3A_212 = arith.constant 0 : i32
    %dma_start3A_213 = arith.constant 240 : i32
    %dma_start3A_214 = arith.constant 0 : i32
    %dma_start3A_215 = tpu.memref_slice %arg10[%dma_start3A_211, %dma_start3A_213, %dma_start3A_214] : memref<2x400x64xbf16, #tpu.memory_space<vmem>> -> memref<1x80x64xbf16, #tpu.memory_space<vmem>>
    %dma_start3A_216 = tpu.memref_squeeze %dma_start3A_215 : memref<1x80x64xbf16, #tpu.memory_space<vmem>> -> memref<80x64xbf16, #tpu.memory_space<vmem>>
    %dma_start3A_217 = arith.constant 240 : i32
    %dma_start3A_218 = tpu.memref_slice %arg8[%dma_start3A_217] : memref<10000xi32, #tpu.memory_space<vmem>> -> memref<80xi32, #tpu.memory_space<vmem>>
    %dma_start3A_219 = arith.constant 0 : i32
    %dma_start3A_220 = arith.constant 0 : i32
    %dma_start3A_221 = tpu.memref_slice %arg15[%dma_start3A_219, %dma_start3A_220] : memref<10000x64xbf16, #tpu.memory_space<vmem_shared>> -> memref<10000x64xbf16, #tpu.memory_space<vmem_shared>>
    %dma_start3A_222 = tpu.memref_slice %arg17[%dma_start3A_212] : memref<2x!tpu.dma_semaphore, #tpu.memory_space<semaphore_mem>> -> memref<1x!tpu.dma_semaphore, #tpu.memory_space<semaphore_mem>>
    %dma_start3A_223 = tpu.memref_squeeze %dma_start3A_222 : memref<1x!tpu.dma_semaphore, #tpu.memory_space<semaphore_mem>> -> memref<!tpu.dma_semaphore, #tpu.memory_space<semaphore_mem>>
    tpu.enqueue_indirect_dma source(%dma_start3A_221 : memref<10000x64xbf16, #tpu.memory_space<vmem_shared>>) target(%dma_start3A_216 : memref<80x64xbf16, #tpu.memory_space<vmem>>) offsets(%dma_start3A_218 : memref<80xi32, #tpu.memory_space<vmem>>) semaphore(%dma_start3A_223 : memref<!tpu.dma_semaphore, #tpu.memory_space<semaphore_mem>>)
    %dma_start3A_224 = arith.constant 0 : i32
    %dma_start3A_225 = arith.constant 0 : i32
    %dma_start3A_226 = arith.constant 240 : i32
    %dma_start3A_227 = arith.constant 0 : i32
    %dma_start3A_228 = tpu.memref_slice %arg11[%dma_start3A_224, %dma_start3A_226, %dma_start3A_227] : memref<2x400x64xbf16, #tpu.memory_space<vmem>> -> memref<1x80x64xbf16, #tpu.memory_space<vmem>>
    %dma_start3A_229 = tpu.memref_squeeze %dma_start3A_228 : memref<1x80x64xbf16, #tpu.memory_space<vmem>> -> memref<80x64xbf16, #tpu.memory_space<vmem>>
    %dma_start3A_230 = arith.constant 240 : i32
    %dma_start3A_231 = tpu.memref_slice %arg9[%dma_start3A_230] : memref<10000xi32, #tpu.memory_space<vmem>> -> memref<80xi32, #tpu.memory_space<vmem>>
    %dma_start3A_232 = arith.constant 0 : i32
    %dma_start3A_233 = arith.constant 0 : i32
    %dma_start3A_234 = tpu.memref_slice %arg16[%dma_start3A_232, %dma_start3A_233] : memref<10000x64xbf16, #tpu.memory_space<vmem_shared>> -> memref<10000x64xbf16, #tpu.memory_space<vmem_shared>>
    %dma_start3A_235 = tpu.memref_slice %arg17[%dma_start3A_225] : memref<2x!tpu.dma_semaphore, #tpu.memory_space<semaphore_mem>> -> memref<1x!tpu.dma_semaphore, #tpu.memory_space<semaphore_mem>>
    %dma_start3A_236 = tpu.memref_squeeze %dma_start3A_235 : memref<1x!tpu.dma_semaphore, #tpu.memory_space<semaphore_mem>> -> memref<!tpu.dma_semaphore, #tpu.memory_space<semaphore_mem>>
    tpu.enqueue_indirect_dma source(%dma_start3A_234 : memref<10000x64xbf16, #tpu.memory_space<vmem_shared>>) target(%dma_start3A_229 : memref<80x64xbf16, #tpu.memory_space<vmem>>) offsets(%dma_start3A_231 : memref<80xi32, #tpu.memory_space<vmem>>) semaphore(%dma_start3A_236 : memref<!tpu.dma_semaphore, #tpu.memory_space<semaphore_mem>>)
    %dma_start3A_237 = arith.constant 0 : i32
    %dma_start3A_238 = arith.constant 0 : i32
    %dma_start3A_239 = arith.constant 320 : i32
    %dma_start3A_240 = arith.constant 0 : i32
    %dma_start3A_241 = tpu.memref_slice %arg10[%dma_start3A_237, %dma_start3A_239, %dma_start3A_240] : memref<2x400x64xbf16, #tpu.memory_space<vmem>> -> memref<1x80x64xbf16, #tpu.memory_space<vmem>>
    %dma_start3A_242 = tpu.memref_squeeze %dma_start3A_241 : memref<1x80x64xbf16, #tpu.memory_space<vmem>> -> memref<80x64xbf16, #tpu.memory_space<vmem>>
    %dma_start3A_243 = arith.constant 320 : i32
    %dma_start3A_244 = tpu.memref_slice %arg8[%dma_start3A_243] : memref<10000xi32, #tpu.memory_space<vmem>> -> memref<80xi32, #tpu.memory_space<vmem>>
    %dma_start3A_245 = arith.constant 0 : i32
    %dma_start3A_246 = arith.constant 0 : i32
    %dma_start3A_247 = tpu.memref_slice %arg15[%dma_start3A_245, %dma_start3A_246] : memref<10000x64xbf16, #tpu.memory_space<vmem_shared>> -> memref<10000x64xbf16, #tpu.memory_space<vmem_shared>>
    %dma_start3A_248 = tpu.memref_slice %arg17[%dma_start3A_238] : memref<2x!tpu.dma_semaphore, #tpu.memory_space<semaphore_mem>> -> memref<1x!tpu.dma_semaphore, #tpu.memory_space<semaphore_mem>>
    %dma_start3A_249 = tpu.memref_squeeze %dma_start3A_248 : memref<1x!tpu.dma_semaphore, #tpu.memory_space<semaphore_mem>> -> memref<!tpu.dma_semaphore, #tpu.memory_space<semaphore_mem>>
    tpu.enqueue_indirect_dma source(%dma_start3A_247 : memref<10000x64xbf16, #tpu.memory_space<vmem_shared>>) target(%dma_start3A_242 : memref<80x64xbf16, #tpu.memory_space<vmem>>) offsets(%dma_start3A_244 : memref<80xi32, #tpu.memory_space<vmem>>) semaphore(%dma_start3A_249 : memref<!tpu.dma_semaphore, #tpu.memory_space<semaphore_mem>>)
    %dma_start3A_250 = arith.constant 0 : i32
    %dma_start3A_251 = arith.constant 0 : i32
    %dma_start3A_252 = arith.constant 320 : i32
    %dma_start3A_253 = arith.constant 0 : i32
    %dma_start3A_254 = tpu.memref_slice %arg11[%dma_start3A_250, %dma_start3A_252, %dma_start3A_253] : memref<2x400x64xbf16, #tpu.memory_space<vmem>> -> memref<1x80x64xbf16, #tpu.memory_space<vmem>>
    %dma_start3A_255 = tpu.memref_squeeze %dma_start3A_254 : memref<1x80x64xbf16, #tpu.memory_space<vmem>> -> memref<80x64xbf16, #tpu.memory_space<vmem>>
    %dma_start3A_256 = arith.constant 320 : i32
    %dma_start3A_257 = tpu.memref_slice %arg9[%dma_start3A_256] : memref<10000xi32, #tpu.memory_space<vmem>> -> memref<80xi32, #tpu.memory_space<vmem>>
    %dma_start3A_258 = arith.constant 0 : i32
    %dma_start3A_259 = arith.constant 0 : i32
    %dma_start3A_260 = tpu.memref_slice %arg16[%dma_start3A_258, %dma_start3A_259] : memref<10000x64xbf16, #tpu.memory_space<vmem_shared>> -> memref<10000x64xbf16, #tpu.memory_space<vmem_shared>>
    %dma_start3A_261 = tpu.memref_slice %arg17[%dma_start3A_251] : memref<2x!tpu.dma_semaphore, #tpu.memory_space<semaphore_mem>> -> memref<1x!tpu.dma_semaphore, #tpu.memory_space<semaphore_mem>>
    %dma_start3A_262 = tpu.memref_squeeze %dma_start3A_261 : memref<1x!tpu.dma_semaphore, #tpu.memory_space<semaphore_mem>> -> memref<!tpu.dma_semaphore, #tpu.memory_space<semaphore_mem>>
    tpu.enqueue_indirect_dma source(%dma_start3A_260 : memref<10000x64xbf16, #tpu.memory_space<vmem_shared>>) target(%dma_start3A_255 : memref<80x64xbf16, #tpu.memory_space<vmem>>) offsets(%dma_start3A_257 : memref<80xi32, #tpu.memory_space<vmem>>) semaphore(%dma_start3A_262 : memref<!tpu.dma_semaphore, #tpu.memory_space<semaphore_mem>>)
    %scan3A = arith.constant 0 : i32
    %scan3A_263 = arith.constant 0 : i32
    %scan3A_264 = arith.constant 13 : i32
    %scan3A_265 = arith.addi %scan3A_263, %scan3A_264 : i32
    %scan3A_266 = arith.constant 1 : i32
    scf.for %scan3A_295 = %scan3A_263 to %scan3A_265 step %scan3A_266  : i32 {
      %mul3A_296 = arith.constant 2 : i32
      %mul3A_297 = arith.muli %mul3A_296, %scan3A_295 : i32
      %add3A_298 = arith.constant 1 : i32
      %add3A_299 = arith.addi %mul3A_297, %add3A_298 : i32
      %min3A = arith.constant 24 : i32
      %min3A_300 = arith.minsi %add3A_299, %min3A : i32
      %mul3A_301 = arith.constant 400 : i32
      %mul3A_302 = arith.muli %min3A_300, %mul3A_301 : i32
      %add3A_303 = arith.constant 0 : i32
      %add3A_304 = arith.addi %mul3A_302, %add3A_303 : i32
      %dma_start3A_305 = arith.constant 1 : i32
      %dma_start3A_306 = arith.constant 1 : i32
      %dma_start3A_307 = arith.constant 0 : i32
      %dma_start3A_308 = arith.constant 0 : i32
      %dma_start3A_309 = tpu.memref_slice %arg10[%dma_start3A_305, %dma_start3A_307, %dma_start3A_308] : memref<2x400x64xbf16, #tpu.memory_space<vmem>> -> memref<1x80x64xbf16, #tpu.memory_space<vmem>>
      %dma_start3A_310 = tpu.memref_squeeze %dma_start3A_309 : memref<1x80x64xbf16, #tpu.memory_space<vmem>> -> memref<80x64xbf16, #tpu.memory_space<vmem>>
      %dma_start3A_311 = tpu.memref_slice %arg8[%add3A_304] : memref<10000xi32, #tpu.memory_space<vmem>> -> memref<80xi32, #tpu.memory_space<vmem>>
      %dma_start3A_312 = arith.constant 0 : i32
      %dma_start3A_313 = arith.constant 0 : i32
      %dma_start3A_314 = tpu.memref_slice %arg15[%dma_start3A_312, %dma_start3A_313] : memref<10000x64xbf16, #tpu.memory_space<vmem_shared>> -> memref<10000x64xbf16, #tpu.memory_space<vmem_shared>>
      %dma_start3A_315 = tpu.memref_slice %arg17[%dma_start3A_306] : memref<2x!tpu.dma_semaphore, #tpu.memory_space<semaphore_mem>> -> memref<1x!tpu.dma_semaphore, #tpu.memory_space<semaphore_mem>>
      %dma_start3A_316 = tpu.memref_squeeze %dma_start3A_315 : memref<1x!tpu.dma_semaphore, #tpu.memory_space<semaphore_mem>> -> memref<!tpu.dma_semaphore, #tpu.memory_space<semaphore_mem>>
      tpu.enqueue_indirect_dma source(%dma_start3A_314 : memref<10000x64xbf16, #tpu.memory_space<vmem_shared>>) target(%dma_start3A_310 : memref<80x64xbf16, #tpu.memory_space<vmem>>) offsets(%dma_start3A_311 : memref<80xi32, #tpu.memory_space<vmem>>) semaphore(%dma_start3A_316 : memref<!tpu.dma_semaphore, #tpu.memory_space<semaphore_mem>>)
      %dma_start3A_317 = arith.constant 1 : i32
      %dma_start3A_318 = arith.constant 1 : i32
      %dma_start3A_319 = arith.constant 0 : i32
      %dma_start3A_320 = arith.constant 0 : i32
      %dma_start3A_321 = tpu.memref_slice %arg11[%dma_start3A_317, %dma_start3A_319, %dma_start3A_320] : memref<2x400x64xbf16, #tpu.memory_space<vmem>> -> memref<1x80x64xbf16, #tpu.memory_space<vmem>>
      %dma_start3A_322 = tpu.memref_squeeze %dma_start3A_321 : memref<1x80x64xbf16, #tpu.memory_space<vmem>> -> memref<80x64xbf16, #tpu.memory_space<vmem>>
      %dma_start3A_323 = tpu.memref_slice %arg9[%add3A_304] : memref<10000xi32, #tpu.memory_space<vmem>> -> memref<80xi32, #tpu.memory_space<vmem>>
      %dma_start3A_324 = arith.constant 0 : i32
      %dma_start3A_325 = arith.constant 0 : i32
      %dma_start3A_326 = tpu.memref_slice %arg16[%dma_start3A_324, %dma_start3A_325] : memref<10000x64xbf16, #tpu.memory_space<vmem_shared>> -> memref<10000x64xbf16, #tpu.memory_space<vmem_shared>>
      %dma_start3A_327 = tpu.memref_slice %arg17[%dma_start3A_318] : memref<2x!tpu.dma_semaphore, #tpu.memory_space<semaphore_mem>> -> memref<1x!tpu.dma_semaphore, #tpu.memory_space<semaphore_mem>>
      %dma_start3A_328 = tpu.memref_squeeze %dma_start3A_327 : memref<1x!tpu.dma_semaphore, #tpu.memory_space<semaphore_mem>> -> memref<!tpu.dma_semaphore, #tpu.memory_space<semaphore_mem>>
      tpu.enqueue_indirect_dma source(%dma_start3A_326 : memref<10000x64xbf16, #tpu.memory_space<vmem_shared>>) target(%dma_start3A_322 : memref<80x64xbf16, #tpu.memory_space<vmem>>) offsets(%dma_start3A_323 : memref<80xi32, #tpu.memory_space<vmem>>) semaphore(%dma_start3A_328 : memref<!tpu.dma_semaphore, #tpu.memory_space<semaphore_mem>>)
      %mul3A_329 = arith.constant 400 : i32
      %mul3A_330 = arith.muli %min3A_300, %mul3A_329 : i32
      %add3A_331 = arith.constant 80 : i32
      %add3A_332 = arith.addi %mul3A_330, %add3A_331 : i32
      %dma_start3A_333 = arith.constant 1 : i32
      %dma_start3A_334 = arith.constant 1 : i32
      %dma_start3A_335 = arith.constant 80 : i32
      %dma_start3A_336 = arith.constant 0 : i32
      %dma_start3A_337 = tpu.memref_slice %arg10[%dma_start3A_333, %dma_start3A_335, %dma_start3A_336] : memref<2x400x64xbf16, #tpu.memory_space<vmem>> -> memref<1x80x64xbf16, #tpu.memory_space<vmem>>
      %dma_start3A_338 = tpu.memref_squeeze %dma_start3A_337 : memref<1x80x64xbf16, #tpu.memory_space<vmem>> -> memref<80x64xbf16, #tpu.memory_space<vmem>>
      %dma_start3A_339 = tpu.memref_slice %arg8[%add3A_332] : memref<10000xi32, #tpu.memory_space<vmem>> -> memref<80xi32, #tpu.memory_space<vmem>>
      %dma_start3A_340 = arith.constant 0 : i32
      %dma_start3A_341 = arith.constant 0 : i32
      %dma_start3A_342 = tpu.memref_slice %arg15[%dma_start3A_340, %dma_start3A_341] : memref<10000x64xbf16, #tpu.memory_space<vmem_shared>> -> memref<10000x64xbf16, #tpu.memory_space<vmem_shared>>
      %dma_start3A_343 = tpu.memref_slice %arg17[%dma_start3A_334] : memref<2x!tpu.dma_semaphore, #tpu.memory_space<semaphore_mem>> -> memref<1x!tpu.dma_semaphore, #tpu.memory_space<semaphore_mem>>
      %dma_start3A_344 = tpu.memref_squeeze %dma_start3A_343 : memref<1x!tpu.dma_semaphore, #tpu.memory_space<semaphore_mem>> -> memref<!tpu.dma_semaphore, #tpu.memory_space<semaphore_mem>>
      tpu.enqueue_indirect_dma source(%dma_start3A_342 : memref<10000x64xbf16, #tpu.memory_space<vmem_shared>>) target(%dma_start3A_338 : memref<80x64xbf16, #tpu.memory_space<vmem>>) offsets(%dma_start3A_339 : memref<80xi32, #tpu.memory_space<vmem>>) semaphore(%dma_start3A_344 : memref<!tpu.dma_semaphore, #tpu.memory_space<semaphore_mem>>)
      %dma_start3A_345 = arith.constant 1 : i32
      %dma_start3A_346 = arith.constant 1 : i32
      %dma_start3A_347 = arith.constant 80 : i32
      %dma_start3A_348 = arith.constant 0 : i32
      %dma_start3A_349 = tpu.memref_slice %arg11[%dma_start3A_345, %dma_start3A_347, %dma_start3A_348] : memref<2x400x64xbf16, #tpu.memory_space<vmem>> -> memref<1x80x64xbf16, #tpu.memory_space<vmem>>
      %dma_start3A_350 = tpu.memref_squeeze %dma_start3A_349 : memref<1x80x64xbf16, #tpu.memory_space<vmem>> -> memref<80x64xbf16, #tpu.memory_space<vmem>>
      %dma_start3A_351 = tpu.memref_slice %arg9[%add3A_332] : memref<10000xi32, #tpu.memory_space<vmem>> -> memref<80xi32, #tpu.memory_space<vmem>>
      %dma_start3A_352 = arith.constant 0 : i32
      %dma_start3A_353 = arith.constant 0 : i32
      %dma_start3A_354 = tpu.memref_slice %arg16[%dma_start3A_352, %dma_start3A_353] : memref<10000x64xbf16, #tpu.memory_space<vmem_shared>> -> memref<10000x64xbf16, #tpu.memory_space<vmem_shared>>
      %dma_start3A_355 = tpu.memref_slice %arg17[%dma_start3A_346] : memref<2x!tpu.dma_semaphore, #tpu.memory_space<semaphore_mem>> -> memref<1x!tpu.dma_semaphore, #tpu.memory_space<semaphore_mem>>
      %dma_start3A_356 = tpu.memref_squeeze %dma_start3A_355 : memref<1x!tpu.dma_semaphore, #tpu.memory_space<semaphore_mem>> -> memref<!tpu.dma_semaphore, #tpu.memory_space<semaphore_mem>>
      tpu.enqueue_indirect_dma source(%dma_start3A_354 : memref<10000x64xbf16, #tpu.memory_space<vmem_shared>>) target(%dma_start3A_350 : memref<80x64xbf16, #tpu.memory_space<vmem>>) offsets(%dma_start3A_351 : memref<80xi32, #tpu.memory_space<vmem>>) semaphore(%dma_start3A_356 : memref<!tpu.dma_semaphore, #tpu.memory_space<semaphore_mem>>)
      %mul3A_357 = arith.constant 400 : i32
      %mul3A_358 = arith.muli %min3A_300, %mul3A_357 : i32
      %add3A_359 = arith.constant 160 : i32
      %add3A_360 = arith.addi %mul3A_358, %add3A_359 : i32
      %dma_start3A_361 = arith.constant 1 : i32
      %dma_start3A_362 = arith.constant 1 : i32
      %dma_start3A_363 = arith.constant 160 : i32
      %dma_start3A_364 = arith.constant 0 : i32
      %dma_start3A_365 = tpu.memref_slice %arg10[%dma_start3A_361, %dma_start3A_363, %dma_start3A_364] : memref<2x400x64xbf16, #tpu.memory_space<vmem>> -> memref<1x80x64xbf16, #tpu.memory_space<vmem>>
      %dma_start3A_366 = tpu.memref_squeeze %dma_start3A_365 : memref<1x80x64xbf16, #tpu.memory_space<vmem>> -> memref<80x64xbf16, #tpu.memory_space<vmem>>
      %dma_start3A_367 = tpu.memref_slice %arg8[%add3A_360] : memref<10000xi32, #tpu.memory_space<vmem>> -> memref<80xi32, #tpu.memory_space<vmem>>
      %dma_start3A_368 = arith.constant 0 : i32
      %dma_start3A_369 = arith.constant 0 : i32
      %dma_start3A_370 = tpu.memref_slice %arg15[%dma_start3A_368, %dma_start3A_369] : memref<10000x64xbf16, #tpu.memory_space<vmem_shared>> -> memref<10000x64xbf16, #tpu.memory_space<vmem_shared>>
      %dma_start3A_371 = tpu.memref_slice %arg17[%dma_start3A_362] : memref<2x!tpu.dma_semaphore, #tpu.memory_space<semaphore_mem>> -> memref<1x!tpu.dma_semaphore, #tpu.memory_space<semaphore_mem>>
      %dma_start3A_372 = tpu.memref_squeeze %dma_start3A_371 : memref<1x!tpu.dma_semaphore, #tpu.memory_space<semaphore_mem>> -> memref<!tpu.dma_semaphore, #tpu.memory_space<semaphore_mem>>
      tpu.enqueue_indirect_dma source(%dma_start3A_370 : memref<10000x64xbf16, #tpu.memory_space<vmem_shared>>) target(%dma_start3A_366 : memref<80x64xbf16, #tpu.memory_space<vmem>>) offsets(%dma_start3A_367 : memref<80xi32, #tpu.memory_space<vmem>>) semaphore(%dma_start3A_372 : memref<!tpu.dma_semaphore, #tpu.memory_space<semaphore_mem>>)
      %dma_start3A_373 = arith.constant 1 : i32
      %dma_start3A_374 = arith.constant 1 : i32
      %dma_start3A_375 = arith.constant 160 : i32
      %dma_start3A_376 = arith.constant 0 : i32
      %dma_start3A_377 = tpu.memref_slice %arg11[%dma_start3A_373, %dma_start3A_375, %dma_start3A_376] : memref<2x400x64xbf16, #tpu.memory_space<vmem>> -> memref<1x80x64xbf16, #tpu.memory_space<vmem>>
      %dma_start3A_378 = tpu.memref_squeeze %dma_start3A_377 : memref<1x80x64xbf16, #tpu.memory_space<vmem>> -> memref<80x64xbf16, #tpu.memory_space<vmem>>
      %dma_start3A_379 = tpu.memref_slice %arg9[%add3A_360] : memref<10000xi32, #tpu.memory_space<vmem>> -> memref<80xi32, #tpu.memory_space<vmem>>
      %dma_start3A_380 = arith.constant 0 : i32
      %dma_start3A_381 = arith.constant 0 : i32
      %dma_start3A_382 = tpu.memref_slice %arg16[%dma_start3A_380, %dma_start3A_381] : memref<10000x64xbf16, #tpu.memory_space<vmem_shared>> -> memref<10000x64xbf16, #tpu.memory_space<vmem_shared>>
      %dma_start3A_383 = tpu.memref_slice %arg17[%dma_start3A_374] : memref<2x!tpu.dma_semaphore, #tpu.memory_space<semaphore_mem>> -> memref<1x!tpu.dma_semaphore, #tpu.memory_space<semaphore_mem>>
      %dma_start3A_384 = tpu.memref_squeeze %dma_start3A_383 : memref<1x!tpu.dma_semaphore, #tpu.memory_space<semaphore_mem>> -> memref<!tpu.dma_semaphore, #tpu.memory_space<semaphore_mem>>
      tpu.enqueue_indirect_dma source(%dma_start3A_382 : memref<10000x64xbf16, #tpu.memory_space<vmem_shared>>) target(%dma_start3A_378 : memref<80x64xbf16, #tpu.memory_space<vmem>>) offsets(%dma_start3A_379 : memref<80xi32, #tpu.memory_space<vmem>>) semaphore(%dma_start3A_384 : memref<!tpu.dma_semaphore, #tpu.memory_space<semaphore_mem>>)
      %mul3A_385 = arith.constant 400 : i32
      %mul3A_386 = arith.muli %min3A_300, %mul3A_385 : i32
      %add3A_387 = arith.constant 240 : i32
      %add3A_388 = arith.addi %mul3A_386, %add3A_387 : i32
      %dma_start3A_389 = arith.constant 1 : i32
      %dma_start3A_390 = arith.constant 1 : i32
      %dma_start3A_391 = arith.constant 240 : i32
      %dma_start3A_392 = arith.constant 0 : i32
      %dma_start3A_393 = tpu.memref_slice %arg10[%dma_start3A_389, %dma_start3A_391, %dma_start3A_392] : memref<2x400x64xbf16, #tpu.memory_space<vmem>> -> memref<1x80x64xbf16, #tpu.memory_space<vmem>>
      %dma_start3A_394 = tpu.memref_squeeze %dma_start3A_393 : memref<1x80x64xbf16, #tpu.memory_space<vmem>> -> memref<80x64xbf16, #tpu.memory_space<vmem>>
      %dma_start3A_395 = tpu.memref_slice %arg8[%add3A_388] : memref<10000xi32, #tpu.memory_space<vmem>> -> memref<80xi32, #tpu.memory_space<vmem>>
      %dma_start3A_396 = arith.constant 0 : i32
      %dma_start3A_397 = arith.constant 0 : i32
      %dma_start3A_398 = tpu.memref_slice %arg15[%dma_start3A_396, %dma_start3A_397] : memref<10000x64xbf16, #tpu.memory_space<vmem_shared>> -> memref<10000x64xbf16, #tpu.memory_space<vmem_shared>>
      %dma_start3A_399 = tpu.memref_slice %arg17[%dma_start3A_390] : memref<2x!tpu.dma_semaphore, #tpu.memory_space<semaphore_mem>> -> memref<1x!tpu.dma_semaphore, #tpu.memory_space<semaphore_mem>>
      %dma_start3A_400 = tpu.memref_squeeze %dma_start3A_399 : memref<1x!tpu.dma_semaphore, #tpu.memory_space<semaphore_mem>> -> memref<!tpu.dma_semaphore, #tpu.memory_space<semaphore_mem>>
      tpu.enqueue_indirect_dma source(%dma_start3A_398 : memref<10000x64xbf16, #tpu.memory_space<vmem_shared>>) target(%dma_start3A_394 : memref<80x64xbf16, #tpu.memory_space<vmem>>) offsets(%dma_start3A_395 : memref<80xi32, #tpu.memory_space<vmem>>) semaphore(%dma_start3A_400 : memref<!tpu.dma_semaphore, #tpu.memory_space<semaphore_mem>>)
      %dma_start3A_401 = arith.constant 1 : i32
      %dma_start3A_402 = arith.constant 1 : i32
      %dma_start3A_403 = arith.constant 240 : i32
      %dma_start3A_404 = arith.constant 0 : i32
      %dma_start3A_405 = tpu.memref_slice %arg11[%dma_start3A_401, %dma_start3A_403, %dma_start3A_404] : memref<2x400x64xbf16, #tpu.memory_space<vmem>> -> memref<1x80x64xbf16, #tpu.memory_space<vmem>>
      %dma_start3A_406 = tpu.memref_squeeze %dma_start3A_405 : memref<1x80x64xbf16, #tpu.memory_space<vmem>> -> memref<80x64xbf16, #tpu.memory_space<vmem>>
      %dma_start3A_407 = tpu.memref_slice %arg9[%add3A_388] : memref<10000xi32, #tpu.memory_space<vmem>> -> memref<80xi32, #tpu.memory_space<vmem>>
      %dma_start3A_408 = arith.constant 0 : i32
      %dma_start3A_409 = arith.constant 0 : i32
      %dma_start3A_410 = tpu.memref_slice %arg16[%dma_start3A_408, %dma_start3A_409] : memref<10000x64xbf16, #tpu.memory_space<vmem_shared>> -> memref<10000x64xbf16, #tpu.memory_space<vmem_shared>>
      %dma_start3A_411 = tpu.memref_slice %arg17[%dma_start3A_402] : memref<2x!tpu.dma_semaphore, #tpu.memory_space<semaphore_mem>> -> memref<1x!tpu.dma_semaphore, #tpu.memory_space<semaphore_mem>>
      %dma_start3A_412 = tpu.memref_squeeze %dma_start3A_411 : memref<1x!tpu.dma_semaphore, #tpu.memory_space<semaphore_mem>> -> memref<!tpu.dma_semaphore, #tpu.memory_space<semaphore_mem>>
      tpu.enqueue_indirect_dma source(%dma_start3A_410 : memref<10000x64xbf16, #tpu.memory_space<vmem_shared>>) target(%dma_start3A_406 : memref<80x64xbf16, #tpu.memory_space<vmem>>) offsets(%dma_start3A_407 : memref<80xi32, #tpu.memory_space<vmem>>) semaphore(%dma_start3A_412 : memref<!tpu.dma_semaphore, #tpu.memory_space<semaphore_mem>>)
      %mul3A_413 = arith.constant 400 : i32
      %mul3A_414 = arith.muli %min3A_300, %mul3A_413 : i32
      %add3A_415 = arith.constant 320 : i32
      %add3A_416 = arith.addi %mul3A_414, %add3A_415 : i32
      %dma_start3A_417 = arith.constant 1 : i32
      %dma_start3A_418 = arith.constant 1 : i32
      %dma_start3A_419 = arith.constant 320 : i32
      %dma_start3A_420 = arith.constant 0 : i32
      %dma_start3A_421 = tpu.memref_slice %arg10[%dma_start3A_417, %dma_start3A_419, %dma_start3A_420] : memref<2x400x64xbf16, #tpu.memory_space<vmem>> -> memref<1x80x64xbf16, #tpu.memory_space<vmem>>
      %dma_start3A_422 = tpu.memref_squeeze %dma_start3A_421 : memref<1x80x64xbf16, #tpu.memory_space<vmem>> -> memref<80x64xbf16, #tpu.memory_space<vmem>>
      %dma_start3A_423 = tpu.memref_slice %arg8[%add3A_416] : memref<10000xi32, #tpu.memory_space<vmem>> -> memref<80xi32, #tpu.memory_space<vmem>>
      %dma_start3A_424 = arith.constant 0 : i32
      %dma_start3A_425 = arith.constant 0 : i32
      %dma_start3A_426 = tpu.memref_slice %arg15[%dma_start3A_424, %dma_start3A_425] : memref<10000x64xbf16, #tpu.memory_space<vmem_shared>> -> memref<10000x64xbf16, #tpu.memory_space<vmem_shared>>
      %dma_start3A_427 = tpu.memref_slice %arg17[%dma_start3A_418] : memref<2x!tpu.dma_semaphore, #tpu.memory_space<semaphore_mem>> -> memref<1x!tpu.dma_semaphore, #tpu.memory_space<semaphore_mem>>
      %dma_start3A_428 = tpu.memref_squeeze %dma_start3A_427 : memref<1x!tpu.dma_semaphore, #tpu.memory_space<semaphore_mem>> -> memref<!tpu.dma_semaphore, #tpu.memory_space<semaphore_mem>>
      tpu.enqueue_indirect_dma source(%dma_start3A_426 : memref<10000x64xbf16, #tpu.memory_space<vmem_shared>>) target(%dma_start3A_422 : memref<80x64xbf16, #tpu.memory_space<vmem>>) offsets(%dma_start3A_423 : memref<80xi32, #tpu.memory_space<vmem>>) semaphore(%dma_start3A_428 : memref<!tpu.dma_semaphore, #tpu.memory_space<semaphore_mem>>)
      %dma_start3A_429 = arith.constant 1 : i32
      %dma_start3A_430 = arith.constant 1 : i32
      %dma_start3A_431 = arith.constant 320 : i32
      %dma_start3A_432 = arith.constant 0 : i32
      %dma_start3A_433 = tpu.memref_slice %arg11[%dma_start3A_429, %dma_start3A_431, %dma_start3A_432] : memref<2x400x64xbf16, #tpu.memory_space<vmem>> -> memref<1x80x64xbf16, #tpu.memory_space<vmem>>
      %dma_start3A_434 = tpu.memref_squeeze %dma_start3A_433 : memref<1x80x64xbf16, #tpu.memory_space<vmem>> -> memref<80x64xbf16, #tpu.memory_space<vmem>>
      %dma_start3A_435 = tpu.memref_slice %arg9[%add3A_416] : memref<10000xi32, #tpu.memory_space<vmem>> -> memref<80xi32, #tpu.memory_space<vmem>>
      %dma_start3A_436 = arith.constant 0 : i32
      %dma_start3A_437 = arith.constant 0 : i32
      %dma_start3A_438 = tpu.memref_slice %arg16[%dma_start3A_436, %dma_start3A_437] : memref<10000x64xbf16, #tpu.memory_space<vmem_shared>> -> memref<10000x64xbf16, #tpu.memory_space<vmem_shared>>
      %dma_start3A_439 = tpu.memref_slice %arg17[%dma_start3A_430] : memref<2x!tpu.dma_semaphore, #tpu.memory_space<semaphore_mem>> -> memref<1x!tpu.dma_semaphore, #tpu.memory_space<semaphore_mem>>
      %dma_start3A_440 = tpu.memref_squeeze %dma_start3A_439 : memref<1x!tpu.dma_semaphore, #tpu.memory_space<semaphore_mem>> -> memref<!tpu.dma_semaphore, #tpu.memory_space<semaphore_mem>>
      tpu.enqueue_indirect_dma source(%dma_start3A_438 : memref<10000x64xbf16, #tpu.memory_space<vmem_shared>>) target(%dma_start3A_434 : memref<80x64xbf16, #tpu.memory_space<vmem>>) offsets(%dma_start3A_435 : memref<80xi32, #tpu.memory_space<vmem>>) semaphore(%dma_start3A_440 : memref<!tpu.dma_semaphore, #tpu.memory_space<semaphore_mem>>)
      %dma_wait3A_441 = arith.constant 0 : i32
      %dma_wait3A_442 = arith.constant 0 : i32
      %dma_wait3A_443 = arith.constant 0 : i32
      %dma_wait3A_444 = arith.constant 0 : i32
      %dma_wait3A_445 = tpu.memref_slice %arg10[%dma_wait3A_441, %dma_wait3A_443, %dma_wait3A_444] : memref<2x400x64xbf16, #tpu.memory_space<vmem>> -> memref<1x80x64xbf16, #tpu.memory_space<vmem>>
      %dma_wait3A_446 = tpu.memref_squeeze %dma_wait3A_445 : memref<1x80x64xbf16, #tpu.memory_space<vmem>> -> memref<80x64xbf16, #tpu.memory_space<vmem>>
      %dma_wait3A_447 = arith.constant 0 : i32
      %dma_wait3A_448 = arith.constant 0 : i32
      %dma_wait3A_449 = tpu.memref_slice %arg2[%dma_wait3A_447, %dma_wait3A_448] : memref<10000x64xbf16, #tpu.memory_space<hbm>> -> memref<80x64xbf16, #tpu.memory_space<hbm>>
      %dma_wait3A_450 = tpu.memref_slice %arg17[%dma_wait3A_442] : memref<2x!tpu.dma_semaphore, #tpu.memory_space<semaphore_mem>> -> memref<1x!tpu.dma_semaphore, #tpu.memory_space<semaphore_mem>>
      %dma_wait3A_451 = tpu.memref_squeeze %dma_wait3A_450 : memref<1x!tpu.dma_semaphore, #tpu.memory_space<semaphore_mem>> -> memref<!tpu.dma_semaphore, #tpu.memory_space<semaphore_mem>>
      %dma_wait3A_452 = arith.constant 0 : i32
      %dma_wait3A_453 = arith.constant 0 : i32
      %dma_wait3A_454 = tpu.memref_slice %arg10[%dma_wait3A_441, %dma_wait3A_452, %dma_wait3A_453] : memref<2x400x64xbf16, #tpu.memory_space<vmem>> -> memref<1x80x64xbf16, #tpu.memory_space<vmem>>
      %dma_wait3A_455 = tpu.memref_squeeze %dma_wait3A_454 : memref<1x80x64xbf16, #tpu.memory_space<vmem>> -> memref<80x64xbf16, #tpu.memory_space<vmem>>
      %dma_wait3A_456 = arith.constant 0 : i32
      %dma_wait3A_457 = arith.constant 0 : i32
      %dma_wait3A_458 = tpu.memref_slice %arg2[%dma_wait3A_456, %dma_wait3A_457] : memref<10000x64xbf16, #tpu.memory_space<hbm>> -> memref<80x64xbf16, #tpu.memory_space<hbm>>
      tpu.wait_dma2 semaphore(%dma_wait3A_451 : memref<!tpu.dma_semaphore, #tpu.memory_space<semaphore_mem>>) src(%dma_wait3A_458 : memref<80x64xbf16, #tpu.memory_space<hbm>>) dst(%dma_wait3A_455 : memref<80x64xbf16, #tpu.memory_space<vmem>>)
      %dma_wait3A_459 = arith.constant 0 : i32
      %dma_wait3A_460 = arith.constant 0 : i32
      %dma_wait3A_461 = arith.constant 0 : i32
      %dma_wait3A_462 = arith.constant 0 : i32
      %dma_wait3A_463 = tpu.memref_slice %arg10[%dma_wait3A_459, %dma_wait3A_461, %dma_wait3A_462] : memref<2x400x64xbf16, #tpu.memory_space<vmem>> -> memref<1x80x64xbf16, #tpu.memory_space<vmem>>
      %dma_wait3A_464 = tpu.memref_squeeze %dma_wait3A_463 : memref<1x80x64xbf16, #tpu.memory_space<vmem>> -> memref<80x64xbf16, #tpu.memory_space<vmem>>
      %dma_wait3A_465 = arith.constant 0 : i32
      %dma_wait3A_466 = arith.constant 0 : i32
      %dma_wait3A_467 = tpu.memref_slice %arg2[%dma_wait3A_465, %dma_wait3A_466] : memref<10000x64xbf16, #tpu.memory_space<hbm>> -> memref<80x64xbf16, #tpu.memory_space<hbm>>
      %dma_wait3A_468 = tpu.memref_slice %arg17[%dma_wait3A_460] : memref<2x!tpu.dma_semaphore, #tpu.memory_space<semaphore_mem>> -> memref<1x!tpu.dma_semaphore, #tpu.memory_space<semaphore_mem>>
      %dma_wait3A_469 = tpu.memref_squeeze %dma_wait3A_468 : memref<1x!tpu.dma_semaphore, #tpu.memory_space<semaphore_mem>> -> memref<!tpu.dma_semaphore, #tpu.memory_space<semaphore_mem>>
      %dma_wait3A_470 = arith.constant 0 : i32
      %dma_wait3A_471 = arith.constant 0 : i32
      %dma_wait3A_472 = tpu.memref_slice %arg10[%dma_wait3A_459, %dma_wait3A_470, %dma_wait3A_471] : memref<2x400x64xbf16, #tpu.memory_space<vmem>> -> memref<1x80x64xbf16, #tpu.memory_space<vmem>>
      %dma_wait3A_473 = tpu.memref_squeeze %dma_wait3A_472 : memref<1x80x64xbf16, #tpu.memory_space<vmem>> -> memref<80x64xbf16, #tpu.memory_space<vmem>>
      %dma_wait3A_474 = arith.constant 0 : i32
      %dma_wait3A_475 = arith.constant 0 : i32
      %dma_wait3A_476 = tpu.memref_slice %arg2[%dma_wait3A_474, %dma_wait3A_475] : memref<10000x64xbf16, #tpu.memory_space<hbm>> -> memref<80x64xbf16, #tpu.memory_space<hbm>>
      tpu.wait_dma2 semaphore(%dma_wait3A_469 : memref<!tpu.dma_semaphore, #tpu.memory_space<semaphore_mem>>) src(%dma_wait3A_476 : memref<80x64xbf16, #tpu.memory_space<hbm>>) dst(%dma_wait3A_473 : memref<80x64xbf16, #tpu.memory_space<vmem>>)
      %dma_wait3A_477 = arith.constant 0 : i32
      %dma_wait3A_478 = arith.constant 0 : i32
      %dma_wait3A_479 = arith.constant 0 : i32
      %dma_wait3A_480 = arith.constant 0 : i32
      %dma_wait3A_481 = tpu.memref_slice %arg10[%dma_wait3A_477, %dma_wait3A_479, %dma_wait3A_480] : memref<2x400x64xbf16, #tpu.memory_space<vmem>> -> memref<1x80x64xbf16, #tpu.memory_space<vmem>>
      %dma_wait3A_482 = tpu.memref_squeeze %dma_wait3A_481 : memref<1x80x64xbf16, #tpu.memory_space<vmem>> -> memref<80x64xbf16, #tpu.memory_space<vmem>>
      %dma_wait3A_483 = arith.constant 0 : i32
      %dma_wait3A_484 = arith.constant 0 : i32
      %dma_wait3A_485 = tpu.memref_slice %arg2[%dma_wait3A_483, %dma_wait3A_484] : memref<10000x64xbf16, #tpu.memory_space<hbm>> -> memref<80x64xbf16, #tpu.memory_space<hbm>>
      %dma_wait3A_486 = tpu.memref_slice %arg17[%dma_wait3A_478] : memref<2x!tpu.dma_semaphore, #tpu.memory_space<semaphore_mem>> -> memref<1x!tpu.dma_semaphore, #tpu.memory_space<semaphore_mem>>
      %dma_wait3A_487 = tpu.memref_squeeze %dma_wait3A_486 : memref<1x!tpu.dma_semaphore, #tpu.memory_space<semaphore_mem>> -> memref<!tpu.dma_semaphore, #tpu.memory_space<semaphore_mem>>
      %dma_wait3A_488 = arith.constant 0 : i32
      %dma_wait3A_489 = arith.constant 0 : i32
      %dma_wait3A_490 = tpu.memref_slice %arg10[%dma_wait3A_477, %dma_wait3A_488, %dma_wait3A_489] : memref<2x400x64xbf16, #tpu.memory_space<vmem>> -> memref<1x80x64xbf16, #tpu.memory_space<vmem>>
      %dma_wait3A_491 = tpu.memref_squeeze %dma_wait3A_490 : memref<1x80x64xbf16, #tpu.memory_space<vmem>> -> memref<80x64xbf16, #tpu.memory_space<vmem>>
      %dma_wait3A_492 = arith.constant 0 : i32
      %dma_wait3A_493 = arith.constant 0 : i32
      %dma_wait3A_494 = tpu.memref_slice %arg2[%dma_wait3A_492, %dma_wait3A_493] : memref<10000x64xbf16, #tpu.memory_space<hbm>> -> memref<80x64xbf16, #tpu.memory_space<hbm>>
      tpu.wait_dma2 semaphore(%dma_wait3A_487 : memref<!tpu.dma_semaphore, #tpu.memory_space<semaphore_mem>>) src(%dma_wait3A_494 : memref<80x64xbf16, #tpu.memory_space<hbm>>) dst(%dma_wait3A_491 : memref<80x64xbf16, #tpu.memory_space<vmem>>)
      %dma_wait3A_495 = arith.constant 0 : i32
      %dma_wait3A_496 = arith.constant 0 : i32
      %dma_wait3A_497 = arith.constant 0 : i32
      %dma_wait3A_498 = arith.constant 0 : i32
      %dma_wait3A_499 = tpu.memref_slice %arg10[%dma_wait3A_495, %dma_wait3A_497, %dma_wait3A_498] : memref<2x400x64xbf16, #tpu.memory_space<vmem>> -> memref<1x80x64xbf16, #tpu.memory_space<vmem>>
      %dma_wait3A_500 = tpu.memref_squeeze %dma_wait3A_499 : memref<1x80x64xbf16, #tpu.memory_space<vmem>> -> memref<80x64xbf16, #tpu.memory_space<vmem>>
      %dma_wait3A_501 = arith.constant 0 : i32
      %dma_wait3A_502 = arith.constant 0 : i32
      %dma_wait3A_503 = tpu.memref_slice %arg2[%dma_wait3A_501, %dma_wait3A_502] : memref<10000x64xbf16, #tpu.memory_space<hbm>> -> memref<80x64xbf16, #tpu.memory_space<hbm>>
      %dma_wait3A_504 = tpu.memref_slice %arg17[%dma_wait3A_496] : memref<2x!tpu.dma_semaphore, #tpu.memory_space<semaphore_mem>> -> memref<1x!tpu.dma_semaphore, #tpu.memory_space<semaphore_mem>>
      %dma_wait3A_505 = tpu.memref_squeeze %dma_wait3A_504 : memref<1x!tpu.dma_semaphore, #tpu.memory_space<semaphore_mem>> -> memref<!tpu.dma_semaphore, #tpu.memory_space<semaphore_mem>>
      %dma_wait3A_506 = arith.constant 0 : i32
      %dma_wait3A_507 = arith.constant 0 : i32
      %dma_wait3A_508 = tpu.memref_slice %arg10[%dma_wait3A_495, %dma_wait3A_506, %dma_wait3A_507] : memref<2x400x64xbf16, #tpu.memory_space<vmem>> -> memref<1x80x64xbf16, #tpu.memory_space<vmem>>
      %dma_wait3A_509 = tpu.memref_squeeze %dma_wait3A_508 : memref<1x80x64xbf16, #tpu.memory_space<vmem>> -> memref<80x64xbf16, #tpu.memory_space<vmem>>
      %dma_wait3A_510 = arith.constant 0 : i32
      %dma_wait3A_511 = arith.constant 0 : i32
      %dma_wait3A_512 = tpu.memref_slice %arg2[%dma_wait3A_510, %dma_wait3A_511] : memref<10000x64xbf16, #tpu.memory_space<hbm>> -> memref<80x64xbf16, #tpu.memory_space<hbm>>
      tpu.wait_dma2 semaphore(%dma_wait3A_505 : memref<!tpu.dma_semaphore, #tpu.memory_space<semaphore_mem>>) src(%dma_wait3A_512 : memref<80x64xbf16, #tpu.memory_space<hbm>>) dst(%dma_wait3A_509 : memref<80x64xbf16, #tpu.memory_space<vmem>>)
      %dma_wait3A_513 = arith.constant 0 : i32
      %dma_wait3A_514 = arith.constant 0 : i32
      %dma_wait3A_515 = arith.constant 0 : i32
      %dma_wait3A_516 = arith.constant 0 : i32
      %dma_wait3A_517 = tpu.memref_slice %arg10[%dma_wait3A_513, %dma_wait3A_515, %dma_wait3A_516] : memref<2x400x64xbf16, #tpu.memory_space<vmem>> -> memref<1x80x64xbf16, #tpu.memory_space<vmem>>
      %dma_wait3A_518 = tpu.memref_squeeze %dma_wait3A_517 : memref<1x80x64xbf16, #tpu.memory_space<vmem>> -> memref<80x64xbf16, #tpu.memory_space<vmem>>
      %dma_wait3A_519 = arith.constant 0 : i32
      %dma_wait3A_520 = arith.constant 0 : i32
      %dma_wait3A_521 = tpu.memref_slice %arg2[%dma_wait3A_519, %dma_wait3A_520] : memref<10000x64xbf16, #tpu.memory_space<hbm>> -> memref<80x64xbf16, #tpu.memory_space<hbm>>
      %dma_wait3A_522 = tpu.memref_slice %arg17[%dma_wait3A_514] : memref<2x!tpu.dma_semaphore, #tpu.memory_space<semaphore_mem>> -> memref<1x!tpu.dma_semaphore, #tpu.memory_space<semaphore_mem>>
      %dma_wait3A_523 = tpu.memref_squeeze %dma_wait3A_522 : memref<1x!tpu.dma_semaphore, #tpu.memory_space<semaphore_mem>> -> memref<!tpu.dma_semaphore, #tpu.memory_space<semaphore_mem>>
      %dma_wait3A_524 = arith.constant 0 : i32
      %dma_wait3A_525 = arith.constant 0 : i32
      %dma_wait3A_526 = tpu.memref_slice %arg10[%dma_wait3A_513, %dma_wait3A_524, %dma_wait3A_525] : memref<2x400x64xbf16, #tpu.memory_space<vmem>> -> memref<1x80x64xbf16, #tpu.memory_space<vmem>>
      %dma_wait3A_527 = tpu.memref_squeeze %dma_wait3A_526 : memref<1x80x64xbf16, #tpu.memory_space<vmem>> -> memref<80x64xbf16, #tpu.memory_space<vmem>>
      %dma_wait3A_528 = arith.constant 0 : i32
      %dma_wait3A_529 = arith.constant 0 : i32
      %dma_wait3A_530 = tpu.memref_slice %arg2[%dma_wait3A_528, %dma_wait3A_529] : memref<10000x64xbf16, #tpu.memory_space<hbm>> -> memref<80x64xbf16, #tpu.memory_space<hbm>>
      tpu.wait_dma2 semaphore(%dma_wait3A_523 : memref<!tpu.dma_semaphore, #tpu.memory_space<semaphore_mem>>) src(%dma_wait3A_530 : memref<80x64xbf16, #tpu.memory_space<hbm>>) dst(%dma_wait3A_527 : memref<80x64xbf16, #tpu.memory_space<vmem>>)
      %dma_wait3A_531 = arith.constant 0 : i32
      %dma_wait3A_532 = arith.constant 0 : i32
      %dma_wait3A_533 = arith.constant 0 : i32
      %dma_wait3A_534 = arith.constant 0 : i32
      %dma_wait3A_535 = tpu.memref_slice %arg10[%dma_wait3A_531, %dma_wait3A_533, %dma_wait3A_534] : memref<2x400x64xbf16, #tpu.memory_space<vmem>> -> memref<1x80x64xbf16, #tpu.memory_space<vmem>>
      %dma_wait3A_536 = tpu.memref_squeeze %dma_wait3A_535 : memref<1x80x64xbf16, #tpu.memory_space<vmem>> -> memref<80x64xbf16, #tpu.memory_space<vmem>>
      %dma_wait3A_537 = arith.constant 0 : i32
      %dma_wait3A_538 = arith.constant 0 : i32
      %dma_wait3A_539 = tpu.memref_slice %arg2[%dma_wait3A_537, %dma_wait3A_538] : memref<10000x64xbf16, #tpu.memory_space<hbm>> -> memref<80x64xbf16, #tpu.memory_space<hbm>>
      %dma_wait3A_540 = tpu.memref_slice %arg17[%dma_wait3A_532] : memref<2x!tpu.dma_semaphore, #tpu.memory_space<semaphore_mem>> -> memref<1x!tpu.dma_semaphore, #tpu.memory_space<semaphore_mem>>
      %dma_wait3A_541 = tpu.memref_squeeze %dma_wait3A_540 : memref<1x!tpu.dma_semaphore, #tpu.memory_space<semaphore_mem>> -> memref<!tpu.dma_semaphore, #tpu.memory_space<semaphore_mem>>
      %dma_wait3A_542 = arith.constant 0 : i32
      %dma_wait3A_543 = arith.constant 0 : i32
      %dma_wait3A_544 = tpu.memref_slice %arg10[%dma_wait3A_531, %dma_wait3A_542, %dma_wait3A_543] : memref<2x400x64xbf16, #tpu.memory_space<vmem>> -> memref<1x80x64xbf16, #tpu.memory_space<vmem>>
      %dma_wait3A_545 = tpu.memref_squeeze %dma_wait3A_544 : memref<1x80x64xbf16, #tpu.memory_space<vmem>> -> memref<80x64xbf16, #tpu.memory_space<vmem>>
      %dma_wait3A_546 = arith.constant 0 : i32
      %dma_wait3A_547 = arith.constant 0 : i32
      %dma_wait3A_548 = tpu.memref_slice %arg2[%dma_wait3A_546, %dma_wait3A_547] : memref<10000x64xbf16, #tpu.memory_space<hbm>> -> memref<80x64xbf16, #tpu.memory_space<hbm>>
      tpu.wait_dma2 semaphore(%dma_wait3A_541 : memref<!tpu.dma_semaphore, #tpu.memory_space<semaphore_mem>>) src(%dma_wait3A_548 : memref<80x64xbf16, #tpu.memory_space<hbm>>) dst(%dma_wait3A_545 : memref<80x64xbf16, #tpu.memory_space<vmem>>)
      %dma_wait3A_549 = arith.constant 0 : i32
      %dma_wait3A_550 = arith.constant 0 : i32
      %dma_wait3A_551 = arith.constant 0 : i32
      %dma_wait3A_552 = arith.constant 0 : i32
      %dma_wait3A_553 = tpu.memref_slice %arg10[%dma_wait3A_549, %dma_wait3A_551, %dma_wait3A_552] : memref<2x400x64xbf16, #tpu.memory_space<vmem>> -> memref<1x80x64xbf16, #tpu.memory_space<vmem>>
      %dma_wait3A_554 = tpu.memref_squeeze %dma_wait3A_553 : memref<1x80x64xbf16, #tpu.memory_space<vmem>> -> memref<80x64xbf16, #tpu.memory_space<vmem>>
      %dma_wait3A_555 = arith.constant 0 : i32
      %dma_wait3A_556 = arith.constant 0 : i32
      %dma_wait3A_557 = tpu.memref_slice %arg2[%dma_wait3A_555, %dma_wait3A_556] : memref<10000x64xbf16, #tpu.memory_space<hbm>> -> memref<80x64xbf16, #tpu.memory_space<hbm>>
      %dma_wait3A_558 = tpu.memref_slice %arg17[%dma_wait3A_550] : memref<2x!tpu.dma_semaphore, #tpu.memory_space<semaphore_mem>> -> memref<1x!tpu.dma_semaphore, #tpu.memory_space<semaphore_mem>>
      %dma_wait3A_559 = tpu.memref_squeeze %dma_wait3A_558 : memref<1x!tpu.dma_semaphore, #tpu.memory_space<semaphore_mem>> -> memref<!tpu.dma_semaphore, #tpu.memory_space<semaphore_mem>>
      %dma_wait3A_560 = arith.constant 0 : i32
      %dma_wait3A_561 = arith.constant 0 : i32
      %dma_wait3A_562 = tpu.memref_slice %arg10[%dma_wait3A_549, %dma_wait3A_560, %dma_wait3A_561] : memref<2x400x64xbf16, #tpu.memory_space<vmem>> -> memref<1x80x64xbf16, #tpu.memory_space<vmem>>
      %dma_wait3A_563 = tpu.memref_squeeze %dma_wait3A_562 : memref<1x80x64xbf16, #tpu.memory_space<vmem>> -> memref<80x64xbf16, #tpu.memory_space<vmem>>
      %dma_wait3A_564 = arith.constant 0 : i32
      %dma_wait3A_565 = arith.constant 0 : i32
      %dma_wait3A_566 = tpu.memref_slice %arg2[%dma_wait3A_564, %dma_wait3A_565] : memref<10000x64xbf16, #tpu.memory_space<hbm>> -> memref<80x64xbf16, #tpu.memory_space<hbm>>
      tpu.wait_dma2 semaphore(%dma_wait3A_559 : memref<!tpu.dma_semaphore, #tpu.memory_space<semaphore_mem>>) src(%dma_wait3A_566 : memref<80x64xbf16, #tpu.memory_space<hbm>>) dst(%dma_wait3A_563 : memref<80x64xbf16, #tpu.memory_space<vmem>>)
      %dma_wait3A_567 = arith.constant 0 : i32
      %dma_wait3A_568 = arith.constant 0 : i32
      %dma_wait3A_569 = arith.constant 0 : i32
      %dma_wait3A_570 = arith.constant 0 : i32
      %dma_wait3A_571 = tpu.memref_slice %arg10[%dma_wait3A_567, %dma_wait3A_569, %dma_wait3A_570] : memref<2x400x64xbf16, #tpu.memory_space<vmem>> -> memref<1x80x64xbf16, #tpu.memory_space<vmem>>
      %dma_wait3A_572 = tpu.memref_squeeze %dma_wait3A_571 : memref<1x80x64xbf16, #tpu.memory_space<vmem>> -> memref<80x64xbf16, #tpu.memory_space<vmem>>
      %dma_wait3A_573 = arith.constant 0 : i32
      %dma_wait3A_574 = arith.constant 0 : i32
      %dma_wait3A_575 = tpu.memref_slice %arg2[%dma_wait3A_573, %dma_wait3A_574] : memref<10000x64xbf16, #tpu.memory_space<hbm>> -> memref<80x64xbf16, #tpu.memory_space<hbm>>
      %dma_wait3A_576 = tpu.memref_slice %arg17[%dma_wait3A_568] : memref<2x!tpu.dma_semaphore, #tpu.memory_space<semaphore_mem>> -> memref<1x!tpu.dma_semaphore, #tpu.memory_space<semaphore_mem>>
      %dma_wait3A_577 = tpu.memref_squeeze %dma_wait3A_576 : memref<1x!tpu.dma_semaphore, #tpu.memory_space<semaphore_mem>> -> memref<!tpu.dma_semaphore, #tpu.memory_space<semaphore_mem>>
      %dma_wait3A_578 = arith.constant 0 : i32
      %dma_wait3A_579 = arith.constant 0 : i32
      %dma_wait3A_580 = tpu.memref_slice %arg10[%dma_wait3A_567, %dma_wait3A_578, %dma_wait3A_579] : memref<2x400x64xbf16, #tpu.memory_space<vmem>> -> memref<1x80x64xbf16, #tpu.memory_space<vmem>>
      %dma_wait3A_581 = tpu.memref_squeeze %dma_wait3A_580 : memref<1x80x64xbf16, #tpu.memory_space<vmem>> -> memref<80x64xbf16, #tpu.memory_space<vmem>>
      %dma_wait3A_582 = arith.constant 0 : i32
      %dma_wait3A_583 = arith.constant 0 : i32
      %dma_wait3A_584 = tpu.memref_slice %arg2[%dma_wait3A_582, %dma_wait3A_583] : memref<10000x64xbf16, #tpu.memory_space<hbm>> -> memref<80x64xbf16, #tpu.memory_space<hbm>>
      tpu.wait_dma2 semaphore(%dma_wait3A_577 : memref<!tpu.dma_semaphore, #tpu.memory_space<semaphore_mem>>) src(%dma_wait3A_584 : memref<80x64xbf16, #tpu.memory_space<hbm>>) dst(%dma_wait3A_581 : memref<80x64xbf16, #tpu.memory_space<vmem>>)
      %dma_wait3A_585 = arith.constant 0 : i32
      %dma_wait3A_586 = arith.constant 0 : i32
      %dma_wait3A_587 = arith.constant 0 : i32
      %dma_wait3A_588 = arith.constant 0 : i32
      %dma_wait3A_589 = tpu.memref_slice %arg10[%dma_wait3A_585, %dma_wait3A_587, %dma_wait3A_588] : memref<2x400x64xbf16, #tpu.memory_space<vmem>> -> memref<1x80x64xbf16, #tpu.memory_space<vmem>>
      %dma_wait3A_590 = tpu.memref_squeeze %dma_wait3A_589 : memref<1x80x64xbf16, #tpu.memory_space<vmem>> -> memref<80x64xbf16, #tpu.memory_space<vmem>>
      %dma_wait3A_591 = arith.constant 0 : i32
      %dma_wait3A_592 = arith.constant 0 : i32
      %dma_wait3A_593 = tpu.memref_slice %arg2[%dma_wait3A_591, %dma_wait3A_592] : memref<10000x64xbf16, #tpu.memory_space<hbm>> -> memref<80x64xbf16, #tpu.memory_space<hbm>>
      %dma_wait3A_594 = tpu.memref_slice %arg17[%dma_wait3A_586] : memref<2x!tpu.dma_semaphore, #tpu.memory_space<semaphore_mem>> -> memref<1x!tpu.dma_semaphore, #tpu.memory_space<semaphore_mem>>
      %dma_wait3A_595 = tpu.memref_squeeze %dma_wait3A_594 : memref<1x!tpu.dma_semaphore, #tpu.memory_space<semaphore_mem>> -> memref<!tpu.dma_semaphore, #tpu.memory_space<semaphore_mem>>
      %dma_wait3A_596 = arith.constant 0 : i32
      %dma_wait3A_597 = arith.constant 0 : i32
      %dma_wait3A_598 = tpu.memref_slice %arg10[%dma_wait3A_585, %dma_wait3A_596, %dma_wait3A_597] : memref<2x400x64xbf16, #tpu.memory_space<vmem>> -> memref<1x80x64xbf16, #tpu.memory_space<vmem>>
      %dma_wait3A_599 = tpu.memref_squeeze %dma_wait3A_598 : memref<1x80x64xbf16, #tpu.memory_space<vmem>> -> memref<80x64xbf16, #tpu.memory_space<vmem>>
      %dma_wait3A_600 = arith.constant 0 : i32
      %dma_wait3A_601 = arith.constant 0 : i32
      %dma_wait3A_602 = tpu.memref_slice %arg2[%dma_wait3A_600, %dma_wait3A_601] : memref<10000x64xbf16, #tpu.memory_space<hbm>> -> memref<80x64xbf16, #tpu.memory_space<hbm>>
      tpu.wait_dma2 semaphore(%dma_wait3A_595 : memref<!tpu.dma_semaphore, #tpu.memory_space<semaphore_mem>>) src(%dma_wait3A_602 : memref<80x64xbf16, #tpu.memory_space<hbm>>) dst(%dma_wait3A_599 : memref<80x64xbf16, #tpu.memory_space<vmem>>)
      %dma_wait3A_603 = arith.constant 0 : i32
      %dma_wait3A_604 = arith.constant 0 : i32
      %dma_wait3A_605 = arith.constant 0 : i32
      %dma_wait3A_606 = arith.constant 0 : i32
      %dma_wait3A_607 = tpu.memref_slice %arg10[%dma_wait3A_603, %dma_wait3A_605, %dma_wait3A_606] : memref<2x400x64xbf16, #tpu.memory_space<vmem>> -> memref<1x80x64xbf16, #tpu.memory_space<vmem>>
      %dma_wait3A_608 = tpu.memref_squeeze %dma_wait3A_607 : memref<1x80x64xbf16, #tpu.memory_space<vmem>> -> memref<80x64xbf16, #tpu.memory_space<vmem>>
      %dma_wait3A_609 = arith.constant 0 : i32
      %dma_wait3A_610 = arith.constant 0 : i32
      %dma_wait3A_611 = tpu.memref_slice %arg2[%dma_wait3A_609, %dma_wait3A_610] : memref<10000x64xbf16, #tpu.memory_space<hbm>> -> memref<80x64xbf16, #tpu.memory_space<hbm>>
      %dma_wait3A_612 = tpu.memref_slice %arg17[%dma_wait3A_604] : memref<2x!tpu.dma_semaphore, #tpu.memory_space<semaphore_mem>> -> memref<1x!tpu.dma_semaphore, #tpu.memory_space<semaphore_mem>>
      %dma_wait3A_613 = tpu.memref_squeeze %dma_wait3A_612 : memref<1x!tpu.dma_semaphore, #tpu.memory_space<semaphore_mem>> -> memref<!tpu.dma_semaphore, #tpu.memory_space<semaphore_mem>>
      %dma_wait3A_614 = arith.constant 0 : i32
      %dma_wait3A_615 = arith.constant 0 : i32
      %dma_wait3A_616 = tpu.memref_slice %arg10[%dma_wait3A_603, %dma_wait3A_614, %dma_wait3A_615] : memref<2x400x64xbf16, #tpu.memory_space<vmem>> -> memref<1x80x64xbf16, #tpu.memory_space<vmem>>
      %dma_wait3A_617 = tpu.memref_squeeze %dma_wait3A_616 : memref<1x80x64xbf16, #tpu.memory_space<vmem>> -> memref<80x64xbf16, #tpu.memory_space<vmem>>
      %dma_wait3A_618 = arith.constant 0 : i32
      %dma_wait3A_619 = arith.constant 0 : i32
      %dma_wait3A_620 = tpu.memref_slice %arg2[%dma_wait3A_618, %dma_wait3A_619] : memref<10000x64xbf16, #tpu.memory_space<hbm>> -> memref<80x64xbf16, #tpu.memory_space<hbm>>
      tpu.wait_dma2 semaphore(%dma_wait3A_613 : memref<!tpu.dma_semaphore, #tpu.memory_space<semaphore_mem>>) src(%dma_wait3A_620 : memref<80x64xbf16, #tpu.memory_space<hbm>>) dst(%dma_wait3A_617 : memref<80x64xbf16, #tpu.memory_space<vmem>>)
      %gt3A = arith.constant 0 : i32
      %gt3A_621 = arith.cmpi sgt, %scan3A_295, %gt3A : i32
      %convert_element_type3A = arith.extui %gt3A_621 : i1 to i32
      %cond3A = arith.constant 0 : i32
      %cond3A_622 = arith.cmpi ne, %convert_element_type3A, %cond3A : i32
      scf.if %cond3A_622 {
        %dma_wait3A_1002 = arith.constant 0 : i32
        %dma_wait3A_1003 = arith.constant 0 : i32
        %dma_wait3A_1004 = arith.constant 0 : i32
        %dma_wait3A_1005 = tpu.memref_slice %arg12[%dma_wait3A_1002, %dma_wait3A_1004] : memref<2x400xf32, #tpu.memory_space<vmem>> -> memref<1x400xf32, #tpu.memory_space<vmem>>
        %dma_wait3A_1006 = tpu.memref_squeeze %dma_wait3A_1005 : memref<1x400xf32, #tpu.memory_space<vmem>> -> memref<400xf32, #tpu.memory_space<vmem>>
        %dma_wait3A_1007 = arith.constant 0 : i32
        %dma_wait3A_1008 = tpu.memref_slice %arg7[%dma_wait3A_1007] : memref<320000xf32, #tpu.memory_space<hbm>> -> memref<400xf32, #tpu.memory_space<hbm>>
        %dma_wait3A_1009 = tpu.memref_slice %arg18[%dma_wait3A_1003] : memref<2x!tpu.dma_semaphore, #tpu.memory_space<semaphore_mem>> -> memref<1x!tpu.dma_semaphore, #tpu.memory_space<semaphore_mem>>
        %dma_wait3A_1010 = tpu.memref_squeeze %dma_wait3A_1009 : memref<1x!tpu.dma_semaphore, #tpu.memory_space<semaphore_mem>> -> memref<!tpu.dma_semaphore, #tpu.memory_space<semaphore_mem>>
        %dma_wait3A_1011 = arith.constant 0 : i32
        %dma_wait3A_1012 = tpu.memref_slice %arg7[%dma_wait3A_1011] : memref<320000xf32, #tpu.memory_space<hbm>> -> memref<400xf32, #tpu.memory_space<hbm>>
        %dma_wait3A_1013 = arith.constant 0 : i32
        %dma_wait3A_1014 = tpu.memref_slice %arg12[%dma_wait3A_1002, %dma_wait3A_1013] : memref<2x400xf32, #tpu.memory_space<vmem>> -> memref<1x400xf32, #tpu.memory_space<vmem>>
        %dma_wait3A_1015 = tpu.memref_squeeze %dma_wait3A_1014 : memref<1x400xf32, #tpu.memory_space<vmem>> -> memref<400xf32, #tpu.memory_space<vmem>>
        tpu.wait_dma2 semaphore(%dma_wait3A_1010 : memref<!tpu.dma_semaphore, #tpu.memory_space<semaphore_mem>>) src(%dma_wait3A_1015 : memref<400xf32, #tpu.memory_space<vmem>>) dst(%dma_wait3A_1012 : memref<400xf32, #tpu.memory_space<hbm>>)
      } else {
      }
      %scan3A_623 = arith.constant 0 : i32
      %scan3A_624 = arith.constant 0 : i32
      %scan3A_625 = arith.constant 25 : i32
      %scan3A_626 = arith.addi %scan3A_624, %scan3A_625 : i32
      %scan3A_627 = arith.constant 1 : i32
      scf.for %scan3A_1002 = %scan3A_624 to %scan3A_626 step %scan3A_627  : i32 {
        %mul3A_1003 = arith.constant 16 : i32
        %mul3A_1004 = arith.muli %scan3A_1002, %mul3A_1003 : i32
        %add3A_1005 = arith.constant 0 : i32
        %add3A_1006 = arith.addi %mul3A_1004, %add3A_1005 : i32
        %add3A_1007 = arith.constant 0 : i32
        %add3A_1008 = arith.addi %add3A_1006, %add3A_1007 : i32
        %get3A_1009 = arith.constant 0 : i32
        %get3A_1010 = arith.index_cast %get3A_1009 : i32 to index
        %get3A_1011 = arith.index_cast %add3A_1008 : i32 to index
        %get3A_1012 = arith.constant 0 : index
        %get3A_1013 = tpu.vector_load %arg10[%get3A_1010, %get3A_1011, %get3A_1012] {strides = array<i32>} : memref<2x400x64xbf16, #tpu.memory_space<vmem>>, vector<32xbf16>,
        %get3A_1014 = arith.constant 0 : i32
        %get3A_1015 = arith.index_cast %get3A_1014 : i32 to index
        %get3A_1016 = arith.index_cast %add3A_1008 : i32 to index
        %get3A_1017 = arith.constant 0 : index
        %get3A_1018 = tpu.vector_load %arg11[%get3A_1015, %get3A_1016, %get3A_1017] {strides = array<i32>} : memref<2x400x64xbf16, #tpu.memory_space<vmem>>, vector<32xbf16>,
        %add3A_1019 = arith.addf %get3A_1013, %get3A_1018 : vector<32xbf16>
        %max3A = arith.constant 0.000000e+00 : bf16
        %max3A_1020 = vector.broadcast %max3A : bf16 to vector<32xbf16>
        %max3A_1021 = arith.maximumf %add3A_1019, %max3A_1020 : vector<32xbf16>
        %mul3A_1022 = arith.mulf %max3A_1021, %pack3A : vector<32xbf16>
        %mul3A_1023 = arith.constant 16 : i32
        %mul3A_1024 = arith.muli %scan3A_1002, %mul3A_1023 : i32
        %add3A_1025 = arith.constant 0 : i32
        %add3A_1026 = arith.addi %mul3A_1024, %add3A_1025 : i32
        %add3A_1027 = arith.constant 1 : i32
        %add3A_1028 = arith.addi %add3A_1026, %add3A_1027 : i32
        %get3A_1029 = arith.constant 0 : i32
        %get3A_1030 = arith.index_cast %get3A_1029 : i32 to index
        %get3A_1031 = arith.index_cast %add3A_1028 : i32 to index
        %get3A_1032 = arith.constant 0 : index
        %get3A_1033 = tpu.vector_load %arg10[%get3A_1030, %get3A_1031, %get3A_1032] {strides = array<i32>} : memref<2x400x64xbf16, #tpu.memory_space<vmem>>, vector<32xbf16>,
        %get3A_1034 = arith.constant 0 : i32
        %get3A_1035 = arith.index_cast %get3A_1034 : i32 to index
        %get3A_1036 = arith.index_cast %add3A_1028 : i32 to index
        %get3A_1037 = arith.constant 0 : index
        %get3A_1038 = tpu.vector_load %arg11[%get3A_1035, %get3A_1036, %get3A_1037] {strides = array<i32>} : memref<2x400x64xbf16, #tpu.memory_space<vmem>>, vector<32xbf16>,
        %add3A_1039 = arith.addf %get3A_1033, %get3A_1038 : vector<32xbf16>
        %max3A_1040 = arith.constant 0.000000e+00 : bf16
        %max3A_1041 = vector.broadcast %max3A_1040 : bf16 to vector<32xbf16>
        %max3A_1042 = arith.maximumf %add3A_1039, %max3A_1041 : vector<32xbf16>
        %mul3A_1043 = arith.mulf %max3A_1042, %pack3A : vector<32xbf16>
        %mul3A_1044 = arith.constant 16 : i32
        %mul3A_1045 = arith.muli %scan3A_1002, %mul3A_1044 : i32
        %add3A_1046 = arith.constant 0 : i32
        %add3A_1047 = arith.addi %mul3A_1045, %add3A_1046 : i32
        %add3A_1048 = arith.constant 2 : i32
        %add3A_1049 = arith.addi %add3A_1047, %add3A_1048 : i32
        %get3A_1050 = arith.constant 0 : i32
        %get3A_1051 = arith.index_cast %get3A_1050 : i32 to index
        %get3A_1052 = arith.index_cast %add3A_1049 : i32 to index
        %get3A_1053 = arith.constant 0 : index
        %get3A_1054 = tpu.vector_load %arg10[%get3A_1051, %get3A_1052, %get3A_1053] {strides = array<i32>} : memref<2x400x64xbf16, #tpu.memory_space<vmem>>, vector<32xbf16>,
        %get3A_1055 = arith.constant 0 : i32
        %get3A_1056 = arith.index_cast %get3A_1055 : i32 to index
        %get3A_1057 = arith.index_cast %add3A_1049 : i32 to index
        %get3A_1058 = arith.constant 0 : index
        %get3A_1059 = tpu.vector_load %arg11[%get3A_1056, %get3A_1057, %get3A_1058] {strides = array<i32>} : memref<2x400x64xbf16, #tpu.memory_space<vmem>>, vector<32xbf16>,
        %add3A_1060 = arith.addf %get3A_1054, %get3A_1059 : vector<32xbf16>
        %max3A_1061 = arith.constant 0.000000e+00 : bf16
        %max3A_1062 = vector.broadcast %max3A_1061 : bf16 to vector<32xbf16>
        %max3A_1063 = arith.maximumf %add3A_1060, %max3A_1062 : vector<32xbf16>
        %mul3A_1064 = arith.mulf %max3A_1063, %pack3A : vector<32xbf16>
        %mul3A_1065 = arith.constant 16 : i32
        %mul3A_1066 = arith.muli %scan3A_1002, %mul3A_1065 : i32
        %add3A_1067 = arith.constant 0 : i32
        %add3A_1068 = arith.addi %mul3A_1066, %add3A_1067 : i32
        %add3A_1069 = arith.constant 3 : i32
        %add3A_1070 = arith.addi %add3A_1068, %add3A_1069 : i32
        %get3A_1071 = arith.constant 0 : i32
        %get3A_1072 = arith.index_cast %get3A_1071 : i32 to index
        %get3A_1073 = arith.index_cast %add3A_1070 : i32 to index
        %get3A_1074 = arith.constant 0 : index
        %get3A_1075 = tpu.vector_load %arg10[%get3A_1072, %get3A_1073, %get3A_1074] {strides = array<i32>} : memref<2x400x64xbf16, #tpu.memory_space<vmem>>, vector<32xbf16>,
        %get3A_1076 = arith.constant 0 : i32
        %get3A_1077 = arith.index_cast %get3A_1076 : i32 to index
        %get3A_1078 = arith.index_cast %add3A_1070 : i32 to index
        %get3A_1079 = arith.constant 0 : index
        %get3A_1080 = tpu.vector_load %arg11[%get3A_1077, %get3A_1078, %get3A_1079] {strides = array<i32>} : memref<2x400x64xbf16, #tpu.memory_space<vmem>>, vector<32xbf16>,
        %add3A_1081 = arith.addf %get3A_1075, %get3A_1080 : vector<32xbf16>
        %max3A_1082 = arith.constant 0.000000e+00 : bf16
        %max3A_1083 = vector.broadcast %max3A_1082 : bf16 to vector<32xbf16>
        %max3A_1084 = arith.maximumf %add3A_1081, %max3A_1083 : vector<32xbf16>
        %mul3A_1085 = arith.mulf %max3A_1084, %pack3A : vector<32xbf16>
        %mul3A_1086 = arith.constant 16 : i32
        %mul3A_1087 = arith.muli %scan3A_1002, %mul3A_1086 : i32
        %add3A_1088 = arith.constant 0 : i32
        %add3A_1089 = arith.addi %mul3A_1087, %add3A_1088 : i32
        %add3A_1090 = arith.constant 0 : i32
        %add3A_1091 = arith.addi %add3A_1089, %add3A_1090 : i32
        %get3A_1092 = arith.constant 0 : i32
        %get3A_1093 = arith.index_cast %get3A_1092 : i32 to index
        %get3A_1094 = arith.index_cast %add3A_1091 : i32 to index
        %get3A_1095 = arith.constant 32 : index
        %get3A_1096 = tpu.vector_load %arg10[%get3A_1093, %get3A_1094, %get3A_1095] {strides = array<i32>} : memref<2x400x64xbf16, #tpu.memory_space<vmem>>, vector<32xbf16>,
        %get3A_1097 = arith.constant 0 : i32
        %get3A_1098 = arith.index_cast %get3A_1097 : i32 to index
        %get3A_1099 = arith.index_cast %add3A_1091 : i32 to index
        %get3A_1100 = arith.constant 32 : index
        %get3A_1101 = tpu.vector_load %arg11[%get3A_1098, %get3A_1099, %get3A_1100] {strides = array<i32>} : memref<2x400x64xbf16, #tpu.memory_space<vmem>>, vector<32xbf16>,
        %add3A_1102 = arith.addf %get3A_1096, %get3A_1101 : vector<32xbf16>
        %max3A_1103 = arith.constant 0.000000e+00 : bf16
        %max3A_1104 = vector.broadcast %max3A_1103 : bf16 to vector<32xbf16>
        %max3A_1105 = arith.maximumf %add3A_1102, %max3A_1104 : vector<32xbf16>
        %mul3A_1106 = arith.mulf %max3A_1105, %pack3A_20 : vector<32xbf16>
        %add3A_1107 = arith.addf %mul3A_1022, %mul3A_1106 : vector<32xbf16>
        %mul3A_1108 = arith.constant 16 : i32
        %mul3A_1109 = arith.muli %scan3A_1002, %mul3A_1108 : i32
        %add3A_1110 = arith.constant 0 : i32
        %add3A_1111 = arith.addi %mul3A_1109, %add3A_1110 : i32
        %add3A_1112 = arith.constant 1 : i32
        %add3A_1113 = arith.addi %add3A_1111, %add3A_1112 : i32
        %get3A_1114 = arith.constant 0 : i32
        %get3A_1115 = arith.index_cast %get3A_1114 : i32 to index
        %get3A_1116 = arith.index_cast %add3A_1113 : i32 to index
        %get3A_1117 = arith.constant 32 : index
        %get3A_1118 = tpu.vector_load %arg10[%get3A_1115, %get3A_1116, %get3A_1117] {strides = array<i32>} : memref<2x400x64xbf16, #tpu.memory_space<vmem>>, vector<32xbf16>,
        %get3A_1119 = arith.constant 0 : i32
        %get3A_1120 = arith.index_cast %get3A_1119 : i32 to index
        %get3A_1121 = arith.index_cast %add3A_1113 : i32 to index
        %get3A_1122 = arith.constant 32 : index
        %get3A_1123 = tpu.vector_load %arg11[%get3A_1120, %get3A_1121, %get3A_1122] {strides = array<i32>} : memref<2x400x64xbf16, #tpu.memory_space<vmem>>, vector<32xbf16>,
        %add3A_1124 = arith.addf %get3A_1118, %get3A_1123 : vector<32xbf16>
        %max3A_1125 = arith.constant 0.000000e+00 : bf16
        %max3A_1126 = vector.broadcast %max3A_1125 : bf16 to vector<32xbf16>
        %max3A_1127 = arith.maximumf %add3A_1124, %max3A_1126 : vector<32xbf16>
        %mul3A_1128 = arith.mulf %max3A_1127, %pack3A_20 : vector<32xbf16>
        %add3A_1129 = arith.addf %mul3A_1043, %mul3A_1128 : vector<32xbf16>
        %mul3A_1130 = arith.constant 16 : i32
        %mul3A_1131 = arith.muli %scan3A_1002, %mul3A_1130 : i32
        %add3A_1132 = arith.constant 0 : i32
        %add3A_1133 = arith.addi %mul3A_1131, %add3A_1132 : i32
        %add3A_1134 = arith.constant 2 : i32
        %add3A_1135 = arith.addi %add3A_1133, %add3A_1134 : i32
        %get3A_1136 = arith.constant 0 : i32
        %get3A_1137 = arith.index_cast %get3A_1136 : i32 to index
        %get3A_1138 = arith.index_cast %add3A_1135 : i32 to index
        %get3A_1139 = arith.constant 32 : index
        %get3A_1140 = tpu.vector_load %arg10[%get3A_1137, %get3A_1138, %get3A_1139] {strides = array<i32>} : memref<2x400x64xbf16, #tpu.memory_space<vmem>>, vector<32xbf16>,
        %get3A_1141 = arith.constant 0 : i32
        %get3A_1142 = arith.index_cast %get3A_1141 : i32 to index
        %get3A_1143 = arith.index_cast %add3A_1135 : i32 to index
        %get3A_1144 = arith.constant 32 : index
        %get3A_1145 = tpu.vector_load %arg11[%get3A_1142, %get3A_1143, %get3A_1144] {strides = array<i32>} : memref<2x400x64xbf16, #tpu.memory_space<vmem>>, vector<32xbf16>,
        %add3A_1146 = arith.addf %get3A_1140, %get3A_1145 : vector<32xbf16>
        %max3A_1147 = arith.constant 0.000000e+00 : bf16
        %max3A_1148 = vector.broadcast %max3A_1147 : bf16 to vector<32xbf16>
        %max3A_1149 = arith.maximumf %add3A_1146, %max3A_1148 : vector<32xbf16>
        %mul3A_1150 = arith.mulf %max3A_1149, %pack3A_20 : vector<32xbf16>
        %add3A_1151 = arith.addf %mul3A_1064, %mul3A_1150 : vector<32xbf16>
        %mul3A_1152 = arith.constant 16 : i32
        %mul3A_1153 = arith.muli %scan3A_1002, %mul3A_1152 : i32
        %add3A_1154 = arith.constant 0 : i32
        %add3A_1155 = arith.addi %mul3A_1153, %add3A_1154 : i32
        %add3A_1156 = arith.constant 3 : i32
        %add3A_1157 = arith.addi %add3A_1155, %add3A_1156 : i32
        %get3A_1158 = arith.constant 0 : i32
        %get3A_1159 = arith.index_cast %get3A_1158 : i32 to index
        %get3A_1160 = arith.index_cast %add3A_1157 : i32 to index
        %get3A_1161 = arith.constant 32 : index
        %get3A_1162 = tpu.vector_load %arg10[%get3A_1159, %get3A_1160, %get3A_1161] {strides = array<i32>} : memref<2x400x64xbf16, #tpu.memory_space<vmem>>, vector<32xbf16>,
        %get3A_1163 = arith.constant 0 : i32
        %get3A_1164 = arith.index_cast %get3A_1163 : i32 to index
        %get3A_1165 = arith.index_cast %add3A_1157 : i32 to index
        %get3A_1166 = arith.constant 32 : index
        %get3A_1167 = tpu.vector_load %arg11[%get3A_1164, %get3A_1165, %get3A_1166] {strides = array<i32>} : memref<2x400x64xbf16, #tpu.memory_space<vmem>>, vector<32xbf16>,
        %add3A_1168 = arith.addf %get3A_1162, %get3A_1167 : vector<32xbf16>
        %max3A_1169 = arith.constant 0.000000e+00 : bf16
        %max3A_1170 = vector.broadcast %max3A_1169 : bf16 to vector<32xbf16>
        %max3A_1171 = arith.maximumf %add3A_1168, %max3A_1170 : vector<32xbf16>
        %mul3A_1172 = arith.mulf %max3A_1171, %pack3A_20 : vector<32xbf16>
        %add3A_1173 = arith.addf %mul3A_1085, %mul3A_1172 : vector<32xbf16>
        %unpack3A = tpu.unpack_subelements %add3A_1107, 0 {pack_format = #tpu.pack_format<interleaved>} : vector<32xbf16> -> vector<16xf32>
        %unpack3A_1174 = tpu.unpack_subelements %add3A_1107, 1 {pack_format = #tpu.pack_format<interleaved>} : vector<32xbf16> -> vector<16xf32>
        %add3A_1175 = arith.addf %unpack3A, %unpack3A_1174 : vector<16xf32>
        %swap3A = arith.constant 0 : index
        %swap3A_1176 = tpu.vector_load %arg14[%swap3A] {strides = array<i32>} : memref<256xf32, #tpu.memory_space<vmem>>, vector<16xf32>,
        tpu.vector_store %arg14[%swap3A], %add3A_1175 {strides = array<i32>} : memref<256xf32, #tpu.memory_space<vmem>>, vector<16xf32>,
        %unpack3A_1177 = tpu.unpack_subelements %add3A_1129, 0 {pack_format = #tpu.pack_format<interleaved>} : vector<32xbf16> -> vector<16xf32>
        %unpack3A_1178 = tpu.unpack_subelements %add3A_1129, 1 {pack_format = #tpu.pack_format<interleaved>} : vector<32xbf16> -> vector<16xf32>
        %add3A_1179 = arith.addf %unpack3A_1177, %unpack3A_1178 : vector<16xf32>
        %swap3A_1180 = arith.constant 16 : index
        %swap3A_1181 = tpu.vector_load %arg14[%swap3A_1180] {strides = array<i32>} : memref<256xf32, #tpu.memory_space<vmem>>, vector<16xf32>,
        tpu.vector_store %arg14[%swap3A_1180], %add3A_1179 {strides = array<i32>} : memref<256xf32, #tpu.memory_space<vmem>>, vector<16xf32>,
        %unpack3A_1182 = tpu.unpack_subelements %add3A_1151, 0 {pack_format = #tpu.pack_format<interleaved>} : vector<32xbf16> -> vector<16xf32>
        %unpack3A_1183 = tpu.unpack_subelements %add3A_1151, 1 {pack_format = #tpu.pack_format<interleaved>} : vector<32xbf16> -> vector<16xf32>
        %add3A_1184 = arith.addf %unpack3A_1182, %unpack3A_1183 : vector<16xf32>
        %swap3A_1185 = arith.constant 32 : index
        %swap3A_1186 = tpu.vector_load %arg14[%swap3A_1185] {strides = array<i32>} : memref<256xf32, #tpu.memory_space<vmem>>, vector<16xf32>,
        tpu.vector_store %arg14[%swap3A_1185], %add3A_1184 {strides = array<i32>} : memref<256xf32, #tpu.memory_space<vmem>>, vector<16xf32>,
        %unpack3A_1187 = tpu.unpack_subelements %add3A_1173, 0 {pack_format = #tpu.pack_format<interleaved>} : vector<32xbf16> -> vector<16xf32>
        %unpack3A_1188 = tpu.unpack_subelements %add3A_1173, 1 {pack_format = #tpu.pack_format<interleaved>} : vector<32xbf16> -> vector<16xf32>
        %add3A_1189 = arith.addf %unpack3A_1187, %unpack3A_1188 : vector<16xf32>
        %swap3A_1190 = arith.constant 48 : index
        %swap3A_1191 = tpu.vector_load %arg14[%swap3A_1190] {strides = array<i32>} : memref<256xf32, #tpu.memory_space<vmem>>, vector<16xf32>,
        tpu.vector_store %arg14[%swap3A_1190], %add3A_1189 {strides = array<i32>} : memref<256xf32, #tpu.memory_space<vmem>>, vector<16xf32>,
        %mul3A_1192 = arith.constant 16 : i32
        %mul3A_1193 = arith.muli %scan3A_1002, %mul3A_1192 : i32
        %add3A_1194 = arith.constant 4 : i32
        %add3A_1195 = arith.addi %mul3A_1193, %add3A_1194 : i32
        %add3A_1196 = arith.constant 0 : i32
        %add3A_1197 = arith.addi %add3A_1195, %add3A_1196 : i32
        %get3A_1198 = arith.constant 0 : i32
        %get3A_1199 = arith.index_cast %get3A_1198 : i32 to index
        %get3A_1200 = arith.index_cast %add3A_1197 : i32 to index
        %get3A_1201 = arith.constant 0 : index
        %get3A_1202 = tpu.vector_load %arg10[%get3A_1199, %get3A_1200, %get3A_1201] {strides = array<i32>} : memref<2x400x64xbf16, #tpu.memory_space<vmem>>, vector<32xbf16>,
        %get3A_1203 = arith.constant 0 : i32
        %get3A_1204 = arith.index_cast %get3A_1203 : i32 to index
        %get3A_1205 = arith.index_cast %add3A_1197 : i32 to index
        %get3A_1206 = arith.constant 0 : index
        %get3A_1207 = tpu.vector_load %arg11[%get3A_1204, %get3A_1205, %get3A_1206] {strides = array<i32>} : memref<2x400x64xbf16, #tpu.memory_space<vmem>>, vector<32xbf16>,
        %add3A_1208 = arith.addf %get3A_1202, %get3A_1207 : vector<32xbf16>
        %max3A_1209 = arith.constant 0.000000e+00 : bf16
        %max3A_1210 = vector.broadcast %max3A_1209 : bf16 to vector<32xbf16>
        %max3A_1211 = arith.maximumf %add3A_1208, %max3A_1210 : vector<32xbf16>
        %mul3A_1212 = arith.mulf %max3A_1211, %pack3A : vector<32xbf16>
        %mul3A_1213 = arith.constant 16 : i32
        %mul3A_1214 = arith.muli %scan3A_1002, %mul3A_1213 : i32
        %add3A_1215 = arith.constant 4 : i32
        %add3A_1216 = arith.addi %mul3A_1214, %add3A_1215 : i32
        %add3A_1217 = arith.constant 1 : i32
        %add3A_1218 = arith.addi %add3A_1216, %add3A_1217 : i32
        %get3A_1219 = arith.constant 0 : i32
        %get3A_1220 = arith.index_cast %get3A_1219 : i32 to index
        %get3A_1221 = arith.index_cast %add3A_1218 : i32 to index
        %get3A_1222 = arith.constant 0 : index
        %get3A_1223 = tpu.vector_load %arg10[%get3A_1220, %get3A_1221, %get3A_1222] {strides = array<i32>} : memref<2x400x64xbf16, #tpu.memory_space<vmem>>, vector<32xbf16>,
        %get3A_1224 = arith.constant 0 : i32
        %get3A_1225 = arith.index_cast %get3A_1224 : i32 to index
        %get3A_1226 = arith.index_cast %add3A_1218 : i32 to index
        %get3A_1227 = arith.constant 0 : index
        %get3A_1228 = tpu.vector_load %arg11[%get3A_1225, %get3A_1226, %get3A_1227] {strides = array<i32>} : memref<2x400x64xbf16, #tpu.memory_space<vmem>>, vector<32xbf16>,
        %add3A_1229 = arith.addf %get3A_1223, %get3A_1228 : vector<32xbf16>
        %max3A_1230 = arith.constant 0.000000e+00 : bf16
        %max3A_1231 = vector.broadcast %max3A_1230 : bf16 to vector<32xbf16>
        %max3A_1232 = arith.maximumf %add3A_1229, %max3A_1231 : vector<32xbf16>
        %mul3A_1233 = arith.mulf %max3A_1232, %pack3A : vector<32xbf16>
        %mul3A_1234 = arith.constant 16 : i32
        %mul3A_1235 = arith.muli %scan3A_1002, %mul3A_1234 : i32
        %add3A_1236 = arith.constant 4 : i32
        %add3A_1237 = arith.addi %mul3A_1235, %add3A_1236 : i32
        %add3A_1238 = arith.constant 2 : i32
        %add3A_1239 = arith.addi %add3A_1237, %add3A_1238 : i32
        %get3A_1240 = arith.constant 0 : i32
        %get3A_1241 = arith.index_cast %get3A_1240 : i32 to index
        %get3A_1242 = arith.index_cast %add3A_1239 : i32 to index
        %get3A_1243 = arith.constant 0 : index
        %get3A_1244 = tpu.vector_load %arg10[%get3A_1241, %get3A_1242, %get3A_1243] {strides = array<i32>} : memref<2x400x64xbf16, #tpu.memory_space<vmem>>, vector<32xbf16>,
        %get3A_1245 = arith.constant 0 : i32
        %get3A_1246 = arith.index_cast %get3A_1245 : i32 to index
        %get3A_1247 = arith.index_cast %add3A_1239 : i32 to index
        %get3A_1248 = arith.constant 0 : index
        %get3A_1249 = tpu.vector_load %arg11[%get3A_1246, %get3A_1247, %get3A_1248] {strides = array<i32>} : memref<2x400x64xbf16, #tpu.memory_space<vmem>>, vector<32xbf16>,
        %add3A_1250 = arith.addf %get3A_1244, %get3A_1249 : vector<32xbf16>
        %max3A_1251 = arith.constant 0.000000e+00 : bf16
        %max3A_1252 = vector.broadcast %max3A_1251 : bf16 to vector<32xbf16>
        %max3A_1253 = arith.maximumf %add3A_1250, %max3A_1252 : vector<32xbf16>
        %mul3A_1254 = arith.mulf %max3A_1253, %pack3A : vector<32xbf16>
        %mul3A_1255 = arith.constant 16 : i32
        %mul3A_1256 = arith.muli %scan3A_1002, %mul3A_1255 : i32
        %add3A_1257 = arith.constant 4 : i32
        %add3A_1258 = arith.addi %mul3A_1256, %add3A_1257 : i32
        %add3A_1259 = arith.constant 3 : i32
        %add3A_1260 = arith.addi %add3A_1258, %add3A_1259 : i32
        %get3A_1261 = arith.constant 0 : i32
        %get3A_1262 = arith.index_cast %get3A_1261 : i32 to index
        %get3A_1263 = arith.index_cast %add3A_1260 : i32 to index
        %get3A_1264 = arith.constant 0 : index
        %get3A_1265 = tpu.vector_load %arg10[%get3A_1262, %get3A_1263, %get3A_1264] {strides = array<i32>} : memref<2x400x64xbf16, #tpu.memory_space<vmem>>, vector<32xbf16>,
        %get3A_1266 = arith.constant 0 : i32
        %get3A_1267 = arith.index_cast %get3A_1266 : i32 to index
        %get3A_1268 = arith.index_cast %add3A_1260 : i32 to index
        %get3A_1269 = arith.constant 0 : index
        %get3A_1270 = tpu.vector_load %arg11[%get3A_1267, %get3A_1268, %get3A_1269] {strides = array<i32>} : memref<2x400x64xbf16, #tpu.memory_space<vmem>>, vector<32xbf16>,
        %add3A_1271 = arith.addf %get3A_1265, %get3A_1270 : vector<32xbf16>
        %max3A_1272 = arith.constant 0.000000e+00 : bf16
        %max3A_1273 = vector.broadcast %max3A_1272 : bf16 to vector<32xbf16>
        %max3A_1274 = arith.maximumf %add3A_1271, %max3A_1273 : vector<32xbf16>
        %mul3A_1275 = arith.mulf %max3A_1274, %pack3A : vector<32xbf16>
        %mul3A_1276 = arith.constant 16 : i32
        %mul3A_1277 = arith.muli %scan3A_1002, %mul3A_1276 : i32
        %add3A_1278 = arith.constant 4 : i32
        %add3A_1279 = arith.addi %mul3A_1277, %add3A_1278 : i32
        %add3A_1280 = arith.constant 0 : i32
        %add3A_1281 = arith.addi %add3A_1279, %add3A_1280 : i32
        %get3A_1282 = arith.constant 0 : i32
        %get3A_1283 = arith.index_cast %get3A_1282 : i32 to index
        %get3A_1284 = arith.index_cast %add3A_1281 : i32 to index
        %get3A_1285 = arith.constant 32 : index
        %get3A_1286 = tpu.vector_load %arg10[%get3A_1283, %get3A_1284, %get3A_1285] {strides = array<i32>} : memref<2x400x64xbf16, #tpu.memory_space<vmem>>, vector<32xbf16>,
        %get3A_1287 = arith.constant 0 : i32
        %get3A_1288 = arith.index_cast %get3A_1287 : i32 to index
        %get3A_1289 = arith.index_cast %add3A_1281 : i32 to index
        %get3A_1290 = arith.constant 32 : index
        %get3A_1291 = tpu.vector_load %arg11[%get3A_1288, %get3A_1289, %get3A_1290] {strides = array<i32>} : memref<2x400x64xbf16, #tpu.memory_space<vmem>>, vector<32xbf16>,
        %add3A_1292 = arith.addf %get3A_1286, %get3A_1291 : vector<32xbf16>
        %max3A_1293 = arith.constant 0.000000e+00 : bf16
        %max3A_1294 = vector.broadcast %max3A_1293 : bf16 to vector<32xbf16>
        %max3A_1295 = arith.maximumf %add3A_1292, %max3A_1294 : vector<32xbf16>
        %mul3A_1296 = arith.mulf %max3A_1295, %pack3A_20 : vector<32xbf16>
        %add3A_1297 = arith.addf %mul3A_1212, %mul3A_1296 : vector<32xbf16>
        %mul3A_1298 = arith.constant 16 : i32
        %mul3A_1299 = arith.muli %scan3A_1002, %mul3A_1298 : i32
        %add3A_1300 = arith.constant 4 : i32
        %add3A_1301 = arith.addi %mul3A_1299, %add3A_1300 : i32
        %add3A_1302 = arith.constant 1 : i32
        %add3A_1303 = arith.addi %add3A_1301, %add3A_1302 : i32
        %get3A_1304 = arith.constant 0 : i32
        %get3A_1305 = arith.index_cast %get3A_1304 : i32 to index
        %get3A_1306 = arith.index_cast %add3A_1303 : i32 to index
        %get3A_1307 = arith.constant 32 : index
        %get3A_1308 = tpu.vector_load %arg10[%get3A_1305, %get3A_1306, %get3A_1307] {strides = array<i32>} : memref<2x400x64xbf16, #tpu.memory_space<vmem>>, vector<32xbf16>,
        %get3A_1309 = arith.constant 0 : i32
        %get3A_1310 = arith.index_cast %get3A_1309 : i32 to index
        %get3A_1311 = arith.index_cast %add3A_1303 : i32 to index
        %get3A_1312 = arith.constant 32 : index
        %get3A_1313 = tpu.vector_load %arg11[%get3A_1310, %get3A_1311, %get3A_1312] {strides = array<i32>} : memref<2x400x64xbf16, #tpu.memory_space<vmem>>, vector<32xbf16>,
        %add3A_1314 = arith.addf %get3A_1308, %get3A_1313 : vector<32xbf16>
        %max3A_1315 = arith.constant 0.000000e+00 : bf16
        %max3A_1316 = vector.broadcast %max3A_1315 : bf16 to vector<32xbf16>
        %max3A_1317 = arith.maximumf %add3A_1314, %max3A_1316 : vector<32xbf16>
        %mul3A_1318 = arith.mulf %max3A_1317, %pack3A_20 : vector<32xbf16>
        %add3A_1319 = arith.addf %mul3A_1233, %mul3A_1318 : vector<32xbf16>
        %mul3A_1320 = arith.constant 16 : i32
        %mul3A_1321 = arith.muli %scan3A_1002, %mul3A_1320 : i32
        %add3A_1322 = arith.constant 4 : i32
        %add3A_1323 = arith.addi %mul3A_1321, %add3A_1322 : i32
        %add3A_1324 = arith.constant 2 : i32
        %add3A_1325 = arith.addi %add3A_1323, %add3A_1324 : i32
        %get3A_1326 = arith.constant 0 : i32
        %get3A_1327 = arith.index_cast %get3A_1326 : i32 to index
        %get3A_1328 = arith.index_cast %add3A_1325 : i32 to index
        %get3A_1329 = arith.constant 32 : index
        %get3A_1330 = tpu.vector_load %arg10[%get3A_1327, %get3A_1328, %get3A_1329] {strides = array<i32>} : memref<2x400x64xbf16, #tpu.memory_space<vmem>>, vector<32xbf16>,
        %get3A_1331 = arith.constant 0 : i32
        %get3A_1332 = arith.index_cast %get3A_1331 : i32 to index
        %get3A_1333 = arith.index_cast %add3A_1325 : i32 to index
        %get3A_1334 = arith.constant 32 : index
        %get3A_1335 = tpu.vector_load %arg11[%get3A_1332, %get3A_1333, %get3A_1334] {strides = array<i32>} : memref<2x400x64xbf16, #tpu.memory_space<vmem>>, vector<32xbf16>,
        %add3A_1336 = arith.addf %get3A_1330, %get3A_1335 : vector<32xbf16>
        %max3A_1337 = arith.constant 0.000000e+00 : bf16
        %max3A_1338 = vector.broadcast %max3A_1337 : bf16 to vector<32xbf16>
        %max3A_1339 = arith.maximumf %add3A_1336, %max3A_1338 : vector<32xbf16>
        %mul3A_1340 = arith.mulf %max3A_1339, %pack3A_20 : vector<32xbf16>
        %add3A_1341 = arith.addf %mul3A_1254, %mul3A_1340 : vector<32xbf16>
        %mul3A_1342 = arith.constant 16 : i32
        %mul3A_1343 = arith.muli %scan3A_1002, %mul3A_1342 : i32
        %add3A_1344 = arith.constant 4 : i32
        %add3A_1345 = arith.addi %mul3A_1343, %add3A_1344 : i32
        %add3A_1346 = arith.constant 3 : i32
        %add3A_1347 = arith.addi %add3A_1345, %add3A_1346 : i32
        %get3A_1348 = arith.constant 0 : i32
        %get3A_1349 = arith.index_cast %get3A_1348 : i32 to index
        %get3A_1350 = arith.index_cast %add3A_1347 : i32 to index
        %get3A_1351 = arith.constant 32 : index
        %get3A_1352 = tpu.vector_load %arg10[%get3A_1349, %get3A_1350, %get3A_1351] {strides = array<i32>} : memref<2x400x64xbf16, #tpu.memory_space<vmem>>, vector<32xbf16>,
        %get3A_1353 = arith.constant 0 : i32
        %get3A_1354 = arith.index_cast %get3A_1353 : i32 to index
        %get3A_1355 = arith.index_cast %add3A_1347 : i32 to index
        %get3A_1356 = arith.constant 32 : index
        %get3A_1357 = tpu.vector_load %arg11[%get3A_1354, %get3A_1355, %get3A_1356] {strides = array<i32>} : memref<2x400x64xbf16, #tpu.memory_space<vmem>>, vector<32xbf16>,
        %add3A_1358 = arith.addf %get3A_1352, %get3A_1357 : vector<32xbf16>
        %max3A_1359 = arith.constant 0.000000e+00 : bf16
        %max3A_1360 = vector.broadcast %max3A_1359 : bf16 to vector<32xbf16>
        %max3A_1361 = arith.maximumf %add3A_1358, %max3A_1360 : vector<32xbf16>
        %mul3A_1362 = arith.mulf %max3A_1361, %pack3A_20 : vector<32xbf16>
        %add3A_1363 = arith.addf %mul3A_1275, %mul3A_1362 : vector<32xbf16>
        %unpack3A_1364 = tpu.unpack_subelements %add3A_1297, 0 {pack_format = #tpu.pack_format<interleaved>} : vector<32xbf16> -> vector<16xf32>
        %unpack3A_1365 = tpu.unpack_subelements %add3A_1297, 1 {pack_format = #tpu.pack_format<interleaved>} : vector<32xbf16> -> vector<16xf32>
        %add3A_1366 = arith.addf %unpack3A_1364, %unpack3A_1365 : vector<16xf32>
        %swap3A_1367 = arith.constant 64 : index
        %swap3A_1368 = tpu.vector_load %arg14[%swap3A_1367] {strides = array<i32>} : memref<256xf32, #tpu.memory_space<vmem>>, vector<16xf32>,
        tpu.vector_store %arg14[%swap3A_1367], %add3A_1366 {strides = array<i32>} : memref<256xf32, #tpu.memory_space<vmem>>, vector<16xf32>,
        %unpack3A_1369 = tpu.unpack_subelements %add3A_1319, 0 {pack_format = #tpu.pack_format<interleaved>} : vector<32xbf16> -> vector<16xf32>
        %unpack3A_1370 = tpu.unpack_subelements %add3A_1319, 1 {pack_format = #tpu.pack_format<interleaved>} : vector<32xbf16> -> vector<16xf32>
        %add3A_1371 = arith.addf %unpack3A_1369, %unpack3A_1370 : vector<16xf32>
        %swap3A_1372 = arith.constant 80 : index
        %swap3A_1373 = tpu.vector_load %arg14[%swap3A_1372] {strides = array<i32>} : memref<256xf32, #tpu.memory_space<vmem>>, vector<16xf32>,
        tpu.vector_store %arg14[%swap3A_1372], %add3A_1371 {strides = array<i32>} : memref<256xf32, #tpu.memory_space<vmem>>, vector<16xf32>,
        %unpack3A_1374 = tpu.unpack_subelements %add3A_1341, 0 {pack_format = #tpu.pack_format<interleaved>} : vector<32xbf16> -> vector<16xf32>
        %unpack3A_1375 = tpu.unpack_subelements %add3A_1341, 1 {pack_format = #tpu.pack_format<interleaved>} : vector<32xbf16> -> vector<16xf32>
        %add3A_1376 = arith.addf %unpack3A_1374, %unpack3A_1375 : vector<16xf32>
        %swap3A_1377 = arith.constant 96 : index
        %swap3A_1378 = tpu.vector_load %arg14[%swap3A_1377] {strides = array<i32>} : memref<256xf32, #tpu.memory_space<vmem>>, vector<16xf32>,
        tpu.vector_store %arg14[%swap3A_1377], %add3A_1376 {strides = array<i32>} : memref<256xf32, #tpu.memory_space<vmem>>, vector<16xf32>,
        %unpack3A_1379 = tpu.unpack_subelements %add3A_1363, 0 {pack_format = #tpu.pack_format<interleaved>} : vector<32xbf16> -> vector<16xf32>
        %unpack3A_1380 = tpu.unpack_subelements %add3A_1363, 1 {pack_format = #tpu.pack_format<interleaved>} : vector<32xbf16> -> vector<16xf32>
        %add3A_1381 = arith.addf %unpack3A_1379, %unpack3A_1380 : vector<16xf32>
        %swap3A_1382 = arith.constant 112 : index
        %swap3A_1383 = tpu.vector_load %arg14[%swap3A_1382] {strides = array<i32>} : memref<256xf32, #tpu.memory_space<vmem>>, vector<16xf32>,
        tpu.vector_store %arg14[%swap3A_1382], %add3A_1381 {strides = array<i32>} : memref<256xf32, #tpu.memory_space<vmem>>, vector<16xf32>,
        %mul3A_1384 = arith.constant 16 : i32
        %mul3A_1385 = arith.muli %scan3A_1002, %mul3A_1384 : i32
        %add3A_1386 = arith.constant 8 : i32
        %add3A_1387 = arith.addi %mul3A_1385, %add3A_1386 : i32
        %add3A_1388 = arith.constant 0 : i32
        %add3A_1389 = arith.addi %add3A_1387, %add3A_1388 : i32
        %get3A_1390 = arith.constant 0 : i32
        %get3A_1391 = arith.index_cast %get3A_1390 : i32 to index
        %get3A_1392 = arith.index_cast %add3A_1389 : i32 to index
        %get3A_1393 = arith.constant 0 : index
        %get3A_1394 = tpu.vector_load %arg10[%get3A_1391, %get3A_1392, %get3A_1393] {strides = array<i32>} : memref<2x400x64xbf16, #tpu.memory_space<vmem>>, vector<32xbf16>,
        %get3A_1395 = arith.constant 0 : i32
        %get3A_1396 = arith.index_cast %get3A_1395 : i32 to index
        %get3A_1397 = arith.index_cast %add3A_1389 : i32 to index
        %get3A_1398 = arith.constant 0 : index
        %get3A_1399 = tpu.vector_load %arg11[%get3A_1396, %get3A_1397, %get3A_1398] {strides = array<i32>} : memref<2x400x64xbf16, #tpu.memory_space<vmem>>, vector<32xbf16>,
        %add3A_1400 = arith.addf %get3A_1394, %get3A_1399 : vector<32xbf16>
        %max3A_1401 = arith.constant 0.000000e+00 : bf16
        %max3A_1402 = vector.broadcast %max3A_1401 : bf16 to vector<32xbf16>
        %max3A_1403 = arith.maximumf %add3A_1400, %max3A_1402 : vector<32xbf16>
        %mul3A_1404 = arith.mulf %max3A_1403, %pack3A : vector<32xbf16>
        %mul3A_1405 = arith.constant 16 : i32
        %mul3A_1406 = arith.muli %scan3A_1002, %mul3A_1405 : i32
        %add3A_1407 = arith.constant 8 : i32
        %add3A_1408 = arith.addi %mul3A_1406, %add3A_1407 : i32
        %add3A_1409 = arith.constant 1 : i32
        %add3A_1410 = arith.addi %add3A_1408, %add3A_1409 : i32
        %get3A_1411 = arith.constant 0 : i32
        %get3A_1412 = arith.index_cast %get3A_1411 : i32 to index
        %get3A_1413 = arith.index_cast %add3A_1410 : i32 to index
        %get3A_1414 = arith.constant 0 : index
        %get3A_1415 = tpu.vector_load %arg10[%get3A_1412, %get3A_1413, %get3A_1414] {strides = array<i32>} : memref<2x400x64xbf16, #tpu.memory_space<vmem>>, vector<32xbf16>,
        %get3A_1416 = arith.constant 0 : i32
        %get3A_1417 = arith.index_cast %get3A_1416 : i32 to index
        %get3A_1418 = arith.index_cast %add3A_1410 : i32 to index
        %get3A_1419 = arith.constant 0 : index
        %get3A_1420 = tpu.vector_load %arg11[%get3A_1417, %get3A_1418, %get3A_1419] {strides = array<i32>} : memref<2x400x64xbf16, #tpu.memory_space<vmem>>, vector<32xbf16>,
        %add3A_1421 = arith.addf %get3A_1415, %get3A_1420 : vector<32xbf16>
        %max3A_1422 = arith.constant 0.000000e+00 : bf16
        %max3A_1423 = vector.broadcast %max3A_1422 : bf16 to vector<32xbf16>
        %max3A_1424 = arith.maximumf %add3A_1421, %max3A_1423 : vector<32xbf16>
        %mul3A_1425 = arith.mulf %max3A_1424, %pack3A : vector<32xbf16>
        %mul3A_1426 = arith.constant 16 : i32
        %mul3A_1427 = arith.muli %scan3A_1002, %mul3A_1426 : i32
        %add3A_1428 = arith.constant 8 : i32
        %add3A_1429 = arith.addi %mul3A_1427, %add3A_1428 : i32
        %add3A_1430 = arith.constant 2 : i32
        %add3A_1431 = arith.addi %add3A_1429, %add3A_1430 : i32
        %get3A_1432 = arith.constant 0 : i32
        %get3A_1433 = arith.index_cast %get3A_1432 : i32 to index
        %get3A_1434 = arith.index_cast %add3A_1431 : i32 to index
        %get3A_1435 = arith.constant 0 : index
        %get3A_1436 = tpu.vector_load %arg10[%get3A_1433, %get3A_1434, %get3A_1435] {strides = array<i32>} : memref<2x400x64xbf16, #tpu.memory_space<vmem>>, vector<32xbf16>,
        %get3A_1437 = arith.constant 0 : i32
        %get3A_1438 = arith.index_cast %get3A_1437 : i32 to index
        %get3A_1439 = arith.index_cast %add3A_1431 : i32 to index
        %get3A_1440 = arith.constant 0 : index
        %get3A_1441 = tpu.vector_load %arg11[%get3A_1438, %get3A_1439, %get3A_1440] {strides = array<i32>} : memref<2x400x64xbf16, #tpu.memory_space<vmem>>, vector<32xbf16>,
        %add3A_1442 = arith.addf %get3A_1436, %get3A_1441 : vector<32xbf16>
        %max3A_1443 = arith.constant 0.000000e+00 : bf16
        %max3A_1444 = vector.broadcast %max3A_1443 : bf16 to vector<32xbf16>
        %max3A_1445 = arith.maximumf %add3A_1442, %max3A_1444 : vector<32xbf16>
        %mul3A_1446 = arith.mulf %max3A_1445, %pack3A : vector<32xbf16>
        %mul3A_1447 = arith.constant 16 : i32
        %mul3A_1448 = arith.muli %scan3A_1002, %mul3A_1447 : i32
        %add3A_1449 = arith.constant 8 : i32
        %add3A_1450 = arith.addi %mul3A_1448, %add3A_1449 : i32
        %add3A_1451 = arith.constant 3 : i32
        %add3A_1452 = arith.addi %add3A_1450, %add3A_1451 : i32
        %get3A_1453 = arith.constant 0 : i32
        %get3A_1454 = arith.index_cast %get3A_1453 : i32 to index
        %get3A_1455 = arith.index_cast %add3A_1452 : i32 to index
        %get3A_1456 = arith.constant 0 : index
        %get3A_1457 = tpu.vector_load %arg10[%get3A_1454, %get3A_1455, %get3A_1456] {strides = array<i32>} : memref<2x400x64xbf16, #tpu.memory_space<vmem>>, vector<32xbf16>,
        %get3A_1458 = arith.constant 0 : i32
        %get3A_1459 = arith.index_cast %get3A_1458 : i32 to index
        %get3A_1460 = arith.index_cast %add3A_1452 : i32 to index
        %get3A_1461 = arith.constant 0 : index
        %get3A_1462 = tpu.vector_load %arg11[%get3A_1459, %get3A_1460, %get3A_1461] {strides = array<i32>} : memref<2x400x64xbf16, #tpu.memory_space<vmem>>, vector<32xbf16>,
        %add3A_1463 = arith.addf %get3A_1457, %get3A_1462 : vector<32xbf16>
        %max3A_1464 = arith.constant 0.000000e+00 : bf16
        %max3A_1465 = vector.broadcast %max3A_1464 : bf16 to vector<32xbf16>
        %max3A_1466 = arith.maximumf %add3A_1463, %max3A_1465 : vector<32xbf16>
        %mul3A_1467 = arith.mulf %max3A_1466, %pack3A : vector<32xbf16>
        %mul3A_1468 = arith.constant 16 : i32
        %mul3A_1469 = arith.muli %scan3A_1002, %mul3A_1468 : i32
        %add3A_1470 = arith.constant 8 : i32
        %add3A_1471 = arith.addi %mul3A_1469, %add3A_1470 : i32
        %add3A_1472 = arith.constant 0 : i32
        %add3A_1473 = arith.addi %add3A_1471, %add3A_1472 : i32
        %get3A_1474 = arith.constant 0 : i32
        %get3A_1475 = arith.index_cast %get3A_1474 : i32 to index
        %get3A_1476 = arith.index_cast %add3A_1473 : i32 to index
        %get3A_1477 = arith.constant 32 : index
        %get3A_1478 = tpu.vector_load %arg10[%get3A_1475, %get3A_1476, %get3A_1477] {strides = array<i32>} : memref<2x400x64xbf16, #tpu.memory_space<vmem>>, vector<32xbf16>,
        %get3A_1479 = arith.constant 0 : i32
        %get3A_1480 = arith.index_cast %get3A_1479 : i32 to index
        %get3A_1481 = arith.index_cast %add3A_1473 : i32 to index
        %get3A_1482 = arith.constant 32 : index
        %get3A_1483 = tpu.vector_load %arg11[%get3A_1480, %get3A_1481, %get3A_1482] {strides = array<i32>} : memref<2x400x64xbf16, #tpu.memory_space<vmem>>, vector<32xbf16>,
        %add3A_1484 = arith.addf %get3A_1478, %get3A_1483 : vector<32xbf16>
        %max3A_1485 = arith.constant 0.000000e+00 : bf16
        %max3A_1486 = vector.broadcast %max3A_1485 : bf16 to vector<32xbf16>
        %max3A_1487 = arith.maximumf %add3A_1484, %max3A_1486 : vector<32xbf16>
        %mul3A_1488 = arith.mulf %max3A_1487, %pack3A_20 : vector<32xbf16>
        %add3A_1489 = arith.addf %mul3A_1404, %mul3A_1488 : vector<32xbf16>
        %mul3A_1490 = arith.constant 16 : i32
        %mul3A_1491 = arith.muli %scan3A_1002, %mul3A_1490 : i32
        %add3A_1492 = arith.constant 8 : i32
        %add3A_1493 = arith.addi %mul3A_1491, %add3A_1492 : i32
        %add3A_1494 = arith.constant 1 : i32
        %add3A_1495 = arith.addi %add3A_1493, %add3A_1494 : i32
        %get3A_1496 = arith.constant 0 : i32
        %get3A_1497 = arith.index_cast %get3A_1496 : i32 to index
        %get3A_1498 = arith.index_cast %add3A_1495 : i32 to index
        %get3A_1499 = arith.constant 32 : index
        %get3A_1500 = tpu.vector_load %arg10[%get3A_1497, %get3A_1498, %get3A_1499] {strides = array<i32>} : memref<2x400x64xbf16, #tpu.memory_space<vmem>>, vector<32xbf16>,
        %get3A_1501 = arith.constant 0 : i32
        %get3A_1502 = arith.index_cast %get3A_1501 : i32 to index
        %get3A_1503 = arith.index_cast %add3A_1495 : i32 to index
        %get3A_1504 = arith.constant 32 : index
        %get3A_1505 = tpu.vector_load %arg11[%get3A_1502, %get3A_1503, %get3A_1504] {strides = array<i32>} : memref<2x400x64xbf16, #tpu.memory_space<vmem>>, vector<32xbf16>,
        %add3A_1506 = arith.addf %get3A_1500, %get3A_1505 : vector<32xbf16>
        %max3A_1507 = arith.constant 0.000000e+00 : bf16
        %max3A_1508 = vector.broadcast %max3A_1507 : bf16 to vector<32xbf16>
        %max3A_1509 = arith.maximumf %add3A_1506, %max3A_1508 : vector<32xbf16>
        %mul3A_1510 = arith.mulf %max3A_1509, %pack3A_20 : vector<32xbf16>
        %add3A_1511 = arith.addf %mul3A_1425, %mul3A_1510 : vector<32xbf16>
        %mul3A_1512 = arith.constant 16 : i32
        %mul3A_1513 = arith.muli %scan3A_1002, %mul3A_1512 : i32
        %add3A_1514 = arith.constant 8 : i32
        %add3A_1515 = arith.addi %mul3A_1513, %add3A_1514 : i32
        %add3A_1516 = arith.constant 2 : i32
        %add3A_1517 = arith.addi %add3A_1515, %add3A_1516 : i32
        %get3A_1518 = arith.constant 0 : i32
        %get3A_1519 = arith.index_cast %get3A_1518 : i32 to index
        %get3A_1520 = arith.index_cast %add3A_1517 : i32 to index
        %get3A_1521 = arith.constant 32 : index
        %get3A_1522 = tpu.vector_load %arg10[%get3A_1519, %get3A_1520, %get3A_1521] {strides = array<i32>} : memref<2x400x64xbf16, #tpu.memory_space<vmem>>, vector<32xbf16>,
        %get3A_1523 = arith.constant 0 : i32
        %get3A_1524 = arith.index_cast %get3A_1523 : i32 to index
        %get3A_1525 = arith.index_cast %add3A_1517 : i32 to index
        %get3A_1526 = arith.constant 32 : index
        %get3A_1527 = tpu.vector_load %arg11[%get3A_1524, %get3A_1525, %get3A_1526] {strides = array<i32>} : memref<2x400x64xbf16, #tpu.memory_space<vmem>>, vector<32xbf16>,
        %add3A_1528 = arith.addf %get3A_1522, %get3A_1527 : vector<32xbf16>
        %max3A_1529 = arith.constant 0.000000e+00 : bf16
        %max3A_1530 = vector.broadcast %max3A_1529 : bf16 to vector<32xbf16>
        %max3A_1531 = arith.maximumf %add3A_1528, %max3A_1530 : vector<32xbf16>
        %mul3A_1532 = arith.mulf %max3A_1531, %pack3A_20 : vector<32xbf16>
        %add3A_1533 = arith.addf %mul3A_1446, %mul3A_1532 : vector<32xbf16>
        %mul3A_1534 = arith.constant 16 : i32
        %mul3A_1535 = arith.muli %scan3A_1002, %mul3A_1534 : i32
        %add3A_1536 = arith.constant 8 : i32
        %add3A_1537 = arith.addi %mul3A_1535, %add3A_1536 : i32
        %add3A_1538 = arith.constant 3 : i32
        %add3A_1539 = arith.addi %add3A_1537, %add3A_1538 : i32
        %get3A_1540 = arith.constant 0 : i32
        %get3A_1541 = arith.index_cast %get3A_1540 : i32 to index
        %get3A_1542 = arith.index_cast %add3A_1539 : i32 to index
        %get3A_1543 = arith.constant 32 : index
        %get3A_1544 = tpu.vector_load %arg10[%get3A_1541, %get3A_1542, %get3A_1543] {strides = array<i32>} : memref<2x400x64xbf16, #tpu.memory_space<vmem>>, vector<32xbf16>,
        %get3A_1545 = arith.constant 0 : i32
        %get3A_1546 = arith.index_cast %get3A_1545 : i32 to index
        %get3A_1547 = arith.index_cast %add3A_1539 : i32 to index
        %get3A_1548 = arith.constant 32 : index
        %get3A_1549 = tpu.vector_load %arg11[%get3A_1546, %get3A_1547, %get3A_1548] {strides = array<i32>} : memref<2x400x64xbf16, #tpu.memory_space<vmem>>, vector<32xbf16>,
        %add3A_1550 = arith.addf %get3A_1544, %get3A_1549 : vector<32xbf16>
        %max3A_1551 = arith.constant 0.000000e+00 : bf16
        %max3A_1552 = vector.broadcast %max3A_1551 : bf16 to vector<32xbf16>
        %max3A_1553 = arith.maximumf %add3A_1550, %max3A_1552 : vector<32xbf16>
        %mul3A_1554 = arith.mulf %max3A_1553, %pack3A_20 : vector<32xbf16>
        %add3A_1555 = arith.addf %mul3A_1467, %mul3A_1554 : vector<32xbf16>
        %unpack3A_1556 = tpu.unpack_subelements %add3A_1489, 0 {pack_format = #tpu.pack_format<interleaved>} : vector<32xbf16> -> vector<16xf32>
        %unpack3A_1557 = tpu.unpack_subelements %add3A_1489, 1 {pack_format = #tpu.pack_format<interleaved>} : vector<32xbf16> -> vector<16xf32>
        %add3A_1558 = arith.addf %unpack3A_1556, %unpack3A_1557 : vector<16xf32>
        %swap3A_1559 = arith.constant 128 : index
        %swap3A_1560 = tpu.vector_load %arg14[%swap3A_1559] {strides = array<i32>} : memref<256xf32, #tpu.memory_space<vmem>>, vector<16xf32>,
        tpu.vector_store %arg14[%swap3A_1559], %add3A_1558 {strides = array<i32>} : memref<256xf32, #tpu.memory_space<vmem>>, vector<16xf32>,
        %unpack3A_1561 = tpu.unpack_subelements %add3A_1511, 0 {pack_format = #tpu.pack_format<interleaved>} : vector<32xbf16> -> vector<16xf32>
        %unpack3A_1562 = tpu.unpack_subelements %add3A_1511, 1 {pack_format = #tpu.pack_format<interleaved>} : vector<32xbf16> -> vector<16xf32>
        %add3A_1563 = arith.addf %unpack3A_1561, %unpack3A_1562 : vector<16xf32>
        %swap3A_1564 = arith.constant 144 : index
        %swap3A_1565 = tpu.vector_load %arg14[%swap3A_1564] {strides = array<i32>} : memref<256xf32, #tpu.memory_space<vmem>>, vector<16xf32>,
        tpu.vector_store %arg14[%swap3A_1564], %add3A_1563 {strides = array<i32>} : memref<256xf32, #tpu.memory_space<vmem>>, vector<16xf32>,
        %unpack3A_1566 = tpu.unpack_subelements %add3A_1533, 0 {pack_format = #tpu.pack_format<interleaved>} : vector<32xbf16> -> vector<16xf32>
        %unpack3A_1567 = tpu.unpack_subelements %add3A_1533, 1 {pack_format = #tpu.pack_format<interleaved>} : vector<32xbf16> -> vector<16xf32>
        %add3A_1568 = arith.addf %unpack3A_1566, %unpack3A_1567 : vector<16xf32>
        %swap3A_1569 = arith.constant 160 : index
        %swap3A_1570 = tpu.vector_load %arg14[%swap3A_1569] {strides = array<i32>} : memref<256xf32, #tpu.memory_space<vmem>>, vector<16xf32>,
        tpu.vector_store %arg14[%swap3A_1569], %add3A_1568 {strides = array<i32>} : memref<256xf32, #tpu.memory_space<vmem>>, vector<16xf32>,
        %unpack3A_1571 = tpu.unpack_subelements %add3A_1555, 0 {pack_format = #tpu.pack_format<interleaved>} : vector<32xbf16> -> vector<16xf32>
        %unpack3A_1572 = tpu.unpack_subelements %add3A_1555, 1 {pack_format = #tpu.pack_format<interleaved>} : vector<32xbf16> -> vector<16xf32>
        %add3A_1573 = arith.addf %unpack3A_1571, %unpack3A_1572 : vector<16xf32>
        %swap3A_1574 = arith.constant 176 : index
        %swap3A_1575 = tpu.vector_load %arg14[%swap3A_1574] {strides = array<i32>} : memref<256xf32, #tpu.memory_space<vmem>>, vector<16xf32>,
        tpu.vector_store %arg14[%swap3A_1574], %add3A_1573 {strides = array<i32>} : memref<256xf32, #tpu.memory_space<vmem>>, vector<16xf32>,
        %mul3A_1576 = arith.constant 16 : i32
        %mul3A_1577 = arith.muli %scan3A_1002, %mul3A_1576 : i32
        %add3A_1578 = arith.constant 12 : i32
        %add3A_1579 = arith.addi %mul3A_1577, %add3A_1578 : i32
        %add3A_1580 = arith.constant 0 : i32
        %add3A_1581 = arith.addi %add3A_1579, %add3A_1580 : i32
        %get3A_1582 = arith.constant 0 : i32
        %get3A_1583 = arith.index_cast %get3A_1582 : i32 to index
        %get3A_1584 = arith.index_cast %add3A_1581 : i32 to index
        %get3A_1585 = arith.constant 0 : index
        %get3A_1586 = tpu.vector_load %arg10[%get3A_1583, %get3A_1584, %get3A_1585] {strides = array<i32>} : memref<2x400x64xbf16, #tpu.memory_space<vmem>>, vector<32xbf16>,
        %get3A_1587 = arith.constant 0 : i32
        %get3A_1588 = arith.index_cast %get3A_1587 : i32 to index
        %get3A_1589 = arith.index_cast %add3A_1581 : i32 to index
        %get3A_1590 = arith.constant 0 : index
        %get3A_1591 = tpu.vector_load %arg11[%get3A_1588, %get3A_1589, %get3A_1590] {strides = array<i32>} : memref<2x400x64xbf16, #tpu.memory_space<vmem>>, vector<32xbf16>,
        %add3A_1592 = arith.addf %get3A_1586, %get3A_1591 : vector<32xbf16>
        %max3A_1593 = arith.constant 0.000000e+00 : bf16
        %max3A_1594 = vector.broadcast %max3A_1593 : bf16 to vector<32xbf16>
        %max3A_1595 = arith.maximumf %add3A_1592, %max3A_1594 : vector<32xbf16>
        %mul3A_1596 = arith.mulf %max3A_1595, %pack3A : vector<32xbf16>
        %mul3A_1597 = arith.constant 16 : i32
        %mul3A_1598 = arith.muli %scan3A_1002, %mul3A_1597 : i32
        %add3A_1599 = arith.constant 12 : i32
        %add3A_1600 = arith.addi %mul3A_1598, %add3A_1599 : i32
        %add3A_1601 = arith.constant 1 : i32
        %add3A_1602 = arith.addi %add3A_1600, %add3A_1601 : i32
        %get3A_1603 = arith.constant 0 : i32
        %get3A_1604 = arith.index_cast %get3A_1603 : i32 to index
        %get3A_1605 = arith.index_cast %add3A_1602 : i32 to index
        %get3A_1606 = arith.constant 0 : index
        %get3A_1607 = tpu.vector_load %arg10[%get3A_1604, %get3A_1605, %get3A_1606] {strides = array<i32>} : memref<2x400x64xbf16, #tpu.memory_space<vmem>>, vector<32xbf16>,
        %get3A_1608 = arith.constant 0 : i32
        %get3A_1609 = arith.index_cast %get3A_1608 : i32 to index
        %get3A_1610 = arith.index_cast %add3A_1602 : i32 to index
        %get3A_1611 = arith.constant 0 : index
        %get3A_1612 = tpu.vector_load %arg11[%get3A_1609, %get3A_1610, %get3A_1611] {strides = array<i32>} : memref<2x400x64xbf16, #tpu.memory_space<vmem>>, vector<32xbf16>,
        %add3A_1613 = arith.addf %get3A_1607, %get3A_1612 : vector<32xbf16>
        %max3A_1614 = arith.constant 0.000000e+00 : bf16
        %max3A_1615 = vector.broadcast %max3A_1614 : bf16 to vector<32xbf16>
        %max3A_1616 = arith.maximumf %add3A_1613, %max3A_1615 : vector<32xbf16>
        %mul3A_1617 = arith.mulf %max3A_1616, %pack3A : vector<32xbf16>
        %mul3A_1618 = arith.constant 16 : i32
        %mul3A_1619 = arith.muli %scan3A_1002, %mul3A_1618 : i32
        %add3A_1620 = arith.constant 12 : i32
        %add3A_1621 = arith.addi %mul3A_1619, %add3A_1620 : i32
        %add3A_1622 = arith.constant 2 : i32
        %add3A_1623 = arith.addi %add3A_1621, %add3A_1622 : i32
        %get3A_1624 = arith.constant 0 : i32
        %get3A_1625 = arith.index_cast %get3A_1624 : i32 to index
        %get3A_1626 = arith.index_cast %add3A_1623 : i32 to index
        %get3A_1627 = arith.constant 0 : index
        %get3A_1628 = tpu.vector_load %arg10[%get3A_1625, %get3A_1626, %get3A_1627] {strides = array<i32>} : memref<2x400x64xbf16, #tpu.memory_space<vmem>>, vector<32xbf16>,
        %get3A_1629 = arith.constant 0 : i32
        %get3A_1630 = arith.index_cast %get3A_1629 : i32 to index
        %get3A_1631 = arith.index_cast %add3A_1623 : i32 to index
        %get3A_1632 = arith.constant 0 : index
        %get3A_1633 = tpu.vector_load %arg11[%get3A_1630, %get3A_1631, %get3A_1632] {strides = array<i32>} : memref<2x400x64xbf16, #tpu.memory_space<vmem>>, vector<32xbf16>,
        %add3A_1634 = arith.addf %get3A_1628, %get3A_1633 : vector<32xbf16>
        %max3A_1635 = arith.constant 0.000000e+00 : bf16
        %max3A_1636 = vector.broadcast %max3A_1635 : bf16 to vector<32xbf16>
        %max3A_1637 = arith.maximumf %add3A_1634, %max3A_1636 : vector<32xbf16>
        %mul3A_1638 = arith.mulf %max3A_1637, %pack3A : vector<32xbf16>
        %mul3A_1639 = arith.constant 16 : i32
        %mul3A_1640 = arith.muli %scan3A_1002, %mul3A_1639 : i32
        %add3A_1641 = arith.constant 12 : i32
        %add3A_1642 = arith.addi %mul3A_1640, %add3A_1641 : i32
        %add3A_1643 = arith.constant 3 : i32
        %add3A_1644 = arith.addi %add3A_1642, %add3A_1643 : i32
        %get3A_1645 = arith.constant 0 : i32
        %get3A_1646 = arith.index_cast %get3A_1645 : i32 to index
        %get3A_1647 = arith.index_cast %add3A_1644 : i32 to index
        %get3A_1648 = arith.constant 0 : index
        %get3A_1649 = tpu.vector_load %arg10[%get3A_1646, %get3A_1647, %get3A_1648] {strides = array<i32>} : memref<2x400x64xbf16, #tpu.memory_space<vmem>>, vector<32xbf16>,
        %get3A_1650 = arith.constant 0 : i32
        %get3A_1651 = arith.index_cast %get3A_1650 : i32 to index
        %get3A_1652 = arith.index_cast %add3A_1644 : i32 to index
        %get3A_1653 = arith.constant 0 : index
        %get3A_1654 = tpu.vector_load %arg11[%get3A_1651, %get3A_1652, %get3A_1653] {strides = array<i32>} : memref<2x400x64xbf16, #tpu.memory_space<vmem>>, vector<32xbf16>,
        %add3A_1655 = arith.addf %get3A_1649, %get3A_1654 : vector<32xbf16>
        %max3A_1656 = arith.constant 0.000000e+00 : bf16
        %max3A_1657 = vector.broadcast %max3A_1656 : bf16 to vector<32xbf16>
        %max3A_1658 = arith.maximumf %add3A_1655, %max3A_1657 : vector<32xbf16>
        %mul3A_1659 = arith.mulf %max3A_1658, %pack3A : vector<32xbf16>
        %mul3A_1660 = arith.constant 16 : i32
        %mul3A_1661 = arith.muli %scan3A_1002, %mul3A_1660 : i32
        %add3A_1662 = arith.constant 12 : i32
        %add3A_1663 = arith.addi %mul3A_1661, %add3A_1662 : i32
        %add3A_1664 = arith.constant 0 : i32
        %add3A_1665 = arith.addi %add3A_1663, %add3A_1664 : i32
        %get3A_1666 = arith.constant 0 : i32
        %get3A_1667 = arith.index_cast %get3A_1666 : i32 to index
        %get3A_1668 = arith.index_cast %add3A_1665 : i32 to index
        %get3A_1669 = arith.constant 32 : index
        %get3A_1670 = tpu.vector_load %arg10[%get3A_1667, %get3A_1668, %get3A_1669] {strides = array<i32>} : memref<2x400x64xbf16, #tpu.memory_space<vmem>>, vector<32xbf16>,
        %get3A_1671 = arith.constant 0 : i32
        %get3A_1672 = arith.index_cast %get3A_1671 : i32 to index
        %get3A_1673 = arith.index_cast %add3A_1665 : i32 to index
        %get3A_1674 = arith.constant 32 : index
        %get3A_1675 = tpu.vector_load %arg11[%get3A_1672, %get3A_1673, %get3A_1674] {strides = array<i32>} : memref<2x400x64xbf16, #tpu.memory_space<vmem>>, vector<32xbf16>,
        %add3A_1676 = arith.addf %get3A_1670, %get3A_1675 : vector<32xbf16>
        %max3A_1677 = arith.constant 0.000000e+00 : bf16
        %max3A_1678 = vector.broadcast %max3A_1677 : bf16 to vector<32xbf16>
        %max3A_1679 = arith.maximumf %add3A_1676, %max3A_1678 : vector<32xbf16>
        %mul3A_1680 = arith.mulf %max3A_1679, %pack3A_20 : vector<32xbf16>
        %add3A_1681 = arith.addf %mul3A_1596, %mul3A_1680 : vector<32xbf16>
        %mul3A_1682 = arith.constant 16 : i32
        %mul3A_1683 = arith.muli %scan3A_1002, %mul3A_1682 : i32
        %add3A_1684 = arith.constant 12 : i32
        %add3A_1685 = arith.addi %mul3A_1683, %add3A_1684 : i32
        %add3A_1686 = arith.constant 1 : i32
        %add3A_1687 = arith.addi %add3A_1685, %add3A_1686 : i32
        %get3A_1688 = arith.constant 0 : i32
        %get3A_1689 = arith.index_cast %get3A_1688 : i32 to index
        %get3A_1690 = arith.index_cast %add3A_1687 : i32 to index
        %get3A_1691 = arith.constant 32 : index
        %get3A_1692 = tpu.vector_load %arg10[%get3A_1689, %get3A_1690, %get3A_1691] {strides = array<i32>} : memref<2x400x64xbf16, #tpu.memory_space<vmem>>, vector<32xbf16>,
        %get3A_1693 = arith.constant 0 : i32
        %get3A_1694 = arith.index_cast %get3A_1693 : i32 to index
        %get3A_1695 = arith.index_cast %add3A_1687 : i32 to index
        %get3A_1696 = arith.constant 32 : index
        %get3A_1697 = tpu.vector_load %arg11[%get3A_1694, %get3A_1695, %get3A_1696] {strides = array<i32>} : memref<2x400x64xbf16, #tpu.memory_space<vmem>>, vector<32xbf16>,
        %add3A_1698 = arith.addf %get3A_1692, %get3A_1697 : vector<32xbf16>
        %max3A_1699 = arith.constant 0.000000e+00 : bf16
        %max3A_1700 = vector.broadcast %max3A_1699 : bf16 to vector<32xbf16>
        %max3A_1701 = arith.maximumf %add3A_1698, %max3A_1700 : vector<32xbf16>
        %mul3A_1702 = arith.mulf %max3A_1701, %pack3A_20 : vector<32xbf16>
        %add3A_1703 = arith.addf %mul3A_1617, %mul3A_1702 : vector<32xbf16>
        %mul3A_1704 = arith.constant 16 : i32
        %mul3A_1705 = arith.muli %scan3A_1002, %mul3A_1704 : i32
        %add3A_1706 = arith.constant 12 : i32
        %add3A_1707 = arith.addi %mul3A_1705, %add3A_1706 : i32
        %add3A_1708 = arith.constant 2 : i32
        %add3A_1709 = arith.addi %add3A_1707, %add3A_1708 : i32
        %get3A_1710 = arith.constant 0 : i32
        %get3A_1711 = arith.index_cast %get3A_1710 : i32 to index
        %get3A_1712 = arith.index_cast %add3A_1709 : i32 to index
        %get3A_1713 = arith.constant 32 : index
        %get3A_1714 = tpu.vector_load %arg10[%get3A_1711, %get3A_1712, %get3A_1713] {strides = array<i32>} : memref<2x400x64xbf16, #tpu.memory_space<vmem>>, vector<32xbf16>,
        %get3A_1715 = arith.constant 0 : i32
        %get3A_1716 = arith.index_cast %get3A_1715 : i32 to index
        %get3A_1717 = arith.index_cast %add3A_1709 : i32 to index
        %get3A_1718 = arith.constant 32 : index
        %get3A_1719 = tpu.vector_load %arg11[%get3A_1716, %get3A_1717, %get3A_1718] {strides = array<i32>} : memref<2x400x64xbf16, #tpu.memory_space<vmem>>, vector<32xbf16>,
        %add3A_1720 = arith.addf %get3A_1714, %get3A_1719 : vector<32xbf16>
        %max3A_1721 = arith.constant 0.000000e+00 : bf16
        %max3A_1722 = vector.broadcast %max3A_1721 : bf16 to vector<32xbf16>
        %max3A_1723 = arith.maximumf %add3A_1720, %max3A_1722 : vector<32xbf16>
        %mul3A_1724 = arith.mulf %max3A_1723, %pack3A_20 : vector<32xbf16>
        %add3A_1725 = arith.addf %mul3A_1638, %mul3A_1724 : vector<32xbf16>
        %mul3A_1726 = arith.constant 16 : i32
        %mul3A_1727 = arith.muli %scan3A_1002, %mul3A_1726 : i32
        %add3A_1728 = arith.constant 12 : i32
        %add3A_1729 = arith.addi %mul3A_1727, %add3A_1728 : i32
        %add3A_1730 = arith.constant 3 : i32
        %add3A_1731 = arith.addi %add3A_1729, %add3A_1730 : i32
        %get3A_1732 = arith.constant 0 : i32
        %get3A_1733 = arith.index_cast %get3A_1732 : i32 to index
        %get3A_1734 = arith.index_cast %add3A_1731 : i32 to index
        %get3A_1735 = arith.constant 32 : index
        %get3A_1736 = tpu.vector_load %arg10[%get3A_1733, %get3A_1734, %get3A_1735] {strides = array<i32>} : memref<2x400x64xbf16, #tpu.memory_space<vmem>>, vector<32xbf16>,
        %get3A_1737 = arith.constant 0 : i32
        %get3A_1738 = arith.index_cast %get3A_1737 : i32 to index
        %get3A_1739 = arith.index_cast %add3A_1731 : i32 to index
        %get3A_1740 = arith.constant 32 : index
        %get3A_1741 = tpu.vector_load %arg11[%get3A_1738, %get3A_1739, %get3A_1740] {strides = array<i32>} : memref<2x400x64xbf16, #tpu.memory_space<vmem>>, vector<32xbf16>,
        %add3A_1742 = arith.addf %get3A_1736, %get3A_1741 : vector<32xbf16>
        %max3A_1743 = arith.constant 0.000000e+00 : bf16
        %max3A_1744 = vector.broadcast %max3A_1743 : bf16 to vector<32xbf16>
        %max3A_1745 = arith.maximumf %add3A_1742, %max3A_1744 : vector<32xbf16>
        %mul3A_1746 = arith.mulf %max3A_1745, %pack3A_20 : vector<32xbf16>
        %add3A_1747 = arith.addf %mul3A_1659, %mul3A_1746 : vector<32xbf16>
        %unpack3A_1748 = tpu.unpack_subelements %add3A_1681, 0 {pack_format = #tpu.pack_format<interleaved>} : vector<32xbf16> -> vector<16xf32>
        %unpack3A_1749 = tpu.unpack_subelements %add3A_1681, 1 {pack_format = #tpu.pack_format<interleaved>} : vector<32xbf16> -> vector<16xf32>
        %add3A_1750 = arith.addf %unpack3A_1748, %unpack3A_1749 : vector<16xf32>
        %swap3A_1751 = arith.constant 192 : index
        %swap3A_1752 = tpu.vector_load %arg14[%swap3A_1751] {strides = array<i32>} : memref<256xf32, #tpu.memory_space<vmem>>, vector<16xf32>,
        tpu.vector_store %arg14[%swap3A_1751], %add3A_1750 {strides = array<i32>} : memref<256xf32, #tpu.memory_space<vmem>>, vector<16xf32>,
        %unpack3A_1753 = tpu.unpack_subelements %add3A_1703, 0 {pack_format = #tpu.pack_format<interleaved>} : vector<32xbf16> -> vector<16xf32>
        %unpack3A_1754 = tpu.unpack_subelements %add3A_1703, 1 {pack_format = #tpu.pack_format<interleaved>} : vector<32xbf16> -> vector<16xf32>
        %add3A_1755 = arith.addf %unpack3A_1753, %unpack3A_1754 : vector<16xf32>
        %swap3A_1756 = arith.constant 208 : index
        %swap3A_1757 = tpu.vector_load %arg14[%swap3A_1756] {strides = array<i32>} : memref<256xf32, #tpu.memory_space<vmem>>, vector<16xf32>,
        tpu.vector_store %arg14[%swap3A_1756], %add3A_1755 {strides = array<i32>} : memref<256xf32, #tpu.memory_space<vmem>>, vector<16xf32>,
        %unpack3A_1758 = tpu.unpack_subelements %add3A_1725, 0 {pack_format = #tpu.pack_format<interleaved>} : vector<32xbf16> -> vector<16xf32>
        %unpack3A_1759 = tpu.unpack_subelements %add3A_1725, 1 {pack_format = #tpu.pack_format<interleaved>} : vector<32xbf16> -> vector<16xf32>
        %add3A_1760 = arith.addf %unpack3A_1758, %unpack3A_1759 : vector<16xf32>
        %swap3A_1761 = arith.constant 224 : index
        %swap3A_1762 = tpu.vector_load %arg14[%swap3A_1761] {strides = array<i32>} : memref<256xf32, #tpu.memory_space<vmem>>, vector<16xf32>,
        tpu.vector_store %arg14[%swap3A_1761], %add3A_1760 {strides = array<i32>} : memref<256xf32, #tpu.memory_space<vmem>>, vector<16xf32>,
        %unpack3A_1763 = tpu.unpack_subelements %add3A_1747, 0 {pack_format = #tpu.pack_format<interleaved>} : vector<32xbf16> -> vector<16xf32>
        %unpack3A_1764 = tpu.unpack_subelements %add3A_1747, 1 {pack_format = #tpu.pack_format<interleaved>} : vector<32xbf16> -> vector<16xf32>
        %add3A_1765 = arith.addf %unpack3A_1763, %unpack3A_1764 : vector<16xf32>
        %swap3A_1766 = arith.constant 240 : index
        %swap3A_1767 = tpu.vector_load %arg14[%swap3A_1766] {strides = array<i32>} : memref<256xf32, #tpu.memory_space<vmem>>, vector<16xf32>,
        tpu.vector_store %arg14[%swap3A_1766], %add3A_1765 {strides = array<i32>} : memref<256xf32, #tpu.memory_space<vmem>>, vector<16xf32>,
        %gather3A = tpu.vector_load_idx %arg14[%add3A_28] : memref<256xf32, #tpu.memory_space<vmem>>[vector<16xi32>], vector<16xf32>,
        %add3A_1768 = arith.addf %get3A_22, %gather3A : vector<16xf32>
        %gather3A_1769 = tpu.vector_load_idx %arg14[%add3A_35] : memref<256xf32, #tpu.memory_space<vmem>>[vector<16xi32>], vector<16xf32>,
        %add3A_1770 = arith.addf %add3A_1768, %gather3A_1769 : vector<16xf32>
        %gather3A_1771 = tpu.vector_load_idx %arg14[%add3A_42] : memref<256xf32, #tpu.memory_space<vmem>>[vector<16xi32>], vector<16xf32>,
        %add3A_1772 = arith.addf %add3A_1770, %gather3A_1771 : vector<16xf32>
        %gather3A_1773 = tpu.vector_load_idx %arg14[%add3A_49] : memref<256xf32, #tpu.memory_space<vmem>>[vector<16xi32>], vector<16xf32>,
        %add3A_1774 = arith.addf %add3A_1772, %gather3A_1773 : vector<16xf32>
        %gather3A_1775 = tpu.vector_load_idx %arg14[%add3A_56] : memref<256xf32, #tpu.memory_space<vmem>>[vector<16xi32>], vector<16xf32>,
        %add3A_1776 = arith.addf %add3A_1774, %gather3A_1775 : vector<16xf32>
        %gather3A_1777 = tpu.vector_load_idx %arg14[%add3A_63] : memref<256xf32, #tpu.memory_space<vmem>>[vector<16xi32>], vector<16xf32>,
        %add3A_1778 = arith.addf %add3A_1776, %gather3A_1777 : vector<16xf32>
        %gather3A_1779 = tpu.vector_load_idx %arg14[%add3A_70] : memref<256xf32, #tpu.memory_space<vmem>>[vector<16xi32>], vector<16xf32>,
        %add3A_1780 = arith.addf %add3A_1778, %gather3A_1779 : vector<16xf32>
        %gather3A_1781 = tpu.vector_load_idx %arg14[%add3A_77] : memref<256xf32, #tpu.memory_space<vmem>>[vector<16xi32>], vector<16xf32>,
        %add3A_1782 = arith.addf %add3A_1780, %gather3A_1781 : vector<16xf32>
        %gather3A_1783 = tpu.vector_load_idx %arg14[%add3A_84] : memref<256xf32, #tpu.memory_space<vmem>>[vector<16xi32>], vector<16xf32>,
        %add3A_1784 = arith.addf %add3A_1782, %gather3A_1783 : vector<16xf32>
        %gather3A_1785 = tpu.vector_load_idx %arg14[%add3A_91] : memref<256xf32, #tpu.memory_space<vmem>>[vector<16xi32>], vector<16xf32>,
        %add3A_1786 = arith.addf %add3A_1784, %gather3A_1785 : vector<16xf32>
        %gather3A_1787 = tpu.vector_load_idx %arg14[%add3A_98] : memref<256xf32, #tpu.memory_space<vmem>>[vector<16xi32>], vector<16xf32>,
        %add3A_1788 = arith.addf %add3A_1786, %gather3A_1787 : vector<16xf32>
        %gather3A_1789 = tpu.vector_load_idx %arg14[%add3A_105] : memref<256xf32, #tpu.memory_space<vmem>>[vector<16xi32>], vector<16xf32>,
        %add3A_1790 = arith.addf %add3A_1788, %gather3A_1789 : vector<16xf32>
        %gather3A_1791 = tpu.vector_load_idx %arg14[%add3A_112] : memref<256xf32, #tpu.memory_space<vmem>>[vector<16xi32>], vector<16xf32>,
        %add3A_1792 = arith.addf %add3A_1790, %gather3A_1791 : vector<16xf32>
        %gather3A_1793 = tpu.vector_load_idx %arg14[%add3A_119] : memref<256xf32, #tpu.memory_space<vmem>>[vector<16xi32>], vector<16xf32>,
        %add3A_1794 = arith.addf %add3A_1792, %gather3A_1793 : vector<16xf32>
        %gather3A_1795 = tpu.vector_load_idx %arg14[%add3A_126] : memref<256xf32, #tpu.memory_space<vmem>>[vector<16xi32>], vector<16xf32>,
        %add3A_1796 = arith.addf %add3A_1794, %gather3A_1795 : vector<16xf32>
        %gather3A_1797 = tpu.vector_load_idx %arg14[%add3A_133] : memref<256xf32, #tpu.memory_space<vmem>>[vector<16xi32>], vector<16xf32>,
        %add3A_1798 = arith.addf %add3A_1796, %gather3A_1797 : vector<16xf32>
        %mul3A_1799 = arith.constant 16 : i32
        %mul3A_1800 = arith.muli %scan3A_1002, %mul3A_1799 : i32
        %swap3A_1801 = arith.constant 0 : i32
        %swap3A_1802 = arith.index_cast %swap3A_1801 : i32 to index
        %swap3A_1803 = arith.index_cast %mul3A_1800 : i32 to index
        %swap3A_1804 = tpu.vector_load %arg12[%swap3A_1802, %swap3A_1803] {strides = array<i32>} : memref<2x400xf32, #tpu.memory_space<vmem>>, vector<16xf32>,
        tpu.vector_store %arg12[%swap3A_1802, %swap3A_1803], %add3A_1798 {strides = array<i32>} : memref<2x400xf32, #tpu.memory_space<vmem>>, vector<16xf32>,
      }
      %scan3A_628 = arith.constant 25 : i32
      %mul3A_629 = arith.constant 10000 : i32
      %mul3A_630 = arith.muli %add3A, %mul3A_629 : i32
      %mul3A_631 = arith.constant 400 : i32
      %mul3A_632 = arith.muli %mul3A_297, %mul3A_631 : i32
      %add3A_633 = arith.addi %mul3A_630, %mul3A_632 : i32
      %dma_start3A_634 = arith.constant 0 : i32
      %dma_start3A_635 = arith.constant 0 : i32
      %dma_start3A_636 = arith.constant 0 : i32
      %dma_start3A_637 = tpu.memref_slice %arg12[%dma_start3A_634, %dma_start3A_636] : memref<2x400xf32, #tpu.memory_space<vmem>> -> memref<1x400xf32, #tpu.memory_space<vmem>>
      %dma_start3A_638 = tpu.memref_squeeze %dma_start3A_637 : memref<1x400xf32, #tpu.memory_space<vmem>> -> memref<400xf32, #tpu.memory_space<vmem>>
      %dma_start3A_639 = tpu.memref_slice %arg7[%add3A_633] : memref<320000xf32, #tpu.memory_space<hbm>> -> memref<400xf32, #tpu.memory_space<hbm>>
      %dma_start3A_640 = tpu.memref_slice %arg18[%dma_start3A_635] : memref<2x!tpu.dma_semaphore, #tpu.memory_space<semaphore_mem>> -> memref<1x!tpu.dma_semaphore, #tpu.memory_space<semaphore_mem>>
      %dma_start3A_641 = tpu.memref_squeeze %dma_start3A_640 : memref<1x!tpu.dma_semaphore, #tpu.memory_space<semaphore_mem>> -> memref<!tpu.dma_semaphore, #tpu.memory_space<semaphore_mem>>
      %dma_start3A_642 = tpu.memref_slice %arg7[%add3A_633] : memref<320000xf32, #tpu.memory_space<hbm>> -> memref<400xf32, #tpu.memory_space<hbm>>
      %dma_start3A_643 = arith.constant 0 : i32
      %dma_start3A_644 = tpu.memref_slice %arg12[%dma_start3A_634, %dma_start3A_643] : memref<2x400xf32, #tpu.memory_space<vmem>> -> memref<1x400xf32, #tpu.memory_space<vmem>>
      %dma_start3A_645 = tpu.memref_squeeze %dma_start3A_644 : memref<1x400xf32, #tpu.memory_space<vmem>> -> memref<400xf32, #tpu.memory_space<vmem>>
      tpu.enqueue_dma source(%dma_start3A_645 : memref<400xf32, #tpu.memory_space<vmem>>) target(%dma_start3A_642 : memref<400xf32, #tpu.memory_space<hbm>>) target_semaphore(%dma_start3A_641 : memref<!tpu.dma_semaphore, #tpu.memory_space<semaphore_mem>>)
      %add3A_646 = arith.constant 2 : i32
      %add3A_647 = arith.addi %mul3A_297, %add3A_646 : i32
      %min3A_648 = arith.constant 24 : i32
      %min3A_649 = arith.minsi %add3A_647, %min3A_648 : i32
      %mul3A_650 = arith.constant 400 : i32
      %mul3A_651 = arith.muli %min3A_649, %mul3A_650 : i32
      %add3A_652 = arith.constant 0 : i32
      %add3A_653 = arith.addi %mul3A_651, %add3A_652 : i32
      %dma_start3A_654 = arith.constant 0 : i32
      %dma_start3A_655 = arith.constant 0 : i32
      %dma_start3A_656 = arith.constant 0 : i32
      %dma_start3A_657 = arith.constant 0 : i32
      %dma_start3A_658 = tpu.memref_slice %arg10[%dma_start3A_654, %dma_start3A_656, %dma_start3A_657] : memref<2x400x64xbf16, #tpu.memory_space<vmem>> -> memref<1x80x64xbf16, #tpu.memory_space<vmem>>
      %dma_start3A_659 = tpu.memref_squeeze %dma_start3A_658 : memref<1x80x64xbf16, #tpu.memory_space<vmem>> -> memref<80x64xbf16, #tpu.memory_space<vmem>>
      %dma_start3A_660 = tpu.memref_slice %arg8[%add3A_653] : memref<10000xi32, #tpu.memory_space<vmem>> -> memref<80xi32, #tpu.memory_space<vmem>>
      %dma_start3A_661 = arith.constant 0 : i32
      %dma_start3A_662 = arith.constant 0 : i32
      %dma_start3A_663 = tpu.memref_slice %arg15[%dma_start3A_661, %dma_start3A_662] : memref<10000x64xbf16, #tpu.memory_space<vmem_shared>> -> memref<10000x64xbf16, #tpu.memory_space<vmem_shared>>
      %dma_start3A_664 = tpu.memref_slice %arg17[%dma_start3A_655] : memref<2x!tpu.dma_semaphore, #tpu.memory_space<semaphore_mem>> -> memref<1x!tpu.dma_semaphore, #tpu.memory_space<semaphore_mem>>
      %dma_start3A_665 = tpu.memref_squeeze %dma_start3A_664 : memref<1x!tpu.dma_semaphore, #tpu.memory_space<semaphore_mem>> -> memref<!tpu.dma_semaphore, #tpu.memory_space<semaphore_mem>>
      tpu.enqueue_indirect_dma source(%dma_start3A_663 : memref<10000x64xbf16, #tpu.memory_space<vmem_shared>>) target(%dma_start3A_659 : memref<80x64xbf16, #tpu.memory_space<vmem>>) offsets(%dma_start3A_660 : memref<80xi32, #tpu.memory_space<vmem>>) semaphore(%dma_start3A_665 : memref<!tpu.dma_semaphore, #tpu.memory_space<semaphore_mem>>)
      %dma_start3A_666 = arith.constant 0 : i32
      %dma_start3A_667 = arith.constant 0 : i32
      %dma_start3A_668 = arith.constant 0 : i32
      %dma_start3A_669 = arith.constant 0 : i32
      %dma_start3A_670 = tpu.memref_slice %arg11[%dma_start3A_666, %dma_start3A_668, %dma_start3A_669] : memref<2x400x64xbf16, #tpu.memory_space<vmem>> -> memref<1x80x64xbf16, #tpu.memory_space<vmem>>
      %dma_start3A_671 = tpu.memref_squeeze %dma_start3A_670 : memref<1x80x64xbf16, #tpu.memory_space<vmem>> -> memref<80x64xbf16, #tpu.memory_space<vmem>>
      %dma_start3A_672 = tpu.memref_slice %arg9[%add3A_653] : memref<10000xi32, #tpu.memory_space<vmem>> -> memref<80xi32, #tpu.memory_space<vmem>>
      %dma_start3A_673 = arith.constant 0 : i32
      %dma_start3A_674 = arith.constant 0 : i32
      %dma_start3A_675 = tpu.memref_slice %arg16[%dma_start3A_673, %dma_start3A_674] : memref<10000x64xbf16, #tpu.memory_space<vmem_shared>> -> memref<10000x64xbf16, #tpu.memory_space<vmem_shared>>
      %dma_start3A_676 = tpu.memref_slice %arg17[%dma_start3A_667] : memref<2x!tpu.dma_semaphore, #tpu.memory_space<semaphore_mem>> -> memref<1x!tpu.dma_semaphore, #tpu.memory_space<semaphore_mem>>
      %dma_start3A_677 = tpu.memref_squeeze %dma_start3A_676 : memref<1x!tpu.dma_semaphore, #tpu.memory_space<semaphore_mem>> -> memref<!tpu.dma_semaphore, #tpu.memory_space<semaphore_mem>>
      tpu.enqueue_indirect_dma source(%dma_start3A_675 : memref<10000x64xbf16, #tpu.memory_space<vmem_shared>>) target(%dma_start3A_671 : memref<80x64xbf16, #tpu.memory_space<vmem>>) offsets(%dma_start3A_672 : memref<80xi32, #tpu.memory_space<vmem>>) semaphore(%dma_start3A_677 : memref<!tpu.dma_semaphore, #tpu.memory_space<semaphore_mem>>)
      %mul3A_678 = arith.constant 400 : i32
      %mul3A_679 = arith.muli %min3A_649, %mul3A_678 : i32
      %add3A_680 = arith.constant 80 : i32
      %add3A_681 = arith.addi %mul3A_679, %add3A_680 : i32
      %dma_start3A_682 = arith.constant 0 : i32
      %dma_start3A_683 = arith.constant 0 : i32
      %dma_start3A_684 = arith.constant 80 : i32
      %dma_start3A_685 = arith.constant 0 : i32
      %dma_start3A_686 = tpu.memref_slice %arg10[%dma_start3A_682, %dma_start3A_684, %dma_start3A_685] : memref<2x400x64xbf16, #tpu.memory_space<vmem>> -> memref<1x80x64xbf16, #tpu.memory_space<vmem>>
      %dma_start3A_687 = tpu.memref_squeeze %dma_start3A_686 : memref<1x80x64xbf16, #tpu.memory_space<vmem>> -> memref<80x64xbf16, #tpu.memory_space<vmem>>
      %dma_start3A_688 = tpu.memref_slice %arg8[%add3A_681] : memref<10000xi32, #tpu.memory_space<vmem>> -> memref<80xi32, #tpu.memory_space<vmem>>
      %dma_start3A_689 = arith.constant 0 : i32
      %dma_start3A_690 = arith.constant 0 : i32
      %dma_start3A_691 = tpu.memref_slice %arg15[%dma_start3A_689, %dma_start3A_690] : memref<10000x64xbf16, #tpu.memory_space<vmem_shared>> -> memref<10000x64xbf16, #tpu.memory_space<vmem_shared>>
      %dma_start3A_692 = tpu.memref_slice %arg17[%dma_start3A_683] : memref<2x!tpu.dma_semaphore, #tpu.memory_space<semaphore_mem>> -> memref<1x!tpu.dma_semaphore, #tpu.memory_space<semaphore_mem>>
      %dma_start3A_693 = tpu.memref_squeeze %dma_start3A_692 : memref<1x!tpu.dma_semaphore, #tpu.memory_space<semaphore_mem>> -> memref<!tpu.dma_semaphore, #tpu.memory_space<semaphore_mem>>
      tpu.enqueue_indirect_dma source(%dma_start3A_691 : memref<10000x64xbf16, #tpu.memory_space<vmem_shared>>) target(%dma_start3A_687 : memref<80x64xbf16, #tpu.memory_space<vmem>>) offsets(%dma_start3A_688 : memref<80xi32, #tpu.memory_space<vmem>>) semaphore(%dma_start3A_693 : memref<!tpu.dma_semaphore, #tpu.memory_space<semaphore_mem>>)
      %dma_start3A_694 = arith.constant 0 : i32
      %dma_start3A_695 = arith.constant 0 : i32
      %dma_start3A_696 = arith.constant 80 : i32
      %dma_start3A_697 = arith.constant 0 : i32
      %dma_start3A_698 = tpu.memref_slice %arg11[%dma_start3A_694, %dma_start3A_696, %dma_start3A_697] : memref<2x400x64xbf16, #tpu.memory_space<vmem>> -> memref<1x80x64xbf16, #tpu.memory_space<vmem>>
      %dma_start3A_699 = tpu.memref_squeeze %dma_start3A_698 : memref<1x80x64xbf16, #tpu.memory_space<vmem>> -> memref<80x64xbf16, #tpu.memory_space<vmem>>
      %dma_start3A_700 = tpu.memref_slice %arg9[%add3A_681] : memref<10000xi32, #tpu.memory_space<vmem>> -> memref<80xi32, #tpu.memory_space<vmem>>
      %dma_start3A_701 = arith.constant 0 : i32
      %dma_start3A_702 = arith.constant 0 : i32
      %dma_start3A_703 = tpu.memref_slice %arg16[%dma_start3A_701, %dma_start3A_702] : memref<10000x64xbf16, #tpu.memory_space<vmem_shared>> -> memref<10000x64xbf16, #tpu.memory_space<vmem_shared>>
      %dma_start3A_704 = tpu.memref_slice %arg17[%dma_start3A_695] : memref<2x!tpu.dma_semaphore, #tpu.memory_space<semaphore_mem>> -> memref<1x!tpu.dma_semaphore, #tpu.memory_space<semaphore_mem>>
      %dma_start3A_705 = tpu.memref_squeeze %dma_start3A_704 : memref<1x!tpu.dma_semaphore, #tpu.memory_space<semaphore_mem>> -> memref<!tpu.dma_semaphore, #tpu.memory_space<semaphore_mem>>
      tpu.enqueue_indirect_dma source(%dma_start3A_703 : memref<10000x64xbf16, #tpu.memory_space<vmem_shared>>) target(%dma_start3A_699 : memref<80x64xbf16, #tpu.memory_space<vmem>>) offsets(%dma_start3A_700 : memref<80xi32, #tpu.memory_space<vmem>>) semaphore(%dma_start3A_705 : memref<!tpu.dma_semaphore, #tpu.memory_space<semaphore_mem>>)
      %mul3A_706 = arith.constant 400 : i32
      %mul3A_707 = arith.muli %min3A_649, %mul3A_706 : i32
      %add3A_708 = arith.constant 160 : i32
      %add3A_709 = arith.addi %mul3A_707, %add3A_708 : i32
      %dma_start3A_710 = arith.constant 0 : i32
      %dma_start3A_711 = arith.constant 0 : i32
      %dma_start3A_712 = arith.constant 160 : i32
      %dma_start3A_713 = arith.constant 0 : i32
      %dma_start3A_714 = tpu.memref_slice %arg10[%dma_start3A_710, %dma_start3A_712, %dma_start3A_713] : memref<2x400x64xbf16, #tpu.memory_space<vmem>> -> memref<1x80x64xbf16, #tpu.memory_space<vmem>>
      %dma_start3A_715 = tpu.memref_squeeze %dma_start3A_714 : memref<1x80x64xbf16, #tpu.memory_space<vmem>> -> memref<80x64xbf16, #tpu.memory_space<vmem>>
      %dma_start3A_716 = tpu.memref_slice %arg8[%add3A_709] : memref<10000xi32, #tpu.memory_space<vmem>> -> memref<80xi32, #tpu.memory_space<vmem>>
      %dma_start3A_717 = arith.constant 0 : i32
      %dma_start3A_718 = arith.constant 0 : i32
      %dma_start3A_719 = tpu.memref_slice %arg15[%dma_start3A_717, %dma_start3A_718] : memref<10000x64xbf16, #tpu.memory_space<vmem_shared>> -> memref<10000x64xbf16, #tpu.memory_space<vmem_shared>>
      %dma_start3A_720 = tpu.memref_slice %arg17[%dma_start3A_711] : memref<2x!tpu.dma_semaphore, #tpu.memory_space<semaphore_mem>> -> memref<1x!tpu.dma_semaphore, #tpu.memory_space<semaphore_mem>>
      %dma_start3A_721 = tpu.memref_squeeze %dma_start3A_720 : memref<1x!tpu.dma_semaphore, #tpu.memory_space<semaphore_mem>> -> memref<!tpu.dma_semaphore, #tpu.memory_space<semaphore_mem>>
      tpu.enqueue_indirect_dma source(%dma_start3A_719 : memref<10000x64xbf16, #tpu.memory_space<vmem_shared>>) target(%dma_start3A_715 : memref<80x64xbf16, #tpu.memory_space<vmem>>) offsets(%dma_start3A_716 : memref<80xi32, #tpu.memory_space<vmem>>) semaphore(%dma_start3A_721 : memref<!tpu.dma_semaphore, #tpu.memory_space<semaphore_mem>>)
      %dma_start3A_722 = arith.constant 0 : i32
      %dma_start3A_723 = arith.constant 0 : i32
      %dma_start3A_724 = arith.constant 160 : i32
      %dma_start3A_725 = arith.constant 0 : i32
      %dma_start3A_726 = tpu.memref_slice %arg11[%dma_start3A_722, %dma_start3A_724, %dma_start3A_725] : memref<2x400x64xbf16, #tpu.memory_space<vmem>> -> memref<1x80x64xbf16, #tpu.memory_space<vmem>>
      %dma_start3A_727 = tpu.memref_squeeze %dma_start3A_726 : memref<1x80x64xbf16, #tpu.memory_space<vmem>> -> memref<80x64xbf16, #tpu.memory_space<vmem>>
      %dma_start3A_728 = tpu.memref_slice %arg9[%add3A_709] : memref<10000xi32, #tpu.memory_space<vmem>> -> memref<80xi32, #tpu.memory_space<vmem>>
      %dma_start3A_729 = arith.constant 0 : i32
      %dma_start3A_730 = arith.constant 0 : i32
      %dma_start3A_731 = tpu.memref_slice %arg16[%dma_start3A_729, %dma_start3A_730] : memref<10000x64xbf16, #tpu.memory_space<vmem_shared>> -> memref<10000x64xbf16, #tpu.memory_space<vmem_shared>>
      %dma_start3A_732 = tpu.memref_slice %arg17[%dma_start3A_723] : memref<2x!tpu.dma_semaphore, #tpu.memory_space<semaphore_mem>> -> memref<1x!tpu.dma_semaphore, #tpu.memory_space<semaphore_mem>>
      %dma_start3A_733 = tpu.memref_squeeze %dma_start3A_732 : memref<1x!tpu.dma_semaphore, #tpu.memory_space<semaphore_mem>> -> memref<!tpu.dma_semaphore, #tpu.memory_space<semaphore_mem>>
      tpu.enqueue_indirect_dma source(%dma_start3A_731 : memref<10000x64xbf16, #tpu.memory_space<vmem_shared>>) target(%dma_start3A_727 : memref<80x64xbf16, #tpu.memory_space<vmem>>) offsets(%dma_start3A_728 : memref<80xi32, #tpu.memory_space<vmem>>) semaphore(%dma_start3A_733 : memref<!tpu.dma_semaphore, #tpu.memory_space<semaphore_mem>>)
      %mul3A_734 = arith.constant 400 : i32
      %mul3A_735 = arith.muli %min3A_649, %mul3A_734 : i32
      %add3A_736 = arith.constant 240 : i32
      %add3A_737 = arith.addi %mul3A_735, %add3A_736 : i32
      %dma_start3A_738 = arith.constant 0 : i32
      %dma_start3A_739 = arith.constant 0 : i32
      %dma_start3A_740 = arith.constant 240 : i32
      %dma_start3A_741 = arith.constant 0 : i32
      %dma_start3A_742 = tpu.memref_slice %arg10[%dma_start3A_738, %dma_start3A_740, %dma_start3A_741] : memref<2x400x64xbf16, #tpu.memory_space<vmem>> -> memref<1x80x64xbf16, #tpu.memory_space<vmem>>
      %dma_start3A_743 = tpu.memref_squeeze %dma_start3A_742 : memref<1x80x64xbf16, #tpu.memory_space<vmem>> -> memref<80x64xbf16, #tpu.memory_space<vmem>>
      %dma_start3A_744 = tpu.memref_slice %arg8[%add3A_737] : memref<10000xi32, #tpu.memory_space<vmem>> -> memref<80xi32, #tpu.memory_space<vmem>>
      %dma_start3A_745 = arith.constant 0 : i32
      %dma_start3A_746 = arith.constant 0 : i32
      %dma_start3A_747 = tpu.memref_slice %arg15[%dma_start3A_745, %dma_start3A_746] : memref<10000x64xbf16, #tpu.memory_space<vmem_shared>> -> memref<10000x64xbf16, #tpu.memory_space<vmem_shared>>
      %dma_start3A_748 = tpu.memref_slice %arg17[%dma_start3A_739] : memref<2x!tpu.dma_semaphore, #tpu.memory_space<semaphore_mem>> -> memref<1x!tpu.dma_semaphore, #tpu.memory_space<semaphore_mem>>
      %dma_start3A_749 = tpu.memref_squeeze %dma_start3A_748 : memref<1x!tpu.dma_semaphore, #tpu.memory_space<semaphore_mem>> -> memref<!tpu.dma_semaphore, #tpu.memory_space<semaphore_mem>>
      tpu.enqueue_indirect_dma source(%dma_start3A_747 : memref<10000x64xbf16, #tpu.memory_space<vmem_shared>>) target(%dma_start3A_743 : memref<80x64xbf16, #tpu.memory_space<vmem>>) offsets(%dma_start3A_744 : memref<80xi32, #tpu.memory_space<vmem>>) semaphore(%dma_start3A_749 : memref<!tpu.dma_semaphore, #tpu.memory_space<semaphore_mem>>)
      %dma_start3A_750 = arith.constant 0 : i32
      %dma_start3A_751 = arith.constant 0 : i32
      %dma_start3A_752 = arith.constant 240 : i32
      %dma_start3A_753 = arith.constant 0 : i32
      %dma_start3A_754 = tpu.memref_slice %arg11[%dma_start3A_750, %dma_start3A_752, %dma_start3A_753] : memref<2x400x64xbf16, #tpu.memory_space<vmem>> -> memref<1x80x64xbf16, #tpu.memory_space<vmem>>
      %dma_start3A_755 = tpu.memref_squeeze %dma_start3A_754 : memref<1x80x64xbf16, #tpu.memory_space<vmem>> -> memref<80x64xbf16, #tpu.memory_space<vmem>>
      %dma_start3A_756 = tpu.memref_slice %arg9[%add3A_737] : memref<10000xi32, #tpu.memory_space<vmem>> -> memref<80xi32, #tpu.memory_space<vmem>>
      %dma_start3A_757 = arith.constant 0 : i32
      %dma_start3A_758 = arith.constant 0 : i32
      %dma_start3A_759 = tpu.memref_slice %arg16[%dma_start3A_757, %dma_start3A_758] : memref<10000x64xbf16, #tpu.memory_space<vmem_shared>> -> memref<10000x64xbf16, #tpu.memory_space<vmem_shared>>
      %dma_start3A_760 = tpu.memref_slice %arg17[%dma_start3A_751] : memref<2x!tpu.dma_semaphore, #tpu.memory_space<semaphore_mem>> -> memref<1x!tpu.dma_semaphore, #tpu.memory_space<semaphore_mem>>
      %dma_start3A_761 = tpu.memref_squeeze %dma_start3A_760 : memref<1x!tpu.dma_semaphore, #tpu.memory_space<semaphore_mem>> -> memref<!tpu.dma_semaphore, #tpu.memory_space<semaphore_mem>>
      tpu.enqueue_indirect_dma source(%dma_start3A_759 : memref<10000x64xbf16, #tpu.memory_space<vmem_shared>>) target(%dma_start3A_755 : memref<80x64xbf16, #tpu.memory_space<vmem>>) offsets(%dma_start3A_756 : memref<80xi32, #tpu.memory_space<vmem>>) semaphore(%dma_start3A_761 : memref<!tpu.dma_semaphore, #tpu.memory_space<semaphore_mem>>)
      %mul3A_762 = arith.constant 400 : i32
      %mul3A_763 = arith.muli %min3A_649, %mul3A_762 : i32
      %add3A_764 = arith.constant 320 : i32
      %add3A_765 = arith.addi %mul3A_763, %add3A_764 : i32
      %dma_start3A_766 = arith.constant 0 : i32
      %dma_start3A_767 = arith.constant 0 : i32
      %dma_start3A_768 = arith.constant 320 : i32
      %dma_start3A_769 = arith.constant 0 : i32
      %dma_start3A_770 = tpu.memref_slice %arg10[%dma_start3A_766, %dma_start3A_768, %dma_start3A_769] : memref<2x400x64xbf16, #tpu.memory_space<vmem>> -> memref<1x80x64xbf16, #tpu.memory_space<vmem>>
      %dma_start3A_771 = tpu.memref_squeeze %dma_start3A_770 : memref<1x80x64xbf16, #tpu.memory_space<vmem>> -> memref<80x64xbf16, #tpu.memory_space<vmem>>
      %dma_start3A_772 = tpu.memref_slice %arg8[%add3A_765] : memref<10000xi32, #tpu.memory_space<vmem>> -> memref<80xi32, #tpu.memory_space<vmem>>
      %dma_start3A_773 = arith.constant 0 : i32
      %dma_start3A_774 = arith.constant 0 : i32
      %dma_start3A_775 = tpu.memref_slice %arg15[%dma_start3A_773, %dma_start3A_774] : memref<10000x64xbf16, #tpu.memory_space<vmem_shared>> -> memref<10000x64xbf16, #tpu.memory_space<vmem_shared>>
      %dma_start3A_776 = tpu.memref_slice %arg17[%dma_start3A_767] : memref<2x!tpu.dma_semaphore, #tpu.memory_space<semaphore_mem>> -> memref<1x!tpu.dma_semaphore, #tpu.memory_space<semaphore_mem>>
      %dma_start3A_777 = tpu.memref_squeeze %dma_start3A_776 : memref<1x!tpu.dma_semaphore, #tpu.memory_space<semaphore_mem>> -> memref<!tpu.dma_semaphore, #tpu.memory_space<semaphore_mem>>
      tpu.enqueue_indirect_dma source(%dma_start3A_775 : memref<10000x64xbf16, #tpu.memory_space<vmem_shared>>) target(%dma_start3A_771 : memref<80x64xbf16, #tpu.memory_space<vmem>>) offsets(%dma_start3A_772 : memref<80xi32, #tpu.memory_space<vmem>>) semaphore(%dma_start3A_777 : memref<!tpu.dma_semaphore, #tpu.memory_space<semaphore_mem>>)
      %dma_start3A_778 = arith.constant 0 : i32
      %dma_start3A_779 = arith.constant 0 : i32
      %dma_start3A_780 = arith.constant 320 : i32
      %dma_start3A_781 = arith.constant 0 : i32
      %dma_start3A_782 = tpu.memref_slice %arg11[%dma_start3A_778, %dma_start3A_780, %dma_start3A_781] : memref<2x400x64xbf16, #tpu.memory_space<vmem>> -> memref<1x80x64xbf16, #tpu.memory_space<vmem>>
      %dma_start3A_783 = tpu.memref_squeeze %dma_start3A_782 : memref<1x80x64xbf16, #tpu.memory_space<vmem>> -> memref<80x64xbf16, #tpu.memory_space<vmem>>
      %dma_start3A_784 = tpu.memref_slice %arg9[%add3A_765] : memref<10000xi32, #tpu.memory_space<vmem>> -> memref<80xi32, #tpu.memory_space<vmem>>
      %dma_start3A_785 = arith.constant 0 : i32
      %dma_start3A_786 = arith.constant 0 : i32
      %dma_start3A_787 = tpu.memref_slice %arg16[%dma_start3A_785, %dma_start3A_786] : memref<10000x64xbf16, #tpu.memory_space<vmem_shared>> -> memref<10000x64xbf16, #tpu.memory_space<vmem_shared>>
      %dma_start3A_788 = tpu.memref_slice %arg17[%dma_start3A_779] : memref<2x!tpu.dma_semaphore, #tpu.memory_space<semaphore_mem>> -> memref<1x!tpu.dma_semaphore, #tpu.memory_space<semaphore_mem>>
      %dma_start3A_789 = tpu.memref_squeeze %dma_start3A_788 : memref<1x!tpu.dma_semaphore, #tpu.memory_space<semaphore_mem>> -> memref<!tpu.dma_semaphore, #tpu.memory_space<semaphore_mem>>
      tpu.enqueue_indirect_dma source(%dma_start3A_787 : memref<10000x64xbf16, #tpu.memory_space<vmem_shared>>) target(%dma_start3A_783 : memref<80x64xbf16, #tpu.memory_space<vmem>>) offsets(%dma_start3A_784 : memref<80xi32, #tpu.memory_space<vmem>>) semaphore(%dma_start3A_789 : memref<!tpu.dma_semaphore, #tpu.memory_space<semaphore_mem>>)
      %dma_wait3A_790 = arith.constant 1 : i32
      %dma_wait3A_791 = arith.constant 1 : i32
      %dma_wait3A_792 = arith.constant 0 : i32
      %dma_wait3A_793 = arith.constant 0 : i32
      %dma_wait3A_794 = tpu.memref_slice %arg10[%dma_wait3A_790, %dma_wait3A_792, %dma_wait3A_793] : memref<2x400x64xbf16, #tpu.memory_space<vmem>> -> memref<1x80x64xbf16, #tpu.memory_space<vmem>>
      %dma_wait3A_795 = tpu.memref_squeeze %dma_wait3A_794 : memref<1x80x64xbf16, #tpu.memory_space<vmem>> -> memref<80x64xbf16, #tpu.memory_space<vmem>>
      %dma_wait3A_796 = arith.constant 0 : i32
      %dma_wait3A_797 = arith.constant 0 : i32
      %dma_wait3A_798 = tpu.memref_slice %arg2[%dma_wait3A_796, %dma_wait3A_797] : memref<10000x64xbf16, #tpu.memory_space<hbm>> -> memref<80x64xbf16, #tpu.memory_space<hbm>>
      %dma_wait3A_799 = tpu.memref_slice %arg17[%dma_wait3A_791] : memref<2x!tpu.dma_semaphore, #tpu.memory_space<semaphore_mem>> -> memref<1x!tpu.dma_semaphore, #tpu.memory_space<semaphore_mem>>
      %dma_wait3A_800 = tpu.memref_squeeze %dma_wait3A_799 : memref<1x!tpu.dma_semaphore, #tpu.memory_space<semaphore_mem>> -> memref<!tpu.dma_semaphore, #tpu.memory_space<semaphore_mem>>
      %dma_wait3A_801 = arith.constant 0 : i32
      %dma_wait3A_802 = arith.constant 0 : i32
      %dma_wait3A_803 = tpu.memref_slice %arg10[%dma_wait3A_790, %dma_wait3A_801, %dma_wait3A_802] : memref<2x400x64xbf16, #tpu.memory_space<vmem>> -> memref<1x80x64xbf16, #tpu.memory_space<vmem>>
      %dma_wait3A_804 = tpu.memref_squeeze %dma_wait3A_803 : memref<1x80x64xbf16, #tpu.memory_space<vmem>> -> memref<80x64xbf16, #tpu.memory_space<vmem>>
      %dma_wait3A_805 = arith.constant 0 : i32
      %dma_wait3A_806 = arith.constant 0 : i32
      %dma_wait3A_807 = tpu.memref_slice %arg2[%dma_wait3A_805, %dma_wait3A_806] : memref<10000x64xbf16, #tpu.memory_space<hbm>> -> memref<80x64xbf16, #tpu.memory_space<hbm>>
      tpu.wait_dma2 semaphore(%dma_wait3A_800 : memref<!tpu.dma_semaphore, #tpu.memory_space<semaphore_mem>>) src(%dma_wait3A_807 : memref<80x64xbf16, #tpu.memory_space<hbm>>) dst(%dma_wait3A_804 : memref<80x64xbf16, #tpu.memory_space<vmem>>)
      %dma_wait3A_808 = arith.constant 1 : i32
      %dma_wait3A_809 = arith.constant 1 : i32
      %dma_wait3A_810 = arith.constant 0 : i32
      %dma_wait3A_811 = arith.constant 0 : i32
      %dma_wait3A_812 = tpu.memref_slice %arg10[%dma_wait3A_808, %dma_wait3A_810, %dma_wait3A_811] : memref<2x400x64xbf16, #tpu.memory_space<vmem>> -> memref<1x80x64xbf16, #tpu.memory_space<vmem>>
      %dma_wait3A_813 = tpu.memref_squeeze %dma_wait3A_812 : memref<1x80x64xbf16, #tpu.memory_space<vmem>> -> memref<80x64xbf16, #tpu.memory_space<vmem>>
      %dma_wait3A_814 = arith.constant 0 : i32
      %dma_wait3A_815 = arith.constant 0 : i32
      %dma_wait3A_816 = tpu.memref_slice %arg2[%dma_wait3A_814, %dma_wait3A_815] : memref<10000x64xbf16, #tpu.memory_space<hbm>> -> memref<80x64xbf16, #tpu.memory_space<hbm>>
      %dma_wait3A_817 = tpu.memref_slice %arg17[%dma_wait3A_809] : memref<2x!tpu.dma_semaphore, #tpu.memory_space<semaphore_mem>> -> memref<1x!tpu.dma_semaphore, #tpu.memory_space<semaphore_mem>>
      %dma_wait3A_818 = tpu.memref_squeeze %dma_wait3A_817 : memref<1x!tpu.dma_semaphore, #tpu.memory_space<semaphore_mem>> -> memref<!tpu.dma_semaphore, #tpu.memory_space<semaphore_mem>>
      %dma_wait3A_819 = arith.constant 0 : i32
      %dma_wait3A_820 = arith.constant 0 : i32
      %dma_wait3A_821 = tpu.memref_slice %arg10[%dma_wait3A_808, %dma_wait3A_819, %dma_wait3A_820] : memref<2x400x64xbf16, #tpu.memory_space<vmem>> -> memref<1x80x64xbf16, #tpu.memory_space<vmem>>
      %dma_wait3A_822 = tpu.memref_squeeze %dma_wait3A_821 : memref<1x80x64xbf16, #tpu.memory_space<vmem>> -> memref<80x64xbf16, #tpu.memory_space<vmem>>
      %dma_wait3A_823 = arith.constant 0 : i32
      %dma_wait3A_824 = arith.constant 0 : i32
      %dma_wait3A_825 = tpu.memref_slice %arg2[%dma_wait3A_823, %dma_wait3A_824] : memref<10000x64xbf16, #tpu.memory_space<hbm>> -> memref<80x64xbf16, #tpu.memory_space<hbm>>
      tpu.wait_dma2 semaphore(%dma_wait3A_818 : memref<!tpu.dma_semaphore, #tpu.memory_space<semaphore_mem>>) src(%dma_wait3A_825 : memref<80x64xbf16, #tpu.memory_space<hbm>>) dst(%dma_wait3A_822 : memref<80x64xbf16, #tpu.memory_space<vmem>>)
      %dma_wait3A_826 = arith.constant 1 : i32
      %dma_wait3A_827 = arith.constant 1 : i32
      %dma_wait3A_828 = arith.constant 0 : i32
      %dma_wait3A_829 = arith.constant 0 : i32
      %dma_wait3A_830 = tpu.memref_slice %arg10[%dma_wait3A_826, %dma_wait3A_828, %dma_wait3A_829] : memref<2x400x64xbf16, #tpu.memory_space<vmem>> -> memref<1x80x64xbf16, #tpu.memory_space<vmem>>
      %dma_wait3A_831 = tpu.memref_squeeze %dma_wait3A_830 : memref<1x80x64xbf16, #tpu.memory_space<vmem>> -> memref<80x64xbf16, #tpu.memory_space<vmem>>
      %dma_wait3A_832 = arith.constant 0 : i32
      %dma_wait3A_833 = arith.constant 0 : i32
      %dma_wait3A_834 = tpu.memref_slice %arg2[%dma_wait3A_832, %dma_wait3A_833] : memref<10000x64xbf16, #tpu.memory_space<hbm>> -> memref<80x64xbf16, #tpu.memory_space<hbm>>
      %dma_wait3A_835 = tpu.memref_slice %arg17[%dma_wait3A_827] : memref<2x!tpu.dma_semaphore, #tpu.memory_space<semaphore_mem>> -> memref<1x!tpu.dma_semaphore, #tpu.memory_space<semaphore_mem>>
      %dma_wait3A_836 = tpu.memref_squeeze %dma_wait3A_835 : memref<1x!tpu.dma_semaphore, #tpu.memory_space<semaphore_mem>> -> memref<!tpu.dma_semaphore, #tpu.memory_space<semaphore_mem>>
      %dma_wait3A_837 = arith.constant 0 : i32
      %dma_wait3A_838 = arith.constant 0 : i32
      %dma_wait3A_839 = tpu.memref_slice %arg10[%dma_wait3A_826, %dma_wait3A_837, %dma_wait3A_838] : memref<2x400x64xbf16, #tpu.memory_space<vmem>> -> memref<1x80x64xbf16, #tpu.memory_space<vmem>>
      %dma_wait3A_840 = tpu.memref_squeeze %dma_wait3A_839 : memref<1x80x64xbf16, #tpu.memory_space<vmem>> -> memref<80x64xbf16, #tpu.memory_space<vmem>>
      %dma_wait3A_841 = arith.constant 0 : i32
      %dma_wait3A_842 = arith.constant 0 : i32
      %dma_wait3A_843 = tpu.memref_slice %arg2[%dma_wait3A_841, %dma_wait3A_842] : memref<10000x64xbf16, #tpu.memory_space<hbm>> -> memref<80x64xbf16, #tpu.memory_space<hbm>>
      tpu.wait_dma2 semaphore(%dma_wait3A_836 : memref<!tpu.dma_semaphore, #tpu.memory_space<semaphore_mem>>) src(%dma_wait3A_843 : memref<80x64xbf16, #tpu.memory_space<hbm>>) dst(%dma_wait3A_840 : memref<80x64xbf16, #tpu.memory_space<vmem>>)
      %dma_wait3A_844 = arith.constant 1 : i32
      %dma_wait3A_845 = arith.constant 1 : i32
      %dma_wait3A_846 = arith.constant 0 : i32
      %dma_wait3A_847 = arith.constant 0 : i32
      %dma_wait3A_848 = tpu.memref_slice %arg10[%dma_wait3A_844, %dma_wait3A_846, %dma_wait3A_847] : memref<2x400x64xbf16, #tpu.memory_space<vmem>> -> memref<1x80x64xbf16, #tpu.memory_space<vmem>>
      %dma_wait3A_849 = tpu.memref_squeeze %dma_wait3A_848 : memref<1x80x64xbf16, #tpu.memory_space<vmem>> -> memref<80x64xbf16, #tpu.memory_space<vmem>>
      %dma_wait3A_850 = arith.constant 0 : i32
      %dma_wait3A_851 = arith.constant 0 : i32
      %dma_wait3A_852 = tpu.memref_slice %arg2[%dma_wait3A_850, %dma_wait3A_851] : memref<10000x64xbf16, #tpu.memory_space<hbm>> -> memref<80x64xbf16, #tpu.memory_space<hbm>>
      %dma_wait3A_853 = tpu.memref_slice %arg17[%dma_wait3A_845] : memref<2x!tpu.dma_semaphore, #tpu.memory_space<semaphore_mem>> -> memref<1x!tpu.dma_semaphore, #tpu.memory_space<semaphore_mem>>
      %dma_wait3A_854 = tpu.memref_squeeze %dma_wait3A_853 : memref<1x!tpu.dma_semaphore, #tpu.memory_space<semaphore_mem>> -> memref<!tpu.dma_semaphore, #tpu.memory_space<semaphore_mem>>
      %dma_wait3A_855 = arith.constant 0 : i32
      %dma_wait3A_856 = arith.constant 0 : i32
      %dma_wait3A_857 = tpu.memref_slice %arg10[%dma_wait3A_844, %dma_wait3A_855, %dma_wait3A_856] : memref<2x400x64xbf16, #tpu.memory_space<vmem>> -> memref<1x80x64xbf16, #tpu.memory_space<vmem>>
      %dma_wait3A_858 = tpu.memref_squeeze %dma_wait3A_857 : memref<1x80x64xbf16, #tpu.memory_space<vmem>> -> memref<80x64xbf16, #tpu.memory_space<vmem>>
      %dma_wait3A_859 = arith.constant 0 : i32
      %dma_wait3A_860 = arith.constant 0 : i32
      %dma_wait3A_861 = tpu.memref_slice %arg2[%dma_wait3A_859, %dma_wait3A_860] : memref<10000x64xbf16, #tpu.memory_space<hbm>> -> memref<80x64xbf16, #tpu.memory_space<hbm>>
      tpu.wait_dma2 semaphore(%dma_wait3A_854 : memref<!tpu.dma_semaphore, #tpu.memory_space<semaphore_mem>>) src(%dma_wait3A_861 : memref<80x64xbf16, #tpu.memory_space<hbm>>) dst(%dma_wait3A_858 : memref<80x64xbf16, #tpu.memory_space<vmem>>)
      %dma_wait3A_862 = arith.constant 1 : i32
      %dma_wait3A_863 = arith.constant 1 : i32
      %dma_wait3A_864 = arith.constant 0 : i32
      %dma_wait3A_865 = arith.constant 0 : i32
      %dma_wait3A_866 = tpu.memref_slice %arg10[%dma_wait3A_862, %dma_wait3A_864, %dma_wait3A_865] : memref<2x400x64xbf16, #tpu.memory_space<vmem>> -> memref<1x80x64xbf16, #tpu.memory_space<vmem>>
      %dma_wait3A_867 = tpu.memref_squeeze %dma_wait3A_866 : memref<1x80x64xbf16, #tpu.memory_space<vmem>> -> memref<80x64xbf16, #tpu.memory_space<vmem>>
      %dma_wait3A_868 = arith.constant 0 : i32
      %dma_wait3A_869 = arith.constant 0 : i32
      %dma_wait3A_870 = tpu.memref_slice %arg2[%dma_wait3A_868, %dma_wait3A_869] : memref<10000x64xbf16, #tpu.memory_space<hbm>> -> memref<80x64xbf16, #tpu.memory_space<hbm>>
      %dma_wait3A_871 = tpu.memref_slice %arg17[%dma_wait3A_863] : memref<2x!tpu.dma_semaphore, #tpu.memory_space<semaphore_mem>> -> memref<1x!tpu.dma_semaphore, #tpu.memory_space<semaphore_mem>>
      %dma_wait3A_872 = tpu.memref_squeeze %dma_wait3A_871 : memref<1x!tpu.dma_semaphore, #tpu.memory_space<semaphore_mem>> -> memref<!tpu.dma_semaphore, #tpu.memory_space<semaphore_mem>>
      %dma_wait3A_873 = arith.constant 0 : i32
      %dma_wait3A_874 = arith.constant 0 : i32
      %dma_wait3A_875 = tpu.memref_slice %arg10[%dma_wait3A_862, %dma_wait3A_873, %dma_wait3A_874] : memref<2x400x64xbf16, #tpu.memory_space<vmem>> -> memref<1x80x64xbf16, #tpu.memory_space<vmem>>
      %dma_wait3A_876 = tpu.memref_squeeze %dma_wait3A_875 : memref<1x80x64xbf16, #tpu.memory_space<vmem>> -> memref<80x64xbf16, #tpu.memory_space<vmem>>
      %dma_wait3A_877 = arith.constant 0 : i32
      %dma_wait3A_878 = arith.constant 0 : i32
      %dma_wait3A_879 = tpu.memref_slice %arg2[%dma_wait3A_877, %dma_wait3A_878] : memref<10000x64xbf16, #tpu.memory_space<hbm>> -> memref<80x64xbf16, #tpu.memory_space<hbm>>
      tpu.wait_dma2 semaphore(%dma_wait3A_872 : memref<!tpu.dma_semaphore, #tpu.memory_space<semaphore_mem>>) src(%dma_wait3A_879 : memref<80x64xbf16, #tpu.memory_space<hbm>>) dst(%dma_wait3A_876 : memref<80x64xbf16, #tpu.memory_space<vmem>>)
      %dma_wait3A_880 = arith.constant 1 : i32
      %dma_wait3A_881 = arith.constant 1 : i32
      %dma_wait3A_882 = arith.constant 0 : i32
      %dma_wait3A_883 = arith.constant 0 : i32
      %dma_wait3A_884 = tpu.memref_slice %arg10[%dma_wait3A_880, %dma_wait3A_882, %dma_wait3A_883] : memref<2x400x64xbf16, #tpu.memory_space<vmem>> -> memref<1x80x64xbf16, #tpu.memory_space<vmem>>
      %dma_wait3A_885 = tpu.memref_squeeze %dma_wait3A_884 : memref<1x80x64xbf16, #tpu.memory_space<vmem>> -> memref<80x64xbf16, #tpu.memory_space<vmem>>
      %dma_wait3A_886 = arith.constant 0 : i32
      %dma_wait3A_887 = arith.constant 0 : i32
      %dma_wait3A_888 = tpu.memref_slice %arg2[%dma_wait3A_886, %dma_wait3A_887] : memref<10000x64xbf16, #tpu.memory_space<hbm>> -> memref<80x64xbf16, #tpu.memory_space<hbm>>
      %dma_wait3A_889 = tpu.memref_slice %arg17[%dma_wait3A_881] : memref<2x!tpu.dma_semaphore, #tpu.memory_space<semaphore_mem>> -> memref<1x!tpu.dma_semaphore, #tpu.memory_space<semaphore_mem>>
      %dma_wait3A_890 = tpu.memref_squeeze %dma_wait3A_889 : memref<1x!tpu.dma_semaphore, #tpu.memory_space<semaphore_mem>> -> memref<!tpu.dma_semaphore, #tpu.memory_space<semaphore_mem>>
      %dma_wait3A_891 = arith.constant 0 : i32
      %dma_wait3A_892 = arith.constant 0 : i32
      %dma_wait3A_893 = tpu.memref_slice %arg10[%dma_wait3A_880, %dma_wait3A_891, %dma_wait3A_892] : memref<2x400x64xbf16, #tpu.memory_space<vmem>> -> memref<1x80x64xbf16, #tpu.memory_space<vmem>>
      %dma_wait3A_894 = tpu.memref_squeeze %dma_wait3A_893 : memref<1x80x64xbf16, #tpu.memory_space<vmem>> -> memref<80x64xbf16, #tpu.memory_space<vmem>>
      %dma_wait3A_895 = arith.constant 0 : i32
      %dma_wait3A_896 = arith.constant 0 : i32
      %dma_wait3A_897 = tpu.memref_slice %arg2[%dma_wait3A_895, %dma_wait3A_896] : memref<10000x64xbf16, #tpu.memory_space<hbm>> -> memref<80x64xbf16, #tpu.memory_space<hbm>>
      tpu.wait_dma2 semaphore(%dma_wait3A_890 : memref<!tpu.dma_semaphore, #tpu.memory_space<semaphore_mem>>) src(%dma_wait3A_897 : memref<80x64xbf16, #tpu.memory_space<hbm>>) dst(%dma_wait3A_894 : memref<80x64xbf16, #tpu.memory_space<vmem>>)
      %dma_wait3A_898 = arith.constant 1 : i32
      %dma_wait3A_899 = arith.constant 1 : i32
      %dma_wait3A_900 = arith.constant 0 : i32
      %dma_wait3A_901 = arith.constant 0 : i32
      %dma_wait3A_902 = tpu.memref_slice %arg10[%dma_wait3A_898, %dma_wait3A_900, %dma_wait3A_901] : memref<2x400x64xbf16, #tpu.memory_space<vmem>> -> memref<1x80x64xbf16, #tpu.memory_space<vmem>>
      %dma_wait3A_903 = tpu.memref_squeeze %dma_wait3A_902 : memref<1x80x64xbf16, #tpu.memory_space<vmem>> -> memref<80x64xbf16, #tpu.memory_space<vmem>>
      %dma_wait3A_904 = arith.constant 0 : i32
      %dma_wait3A_905 = arith.constant 0 : i32
      %dma_wait3A_906 = tpu.memref_slice %arg2[%dma_wait3A_904, %dma_wait3A_905] : memref<10000x64xbf16, #tpu.memory_space<hbm>> -> memref<80x64xbf16, #tpu.memory_space<hbm>>
      %dma_wait3A_907 = tpu.memref_slice %arg17[%dma_wait3A_899] : memref<2x!tpu.dma_semaphore, #tpu.memory_space<semaphore_mem>> -> memref<1x!tpu.dma_semaphore, #tpu.memory_space<semaphore_mem>>
      %dma_wait3A_908 = tpu.memref_squeeze %dma_wait3A_907 : memref<1x!tpu.dma_semaphore, #tpu.memory_space<semaphore_mem>> -> memref<!tpu.dma_semaphore, #tpu.memory_space<semaphore_mem>>
      %dma_wait3A_909 = arith.constant 0 : i32
      %dma_wait3A_910 = arith.constant 0 : i32
      %dma_wait3A_911 = tpu.memref_slice %arg10[%dma_wait3A_898, %dma_wait3A_909, %dma_wait3A_910] : memref<2x400x64xbf16, #tpu.memory_space<vmem>> -> memref<1x80x64xbf16, #tpu.memory_space<vmem>>
      %dma_wait3A_912 = tpu.memref_squeeze %dma_wait3A_911 : memref<1x80x64xbf16, #tpu.memory_space<vmem>> -> memref<80x64xbf16, #tpu.memory_space<vmem>>
      %dma_wait3A_913 = arith.constant 0 : i32
      %dma_wait3A_914 = arith.constant 0 : i32
      %dma_wait3A_915 = tpu.memref_slice %arg2[%dma_wait3A_913, %dma_wait3A_914] : memref<10000x64xbf16, #tpu.memory_space<hbm>> -> memref<80x64xbf16, #tpu.memory_space<hbm>>
      tpu.wait_dma2 semaphore(%dma_wait3A_908 : memref<!tpu.dma_semaphore, #tpu.memory_space<semaphore_mem>>) src(%dma_wait3A_915 : memref<80x64xbf16, #tpu.memory_space<hbm>>) dst(%dma_wait3A_912 : memref<80x64xbf16, #tpu.memory_space<vmem>>)
      %dma_wait3A_916 = arith.constant 1 : i32
      %dma_wait3A_917 = arith.constant 1 : i32
      %dma_wait3A_918 = arith.constant 0 : i32
      %dma_wait3A_919 = arith.constant 0 : i32
      %dma_wait3A_920 = tpu.memref_slice %arg10[%dma_wait3A_916, %dma_wait3A_918, %dma_wait3A_919] : memref<2x400x64xbf16, #tpu.memory_space<vmem>> -> memref<1x80x64xbf16, #tpu.memory_space<vmem>>
      %dma_wait3A_921 = tpu.memref_squeeze %dma_wait3A_920 : memref<1x80x64xbf16, #tpu.memory_space<vmem>> -> memref<80x64xbf16, #tpu.memory_space<vmem>>
      %dma_wait3A_922 = arith.constant 0 : i32
      %dma_wait3A_923 = arith.constant 0 : i32
      %dma_wait3A_924 = tpu.memref_slice %arg2[%dma_wait3A_922, %dma_wait3A_923] : memref<10000x64xbf16, #tpu.memory_space<hbm>> -> memref<80x64xbf16, #tpu.memory_space<hbm>>
      %dma_wait3A_925 = tpu.memref_slice %arg17[%dma_wait3A_917] : memref<2x!tpu.dma_semaphore, #tpu.memory_space<semaphore_mem>> -> memref<1x!tpu.dma_semaphore, #tpu.memory_space<semaphore_mem>>
      %dma_wait3A_926 = tpu.memref_squeeze %dma_wait3A_925 : memref<1x!tpu.dma_semaphore, #tpu.memory_space<semaphore_mem>> -> memref<!tpu.dma_semaphore, #tpu.memory_space<semaphore_mem>>
      %dma_wait3A_927 = arith.constant 0 : i32
      %dma_wait3A_928 = arith.constant 0 : i32
      %dma_wait3A_929 = tpu.memref_slice %arg10[%dma_wait3A_916, %dma_wait3A_927, %dma_wait3A_928] : memref<2x400x64xbf16, #tpu.memory_space<vmem>> -> memref<1x80x64xbf16, #tpu.memory_space<vmem>>
      %dma_wait3A_930 = tpu.memref_squeeze %dma_wait3A_929 : memref<1x80x64xbf16, #tpu.memory_space<vmem>> -> memref<80x64xbf16, #tpu.memory_space<vmem>>
      %dma_wait3A_931 = arith.constant 0 : i32
      %dma_wait3A_932 = arith.constant 0 : i32
      %dma_wait3A_933 = tpu.memref_slice %arg2[%dma_wait3A_931, %dma_wait3A_932] : memref<10000x64xbf16, #tpu.memory_space<hbm>> -> memref<80x64xbf16, #tpu.memory_space<hbm>>
      tpu.wait_dma2 semaphore(%dma_wait3A_926 : memref<!tpu.dma_semaphore, #tpu.memory_space<semaphore_mem>>) src(%dma_wait3A_933 : memref<80x64xbf16, #tpu.memory_space<hbm>>) dst(%dma_wait3A_930 : memref<80x64xbf16, #tpu.memory_space<vmem>>)
      %dma_wait3A_934 = arith.constant 1 : i32
      %dma_wait3A_935 = arith.constant 1 : i32
      %dma_wait3A_936 = arith.constant 0 : i32
      %dma_wait3A_937 = arith.constant 0 : i32
      %dma_wait3A_938 = tpu.memref_slice %arg10[%dma_wait3A_934, %dma_wait3A_936, %dma_wait3A_937] : memref<2x400x64xbf16, #tpu.memory_space<vmem>> -> memref<1x80x64xbf16, #tpu.memory_space<vmem>>
      %dma_wait3A_939 = tpu.memref_squeeze %dma_wait3A_938 : memref<1x80x64xbf16, #tpu.memory_space<vmem>> -> memref<80x64xbf16, #tpu.memory_space<vmem>>
      %dma_wait3A_940 = arith.constant 0 : i32
      %dma_wait3A_941 = arith.constant 0 : i32
      %dma_wait3A_942 = tpu.memref_slice %arg2[%dma_wait3A_940, %dma_wait3A_941] : memref<10000x64xbf16, #tpu.memory_space<hbm>> -> memref<80x64xbf16, #tpu.memory_space<hbm>>
      %dma_wait3A_943 = tpu.memref_slice %arg17[%dma_wait3A_935] : memref<2x!tpu.dma_semaphore, #tpu.memory_space<semaphore_mem>> -> memref<1x!tpu.dma_semaphore, #tpu.memory_space<semaphore_mem>>
      %dma_wait3A_944 = tpu.memref_squeeze %dma_wait3A_943 : memref<1x!tpu.dma_semaphore, #tpu.memory_space<semaphore_mem>> -> memref<!tpu.dma_semaphore, #tpu.memory_space<semaphore_mem>>
      %dma_wait3A_945 = arith.constant 0 : i32
      %dma_wait3A_946 = arith.constant 0 : i32
      %dma_wait3A_947 = tpu.memref_slice %arg10[%dma_wait3A_934, %dma_wait3A_945, %dma_wait3A_946] : memref<2x400x64xbf16, #tpu.memory_space<vmem>> -> memref<1x80x64xbf16, #tpu.memory_space<vmem>>
      %dma_wait3A_948 = tpu.memref_squeeze %dma_wait3A_947 : memref<1x80x64xbf16, #tpu.memory_space<vmem>> -> memref<80x64xbf16, #tpu.memory_space<vmem>>
      %dma_wait3A_949 = arith.constant 0 : i32
      %dma_wait3A_950 = arith.constant 0 : i32
      %dma_wait3A_951 = tpu.memref_slice %arg2[%dma_wait3A_949, %dma_wait3A_950] : memref<10000x64xbf16, #tpu.memory_space<hbm>> -> memref<80x64xbf16, #tpu.memory_space<hbm>>
      tpu.wait_dma2 semaphore(%dma_wait3A_944 : memref<!tpu.dma_semaphore, #tpu.memory_space<semaphore_mem>>) src(%dma_wait3A_951 : memref<80x64xbf16, #tpu.memory_space<hbm>>) dst(%dma_wait3A_948 : memref<80x64xbf16, #tpu.memory_space<vmem>>)
      %dma_wait3A_952 = arith.constant 1 : i32
      %dma_wait3A_953 = arith.constant 1 : i32
      %dma_wait3A_954 = arith.constant 0 : i32
      %dma_wait3A_955 = arith.constant 0 : i32
      %dma_wait3A_956 = tpu.memref_slice %arg10[%dma_wait3A_952, %dma_wait3A_954, %dma_wait3A_955] : memref<2x400x64xbf16, #tpu.memory_space<vmem>> -> memref<1x80x64xbf16, #tpu.memory_space<vmem>>
      %dma_wait3A_957 = tpu.memref_squeeze %dma_wait3A_956 : memref<1x80x64xbf16, #tpu.memory_space<vmem>> -> memref<80x64xbf16, #tpu.memory_space<vmem>>
      %dma_wait3A_958 = arith.constant 0 : i32
      %dma_wait3A_959 = arith.constant 0 : i32
      %dma_wait3A_960 = tpu.memref_slice %arg2[%dma_wait3A_958, %dma_wait3A_959] : memref<10000x64xbf16, #tpu.memory_space<hbm>> -> memref<80x64xbf16, #tpu.memory_space<hbm>>
      %dma_wait3A_961 = tpu.memref_slice %arg17[%dma_wait3A_953] : memref<2x!tpu.dma_semaphore, #tpu.memory_space<semaphore_mem>> -> memref<1x!tpu.dma_semaphore, #tpu.memory_space<semaphore_mem>>
      %dma_wait3A_962 = tpu.memref_squeeze %dma_wait3A_961 : memref<1x!tpu.dma_semaphore, #tpu.memory_space<semaphore_mem>> -> memref<!tpu.dma_semaphore, #tpu.memory_space<semaphore_mem>>
      %dma_wait3A_963 = arith.constant 0 : i32
      %dma_wait3A_964 = arith.constant 0 : i32
      %dma_wait3A_965 = tpu.memref_slice %arg10[%dma_wait3A_952, %dma_wait3A_963, %dma_wait3A_964] : memref<2x400x64xbf16, #tpu.memory_space<vmem>> -> memref<1x80x64xbf16, #tpu.memory_space<vmem>>
      %dma_wait3A_966 = tpu.memref_squeeze %dma_wait3A_965 : memref<1x80x64xbf16, #tpu.memory_space<vmem>> -> memref<80x64xbf16, #tpu.memory_space<vmem>>
      %dma_wait3A_967 = arith.constant 0 : i32
      %dma_wait3A_968 = arith.constant 0 : i32
      %dma_wait3A_969 = tpu.memref_slice %arg2[%dma_wait3A_967, %dma_wait3A_968] : memref<10000x64xbf16, #tpu.memory_space<hbm>> -> memref<80x64xbf16, #tpu.memory_space<hbm>>
      tpu.wait_dma2 semaphore(%dma_wait3A_962 : memref<!tpu.dma_semaphore, #tpu.memory_space<semaphore_mem>>) src(%dma_wait3A_969 : memref<80x64xbf16, #tpu.memory_space<hbm>>) dst(%dma_wait3A_966 : memref<80x64xbf16, #tpu.memory_space<vmem>>)
      %add3A_970 = arith.constant 1 : i32
      %add3A_971 = arith.addi %mul3A_297, %add3A_970 : i32
      %min3A_972 = arith.constant 24 : i32
      %min3A_973 = arith.minsi %add3A_971, %min3A_972 : i32
      %gt3A_974 = arith.constant 0 : i32
      %gt3A_975 = arith.cmpi sgt, %scan3A_295, %gt3A_974 : i32
      %convert_element_type3A_976 = arith.extui %gt3A_975 : i1 to i32
      %cond3A_977 = arith.constant 0 : i32
      %cond3A_978 = arith.cmpi ne, %convert_element_type3A_976, %cond3A_977 : i32
      scf.if %cond3A_978 {
        %dma_wait3A_1002 = arith.constant 1 : i32
        %dma_wait3A_1003 = arith.constant 1 : i32
        %dma_wait3A_1004 = arith.constant 0 : i32
        %dma_wait3A_1005 = tpu.memref_slice %arg12[%dma_wait3A_1002, %dma_wait3A_1004] : memref<2x400xf32, #tpu.memory_space<vmem>> -> memref<1x400xf32, #tpu.memory_space<vmem>>
        %dma_wait3A_1006 = tpu.memref_squeeze %dma_wait3A_1005 : memref<1x400xf32, #tpu.memory_space<vmem>> -> memref<400xf32, #tpu.memory_space<vmem>>
        %dma_wait3A_1007 = arith.constant 0 : i32
        %dma_wait3A_1008 = tpu.memref_slice %arg7[%dma_wait3A_1007] : memref<320000xf32, #tpu.memory_space<hbm>> -> memref<400xf32, #tpu.memory_space<hbm>>
        %dma_wait3A_1009 = tpu.memref_slice %arg18[%dma_wait3A_1003] : memref<2x!tpu.dma_semaphore, #tpu.memory_space<semaphore_mem>> -> memref<1x!tpu.dma_semaphore, #tpu.memory_space<semaphore_mem>>
        %dma_wait3A_1010 = tpu.memref_squeeze %dma_wait3A_1009 : memref<1x!tpu.dma_semaphore, #tpu.memory_space<semaphore_mem>> -> memref<!tpu.dma_semaphore, #tpu.memory_space<semaphore_mem>>
        %dma_wait3A_1011 = arith.constant 0 : i32
        %dma_wait3A_1012 = tpu.memref_slice %arg7[%dma_wait3A_1011] : memref<320000xf32, #tpu.memory_space<hbm>> -> memref<400xf32, #tpu.memory_space<hbm>>
        %dma_wait3A_1013 = arith.constant 0 : i32
        %dma_wait3A_1014 = tpu.memref_slice %arg12[%dma_wait3A_1002, %dma_wait3A_1013] : memref<2x400xf32, #tpu.memory_space<vmem>> -> memref<1x400xf32, #tpu.memory_space<vmem>>
        %dma_wait3A_1015 = tpu.memref_squeeze %dma_wait3A_1014 : memref<1x400xf32, #tpu.memory_space<vmem>> -> memref<400xf32, #tpu.memory_space<vmem>>
        tpu.wait_dma2 semaphore(%dma_wait3A_1010 : memref<!tpu.dma_semaphore, #tpu.memory_space<semaphore_mem>>) src(%dma_wait3A_1015 : memref<400xf32, #tpu.memory_space<vmem>>) dst(%dma_wait3A_1012 : memref<400xf32, #tpu.memory_space<hbm>>)
      } else {
      }
      %scan3A_979 = arith.constant 0 : i32
      %scan3A_980 = arith.constant 0 : i32
      %scan3A_981 = arith.constant 25 : i32
      %scan3A_982 = arith.addi %scan3A_980, %scan3A_981 : i32
      %scan3A_983 = arith.constant 1 : i32
      scf.for %scan3A_1002 = %scan3A_980 to %scan3A_982 step %scan3A_983  : i32 {
        %mul3A_1003 = arith.constant 16 : i32
        %mul3A_1004 = arith.muli %scan3A_1002, %mul3A_1003 : i32
        %add3A_1005 = arith.constant 0 : i32
        %add3A_1006 = arith.addi %mul3A_1004, %add3A_1005 : i32
        %add3A_1007 = arith.constant 0 : i32
        %add3A_1008 = arith.addi %add3A_1006, %add3A_1007 : i32
        %get3A_1009 = arith.constant 1 : i32
        %get3A_1010 = arith.index_cast %get3A_1009 : i32 to index
        %get3A_1011 = arith.index_cast %add3A_1008 : i32 to index
        %get3A_1012 = arith.constant 0 : index
        %get3A_1013 = tpu.vector_load %arg10[%get3A_1010, %get3A_1011, %get3A_1012] {strides = array<i32>} : memref<2x400x64xbf16, #tpu.memory_space<vmem>>, vector<32xbf16>,
        %get3A_1014 = arith.constant 1 : i32
        %get3A_1015 = arith.index_cast %get3A_1014 : i32 to index
        %get3A_1016 = arith.index_cast %add3A_1008 : i32 to index
        %get3A_1017 = arith.constant 0 : index
        %get3A_1018 = tpu.vector_load %arg11[%get3A_1015, %get3A_1016, %get3A_1017] {strides = array<i32>} : memref<2x400x64xbf16, #tpu.memory_space<vmem>>, vector<32xbf16>,
        %add3A_1019 = arith.addf %get3A_1013, %get3A_1018 : vector<32xbf16>
        %max3A = arith.constant 0.000000e+00 : bf16
        %max3A_1020 = vector.broadcast %max3A : bf16 to vector<32xbf16>
        %max3A_1021 = arith.maximumf %add3A_1019, %max3A_1020 : vector<32xbf16>
        %mul3A_1022 = arith.mulf %max3A_1021, %pack3A : vector<32xbf16>
        %mul3A_1023 = arith.constant 16 : i32
        %mul3A_1024 = arith.muli %scan3A_1002, %mul3A_1023 : i32
        %add3A_1025 = arith.constant 0 : i32
        %add3A_1026 = arith.addi %mul3A_1024, %add3A_1025 : i32
        %add3A_1027 = arith.constant 1 : i32
        %add3A_1028 = arith.addi %add3A_1026, %add3A_1027 : i32
        %get3A_1029 = arith.constant 1 : i32
        %get3A_1030 = arith.index_cast %get3A_1029 : i32 to index
        %get3A_1031 = arith.index_cast %add3A_1028 : i32 to index
        %get3A_1032 = arith.constant 0 : index
        %get3A_1033 = tpu.vector_load %arg10[%get3A_1030, %get3A_1031, %get3A_1032] {strides = array<i32>} : memref<2x400x64xbf16, #tpu.memory_space<vmem>>, vector<32xbf16>,
        %get3A_1034 = arith.constant 1 : i32
        %get3A_1035 = arith.index_cast %get3A_1034 : i32 to index
        %get3A_1036 = arith.index_cast %add3A_1028 : i32 to index
        %get3A_1037 = arith.constant 0 : index
        %get3A_1038 = tpu.vector_load %arg11[%get3A_1035, %get3A_1036, %get3A_1037] {strides = array<i32>} : memref<2x400x64xbf16, #tpu.memory_space<vmem>>, vector<32xbf16>,
        %add3A_1039 = arith.addf %get3A_1033, %get3A_1038 : vector<32xbf16>
        %max3A_1040 = arith.constant 0.000000e+00 : bf16
        %max3A_1041 = vector.broadcast %max3A_1040 : bf16 to vector<32xbf16>
        %max3A_1042 = arith.maximumf %add3A_1039, %max3A_1041 : vector<32xbf16>
        %mul3A_1043 = arith.mulf %max3A_1042, %pack3A : vector<32xbf16>
        %mul3A_1044 = arith.constant 16 : i32
        %mul3A_1045 = arith.muli %scan3A_1002, %mul3A_1044 : i32
        %add3A_1046 = arith.constant 0 : i32
        %add3A_1047 = arith.addi %mul3A_1045, %add3A_1046 : i32
        %add3A_1048 = arith.constant 2 : i32
        %add3A_1049 = arith.addi %add3A_1047, %add3A_1048 : i32
        %get3A_1050 = arith.constant 1 : i32
        %get3A_1051 = arith.index_cast %get3A_1050 : i32 to index
        %get3A_1052 = arith.index_cast %add3A_1049 : i32 to index
        %get3A_1053 = arith.constant 0 : index
        %get3A_1054 = tpu.vector_load %arg10[%get3A_1051, %get3A_1052, %get3A_1053] {strides = array<i32>} : memref<2x400x64xbf16, #tpu.memory_space<vmem>>, vector<32xbf16>,
        %get3A_1055 = arith.constant 1 : i32
        %get3A_1056 = arith.index_cast %get3A_1055 : i32 to index
        %get3A_1057 = arith.index_cast %add3A_1049 : i32 to index
        %get3A_1058 = arith.constant 0 : index
        %get3A_1059 = tpu.vector_load %arg11[%get3A_1056, %get3A_1057, %get3A_1058] {strides = array<i32>} : memref<2x400x64xbf16, #tpu.memory_space<vmem>>, vector<32xbf16>,
        %add3A_1060 = arith.addf %get3A_1054, %get3A_1059 : vector<32xbf16>
        %max3A_1061 = arith.constant 0.000000e+00 : bf16
        %max3A_1062 = vector.broadcast %max3A_1061 : bf16 to vector<32xbf16>
        %max3A_1063 = arith.maximumf %add3A_1060, %max3A_1062 : vector<32xbf16>
        %mul3A_1064 = arith.mulf %max3A_1063, %pack3A : vector<32xbf16>
        %mul3A_1065 = arith.constant 16 : i32
        %mul3A_1066 = arith.muli %scan3A_1002, %mul3A_1065 : i32
        %add3A_1067 = arith.constant 0 : i32
        %add3A_1068 = arith.addi %mul3A_1066, %add3A_1067 : i32
        %add3A_1069 = arith.constant 3 : i32
        %add3A_1070 = arith.addi %add3A_1068, %add3A_1069 : i32
        %get3A_1071 = arith.constant 1 : i32
        %get3A_1072 = arith.index_cast %get3A_1071 : i32 to index
        %get3A_1073 = arith.index_cast %add3A_1070 : i32 to index
        %get3A_1074 = arith.constant 0 : index
        %get3A_1075 = tpu.vector_load %arg10[%get3A_1072, %get3A_1073, %get3A_1074] {strides = array<i32>} : memref<2x400x64xbf16, #tpu.memory_space<vmem>>, vector<32xbf16>,
        %get3A_1076 = arith.constant 1 : i32
        %get3A_1077 = arith.index_cast %get3A_1076 : i32 to index
        %get3A_1078 = arith.index_cast %add3A_1070 : i32 to index
        %get3A_1079 = arith.constant 0 : index
        %get3A_1080 = tpu.vector_load %arg11[%get3A_1077, %get3A_1078, %get3A_1079] {strides = array<i32>} : memref<2x400x64xbf16, #tpu.memory_space<vmem>>, vector<32xbf16>,
        %add3A_1081 = arith.addf %get3A_1075, %get3A_1080 : vector<32xbf16>
        %max3A_1082 = arith.constant 0.000000e+00 : bf16
        %max3A_1083 = vector.broadcast %max3A_1082 : bf16 to vector<32xbf16>
        %max3A_1084 = arith.maximumf %add3A_1081, %max3A_1083 : vector<32xbf16>
        %mul3A_1085 = arith.mulf %max3A_1084, %pack3A : vector<32xbf16>
        %mul3A_1086 = arith.constant 16 : i32
        %mul3A_1087 = arith.muli %scan3A_1002, %mul3A_1086 : i32
        %add3A_1088 = arith.constant 0 : i32
        %add3A_1089 = arith.addi %mul3A_1087, %add3A_1088 : i32
        %add3A_1090 = arith.constant 0 : i32
        %add3A_1091 = arith.addi %add3A_1089, %add3A_1090 : i32
        %get3A_1092 = arith.constant 1 : i32
        %get3A_1093 = arith.index_cast %get3A_1092 : i32 to index
        %get3A_1094 = arith.index_cast %add3A_1091 : i32 to index
        %get3A_1095 = arith.constant 32 : index
        %get3A_1096 = tpu.vector_load %arg10[%get3A_1093, %get3A_1094, %get3A_1095] {strides = array<i32>} : memref<2x400x64xbf16, #tpu.memory_space<vmem>>, vector<32xbf16>,
        %get3A_1097 = arith.constant 1 : i32
        %get3A_1098 = arith.index_cast %get3A_1097 : i32 to index
        %get3A_1099 = arith.index_cast %add3A_1091 : i32 to index
        %get3A_1100 = arith.constant 32 : index
        %get3A_1101 = tpu.vector_load %arg11[%get3A_1098, %get3A_1099, %get3A_1100] {strides = array<i32>} : memref<2x400x64xbf16, #tpu.memory_space<vmem>>, vector<32xbf16>,
        %add3A_1102 = arith.addf %get3A_1096, %get3A_1101 : vector<32xbf16>
        %max3A_1103 = arith.constant 0.000000e+00 : bf16
        %max3A_1104 = vector.broadcast %max3A_1103 : bf16 to vector<32xbf16>
        %max3A_1105 = arith.maximumf %add3A_1102, %max3A_1104 : vector<32xbf16>
        %mul3A_1106 = arith.mulf %max3A_1105, %pack3A_20 : vector<32xbf16>
        %add3A_1107 = arith.addf %mul3A_1022, %mul3A_1106 : vector<32xbf16>
        %mul3A_1108 = arith.constant 16 : i32
        %mul3A_1109 = arith.muli %scan3A_1002, %mul3A_1108 : i32
        %add3A_1110 = arith.constant 0 : i32
        %add3A_1111 = arith.addi %mul3A_1109, %add3A_1110 : i32
        %add3A_1112 = arith.constant 1 : i32
        %add3A_1113 = arith.addi %add3A_1111, %add3A_1112 : i32
        %get3A_1114 = arith.constant 1 : i32
        %get3A_1115 = arith.index_cast %get3A_1114 : i32 to index
        %get3A_1116 = arith.index_cast %add3A_1113 : i32 to index
        %get3A_1117 = arith.constant 32 : index
        %get3A_1118 = tpu.vector_load %arg10[%get3A_1115, %get3A_1116, %get3A_1117] {strides = array<i32>} : memref<2x400x64xbf16, #tpu.memory_space<vmem>>, vector<32xbf16>,
        %get3A_1119 = arith.constant 1 : i32
        %get3A_1120 = arith.index_cast %get3A_1119 : i32 to index
        %get3A_1121 = arith.index_cast %add3A_1113 : i32 to index
        %get3A_1122 = arith.constant 32 : index
        %get3A_1123 = tpu.vector_load %arg11[%get3A_1120, %get3A_1121, %get3A_1122] {strides = array<i32>} : memref<2x400x64xbf16, #tpu.memory_space<vmem>>, vector<32xbf16>,
        %add3A_1124 = arith.addf %get3A_1118, %get3A_1123 : vector<32xbf16>
        %max3A_1125 = arith.constant 0.000000e+00 : bf16
        %max3A_1126 = vector.broadcast %max3A_1125 : bf16 to vector<32xbf16>
        %max3A_1127 = arith.maximumf %add3A_1124, %max3A_1126 : vector<32xbf16>
        %mul3A_1128 = arith.mulf %max3A_1127, %pack3A_20 : vector<32xbf16>
        %add3A_1129 = arith.addf %mul3A_1043, %mul3A_1128 : vector<32xbf16>
        %mul3A_1130 = arith.constant 16 : i32
        %mul3A_1131 = arith.muli %scan3A_1002, %mul3A_1130 : i32
        %add3A_1132 = arith.constant 0 : i32
        %add3A_1133 = arith.addi %mul3A_1131, %add3A_1132 : i32
        %add3A_1134 = arith.constant 2 : i32
        %add3A_1135 = arith.addi %add3A_1133, %add3A_1134 : i32
        %get3A_1136 = arith.constant 1 : i32
        %get3A_1137 = arith.index_cast %get3A_1136 : i32 to index
        %get3A_1138 = arith.index_cast %add3A_1135 : i32 to index
        %get3A_1139 = arith.constant 32 : index
        %get3A_1140 = tpu.vector_load %arg10[%get3A_1137, %get3A_1138, %get3A_1139] {strides = array<i32>} : memref<2x400x64xbf16, #tpu.memory_space<vmem>>, vector<32xbf16>,
        %get3A_1141 = arith.constant 1 : i32
        %get3A_1142 = arith.index_cast %get3A_1141 : i32 to index
        %get3A_1143 = arith.index_cast %add3A_1135 : i32 to index
        %get3A_1144 = arith.constant 32 : index
        %get3A_1145 = tpu.vector_load %arg11[%get3A_1142, %get3A_1143, %get3A_1144] {strides = array<i32>} : memref<2x400x64xbf16, #tpu.memory_space<vmem>>, vector<32xbf16>,
        %add3A_1146 = arith.addf %get3A_1140, %get3A_1145 : vector<32xbf16>
        %max3A_1147 = arith.constant 0.000000e+00 : bf16
        %max3A_1148 = vector.broadcast %max3A_1147 : bf16 to vector<32xbf16>
        %max3A_1149 = arith.maximumf %add3A_1146, %max3A_1148 : vector<32xbf16>
        %mul3A_1150 = arith.mulf %max3A_1149, %pack3A_20 : vector<32xbf16>
        %add3A_1151 = arith.addf %mul3A_1064, %mul3A_1150 : vector<32xbf16>
        %mul3A_1152 = arith.constant 16 : i32
        %mul3A_1153 = arith.muli %scan3A_1002, %mul3A_1152 : i32
        %add3A_1154 = arith.constant 0 : i32
        %add3A_1155 = arith.addi %mul3A_1153, %add3A_1154 : i32
        %add3A_1156 = arith.constant 3 : i32
        %add3A_1157 = arith.addi %add3A_1155, %add3A_1156 : i32
        %get3A_1158 = arith.constant 1 : i32
        %get3A_1159 = arith.index_cast %get3A_1158 : i32 to index
        %get3A_1160 = arith.index_cast %add3A_1157 : i32 to index
        %get3A_1161 = arith.constant 32 : index
        %get3A_1162 = tpu.vector_load %arg10[%get3A_1159, %get3A_1160, %get3A_1161] {strides = array<i32>} : memref<2x400x64xbf16, #tpu.memory_space<vmem>>, vector<32xbf16>,
        %get3A_1163 = arith.constant 1 : i32
        %get3A_1164 = arith.index_cast %get3A_1163 : i32 to index
        %get3A_1165 = arith.index_cast %add3A_1157 : i32 to index
        %get3A_1166 = arith.constant 32 : index
        %get3A_1167 = tpu.vector_load %arg11[%get3A_1164, %get3A_1165, %get3A_1166] {strides = array<i32>} : memref<2x400x64xbf16, #tpu.memory_space<vmem>>, vector<32xbf16>,
        %add3A_1168 = arith.addf %get3A_1162, %get3A_1167 : vector<32xbf16>
        %max3A_1169 = arith.constant 0.000000e+00 : bf16
        %max3A_1170 = vector.broadcast %max3A_1169 : bf16 to vector<32xbf16>
        %max3A_1171 = arith.maximumf %add3A_1168, %max3A_1170 : vector<32xbf16>
        %mul3A_1172 = arith.mulf %max3A_1171, %pack3A_20 : vector<32xbf16>
        %add3A_1173 = arith.addf %mul3A_1085, %mul3A_1172 : vector<32xbf16>
        %unpack3A = tpu.unpack_subelements %add3A_1107, 0 {pack_format = #tpu.pack_format<interleaved>} : vector<32xbf16> -> vector<16xf32>
        %unpack3A_1174 = tpu.unpack_subelements %add3A_1107, 1 {pack_format = #tpu.pack_format<interleaved>} : vector<32xbf16> -> vector<16xf32>
        %add3A_1175 = arith.addf %unpack3A, %unpack3A_1174 : vector<16xf32>
        %swap3A = arith.constant 0 : index
        %swap3A_1176 = tpu.vector_load %arg14[%swap3A] {strides = array<i32>} : memref<256xf32, #tpu.memory_space<vmem>>, vector<16xf32>,
        tpu.vector_store %arg14[%swap3A], %add3A_1175 {strides = array<i32>} : memref<256xf32, #tpu.memory_space<vmem>>, vector<16xf32>,
        %unpack3A_1177 = tpu.unpack_subelements %add3A_1129, 0 {pack_format = #tpu.pack_format<interleaved>} : vector<32xbf16> -> vector<16xf32>
        %unpack3A_1178 = tpu.unpack_subelements %add3A_1129, 1 {pack_format = #tpu.pack_format<interleaved>} : vector<32xbf16> -> vector<16xf32>
        %add3A_1179 = arith.addf %unpack3A_1177, %unpack3A_1178 : vector<16xf32>
        %swap3A_1180 = arith.constant 16 : index
        %swap3A_1181 = tpu.vector_load %arg14[%swap3A_1180] {strides = array<i32>} : memref<256xf32, #tpu.memory_space<vmem>>, vector<16xf32>,
        tpu.vector_store %arg14[%swap3A_1180], %add3A_1179 {strides = array<i32>} : memref<256xf32, #tpu.memory_space<vmem>>, vector<16xf32>,
        %unpack3A_1182 = tpu.unpack_subelements %add3A_1151, 0 {pack_format = #tpu.pack_format<interleaved>} : vector<32xbf16> -> vector<16xf32>
        %unpack3A_1183 = tpu.unpack_subelements %add3A_1151, 1 {pack_format = #tpu.pack_format<interleaved>} : vector<32xbf16> -> vector<16xf32>
        %add3A_1184 = arith.addf %unpack3A_1182, %unpack3A_1183 : vector<16xf32>
        %swap3A_1185 = arith.constant 32 : index
        %swap3A_1186 = tpu.vector_load %arg14[%swap3A_1185] {strides = array<i32>} : memref<256xf32, #tpu.memory_space<vmem>>, vector<16xf32>,
        tpu.vector_store %arg14[%swap3A_1185], %add3A_1184 {strides = array<i32>} : memref<256xf32, #tpu.memory_space<vmem>>, vector<16xf32>,
        %unpack3A_1187 = tpu.unpack_subelements %add3A_1173, 0 {pack_format = #tpu.pack_format<interleaved>} : vector<32xbf16> -> vector<16xf32>
        %unpack3A_1188 = tpu.unpack_subelements %add3A_1173, 1 {pack_format = #tpu.pack_format<interleaved>} : vector<32xbf16> -> vector<16xf32>
        %add3A_1189 = arith.addf %unpack3A_1187, %unpack3A_1188 : vector<16xf32>
        %swap3A_1190 = arith.constant 48 : index
        %swap3A_1191 = tpu.vector_load %arg14[%swap3A_1190] {strides = array<i32>} : memref<256xf32, #tpu.memory_space<vmem>>, vector<16xf32>,
        tpu.vector_store %arg14[%swap3A_1190], %add3A_1189 {strides = array<i32>} : memref<256xf32, #tpu.memory_space<vmem>>, vector<16xf32>,
        %mul3A_1192 = arith.constant 16 : i32
        %mul3A_1193 = arith.muli %scan3A_1002, %mul3A_1192 : i32
        %add3A_1194 = arith.constant 4 : i32
        %add3A_1195 = arith.addi %mul3A_1193, %add3A_1194 : i32
        %add3A_1196 = arith.constant 0 : i32
        %add3A_1197 = arith.addi %add3A_1195, %add3A_1196 : i32
        %get3A_1198 = arith.constant 1 : i32
        %get3A_1199 = arith.index_cast %get3A_1198 : i32 to index
        %get3A_1200 = arith.index_cast %add3A_1197 : i32 to index
        %get3A_1201 = arith.constant 0 : index
        %get3A_1202 = tpu.vector_load %arg10[%get3A_1199, %get3A_1200, %get3A_1201] {strides = array<i32>} : memref<2x400x64xbf16, #tpu.memory_space<vmem>>, vector<32xbf16>,
        %get3A_1203 = arith.constant 1 : i32
        %get3A_1204 = arith.index_cast %get3A_1203 : i32 to index
        %get3A_1205 = arith.index_cast %add3A_1197 : i32 to index
        %get3A_1206 = arith.constant 0 : index
        %get3A_1207 = tpu.vector_load %arg11[%get3A_1204, %get3A_1205, %get3A_1206] {strides = array<i32>} : memref<2x400x64xbf16, #tpu.memory_space<vmem>>, vector<32xbf16>,
        %add3A_1208 = arith.addf %get3A_1202, %get3A_1207 : vector<32xbf16>
        %max3A_1209 = arith.constant 0.000000e+00 : bf16
        %max3A_1210 = vector.broadcast %max3A_1209 : bf16 to vector<32xbf16>
        %max3A_1211 = arith.maximumf %add3A_1208, %max3A_1210 : vector<32xbf16>
        %mul3A_1212 = arith.mulf %max3A_1211, %pack3A : vector<32xbf16>
        %mul3A_1213 = arith.constant 16 : i32
        %mul3A_1214 = arith.muli %scan3A_1002, %mul3A_1213 : i32
        %add3A_1215 = arith.constant 4 : i32
        %add3A_1216 = arith.addi %mul3A_1214, %add3A_1215 : i32
        %add3A_1217 = arith.constant 1 : i32
        %add3A_1218 = arith.addi %add3A_1216, %add3A_1217 : i32
        %get3A_1219 = arith.constant 1 : i32
        %get3A_1220 = arith.index_cast %get3A_1219 : i32 to index
        %get3A_1221 = arith.index_cast %add3A_1218 : i32 to index
        %get3A_1222 = arith.constant 0 : index
        %get3A_1223 = tpu.vector_load %arg10[%get3A_1220, %get3A_1221, %get3A_1222] {strides = array<i32>} : memref<2x400x64xbf16, #tpu.memory_space<vmem>>, vector<32xbf16>,
        %get3A_1224 = arith.constant 1 : i32
        %get3A_1225 = arith.index_cast %get3A_1224 : i32 to index
        %get3A_1226 = arith.index_cast %add3A_1218 : i32 to index
        %get3A_1227 = arith.constant 0 : index
        %get3A_1228 = tpu.vector_load %arg11[%get3A_1225, %get3A_1226, %get3A_1227] {strides = array<i32>} : memref<2x400x64xbf16, #tpu.memory_space<vmem>>, vector<32xbf16>,
        %add3A_1229 = arith.addf %get3A_1223, %get3A_1228 : vector<32xbf16>
        %max3A_1230 = arith.constant 0.000000e+00 : bf16
        %max3A_1231 = vector.broadcast %max3A_1230 : bf16 to vector<32xbf16>
        %max3A_1232 = arith.maximumf %add3A_1229, %max3A_1231 : vector<32xbf16>
        %mul3A_1233 = arith.mulf %max3A_1232, %pack3A : vector<32xbf16>
        %mul3A_1234 = arith.constant 16 : i32
        %mul3A_1235 = arith.muli %scan3A_1002, %mul3A_1234 : i32
        %add3A_1236 = arith.constant 4 : i32
        %add3A_1237 = arith.addi %mul3A_1235, %add3A_1236 : i32
        %add3A_1238 = arith.constant 2 : i32
        %add3A_1239 = arith.addi %add3A_1237, %add3A_1238 : i32
        %get3A_1240 = arith.constant 1 : i32
        %get3A_1241 = arith.index_cast %get3A_1240 : i32 to index
        %get3A_1242 = arith.index_cast %add3A_1239 : i32 to index
        %get3A_1243 = arith.constant 0 : index
        %get3A_1244 = tpu.vector_load %arg10[%get3A_1241, %get3A_1242, %get3A_1243] {strides = array<i32>} : memref<2x400x64xbf16, #tpu.memory_space<vmem>>, vector<32xbf16>,
        %get3A_1245 = arith.constant 1 : i32
        %get3A_1246 = arith.index_cast %get3A_1245 : i32 to index
        %get3A_1247 = arith.index_cast %add3A_1239 : i32 to index
        %get3A_1248 = arith.constant 0 : index
        %get3A_1249 = tpu.vector_load %arg11[%get3A_1246, %get3A_1247, %get3A_1248] {strides = array<i32>} : memref<2x400x64xbf16, #tpu.memory_space<vmem>>, vector<32xbf16>,
        %add3A_1250 = arith.addf %get3A_1244, %get3A_1249 : vector<32xbf16>
        %max3A_1251 = arith.constant 0.000000e+00 : bf16
        %max3A_1252 = vector.broadcast %max3A_1251 : bf16 to vector<32xbf16>
        %max3A_1253 = arith.maximumf %add3A_1250, %max3A_1252 : vector<32xbf16>
        %mul3A_1254 = arith.mulf %max3A_1253, %pack3A : vector<32xbf16>
        %mul3A_1255 = arith.constant 16 : i32
        %mul3A_1256 = arith.muli %scan3A_1002, %mul3A_1255 : i32
        %add3A_1257 = arith.constant 4 : i32
        %add3A_1258 = arith.addi %mul3A_1256, %add3A_1257 : i32
        %add3A_1259 = arith.constant 3 : i32
        %add3A_1260 = arith.addi %add3A_1258, %add3A_1259 : i32
        %get3A_1261 = arith.constant 1 : i32
        %get3A_1262 = arith.index_cast %get3A_1261 : i32 to index
        %get3A_1263 = arith.index_cast %add3A_1260 : i32 to index
        %get3A_1264 = arith.constant 0 : index
        %get3A_1265 = tpu.vector_load %arg10[%get3A_1262, %get3A_1263, %get3A_1264] {strides = array<i32>} : memref<2x400x64xbf16, #tpu.memory_space<vmem>>, vector<32xbf16>,
        %get3A_1266 = arith.constant 1 : i32
        %get3A_1267 = arith.index_cast %get3A_1266 : i32 to index
        %get3A_1268 = arith.index_cast %add3A_1260 : i32 to index
        %get3A_1269 = arith.constant 0 : index
        %get3A_1270 = tpu.vector_load %arg11[%get3A_1267, %get3A_1268, %get3A_1269] {strides = array<i32>} : memref<2x400x64xbf16, #tpu.memory_space<vmem>>, vector<32xbf16>,
        %add3A_1271 = arith.addf %get3A_1265, %get3A_1270 : vector<32xbf16>
        %max3A_1272 = arith.constant 0.000000e+00 : bf16
        %max3A_1273 = vector.broadcast %max3A_1272 : bf16 to vector<32xbf16>
        %max3A_1274 = arith.maximumf %add3A_1271, %max3A_1273 : vector<32xbf16>
        %mul3A_1275 = arith.mulf %max3A_1274, %pack3A : vector<32xbf16>
        %mul3A_1276 = arith.constant 16 : i32
        %mul3A_1277 = arith.muli %scan3A_1002, %mul3A_1276 : i32
        %add3A_1278 = arith.constant 4 : i32
        %add3A_1279 = arith.addi %mul3A_1277, %add3A_1278 : i32
        %add3A_1280 = arith.constant 0 : i32
        %add3A_1281 = arith.addi %add3A_1279, %add3A_1280 : i32
        %get3A_1282 = arith.constant 1 : i32
        %get3A_1283 = arith.index_cast %get3A_1282 : i32 to index
        %get3A_1284 = arith.index_cast %add3A_1281 : i32 to index
        %get3A_1285 = arith.constant 32 : index
        %get3A_1286 = tpu.vector_load %arg10[%get3A_1283, %get3A_1284, %get3A_1285] {strides = array<i32>} : memref<2x400x64xbf16, #tpu.memory_space<vmem>>, vector<32xbf16>,
        %get3A_1287 = arith.constant 1 : i32
        %get3A_1288 = arith.index_cast %get3A_1287 : i32 to index
        %get3A_1289 = arith.index_cast %add3A_1281 : i32 to index
        %get3A_1290 = arith.constant 32 : index
        %get3A_1291 = tpu.vector_load %arg11[%get3A_1288, %get3A_1289, %get3A_1290] {strides = array<i32>} : memref<2x400x64xbf16, #tpu.memory_space<vmem>>, vector<32xbf16>,
        %add3A_1292 = arith.addf %get3A_1286, %get3A_1291 : vector<32xbf16>
        %max3A_1293 = arith.constant 0.000000e+00 : bf16
        %max3A_1294 = vector.broadcast %max3A_1293 : bf16 to vector<32xbf16>
        %max3A_1295 = arith.maximumf %add3A_1292, %max3A_1294 : vector<32xbf16>
        %mul3A_1296 = arith.mulf %max3A_1295, %pack3A_20 : vector<32xbf16>
        %add3A_1297 = arith.addf %mul3A_1212, %mul3A_1296 : vector<32xbf16>
        %mul3A_1298 = arith.constant 16 : i32
        %mul3A_1299 = arith.muli %scan3A_1002, %mul3A_1298 : i32
        %add3A_1300 = arith.constant 4 : i32
        %add3A_1301 = arith.addi %mul3A_1299, %add3A_1300 : i32
        %add3A_1302 = arith.constant 1 : i32
        %add3A_1303 = arith.addi %add3A_1301, %add3A_1302 : i32
        %get3A_1304 = arith.constant 1 : i32
        %get3A_1305 = arith.index_cast %get3A_1304 : i32 to index
        %get3A_1306 = arith.index_cast %add3A_1303 : i32 to index
        %get3A_1307 = arith.constant 32 : index
        %get3A_1308 = tpu.vector_load %arg10[%get3A_1305, %get3A_1306, %get3A_1307] {strides = array<i32>} : memref<2x400x64xbf16, #tpu.memory_space<vmem>>, vector<32xbf16>,
        %get3A_1309 = arith.constant 1 : i32
        %get3A_1310 = arith.index_cast %get3A_1309 : i32 to index
        %get3A_1311 = arith.index_cast %add3A_1303 : i32 to index
        %get3A_1312 = arith.constant 32 : index
        %get3A_1313 = tpu.vector_load %arg11[%get3A_1310, %get3A_1311, %get3A_1312] {strides = array<i32>} : memref<2x400x64xbf16, #tpu.memory_space<vmem>>, vector<32xbf16>,
        %add3A_1314 = arith.addf %get3A_1308, %get3A_1313 : vector<32xbf16>
        %max3A_1315 = arith.constant 0.000000e+00 : bf16
        %max3A_1316 = vector.broadcast %max3A_1315 : bf16 to vector<32xbf16>
        %max3A_1317 = arith.maximumf %add3A_1314, %max3A_1316 : vector<32xbf16>
        %mul3A_1318 = arith.mulf %max3A_1317, %pack3A_20 : vector<32xbf16>
        %add3A_1319 = arith.addf %mul3A_1233, %mul3A_1318 : vector<32xbf16>
        %mul3A_1320 = arith.constant 16 : i32
        %mul3A_1321 = arith.muli %scan3A_1002, %mul3A_1320 : i32
        %add3A_1322 = arith.constant 4 : i32
        %add3A_1323 = arith.addi %mul3A_1321, %add3A_1322 : i32
        %add3A_1324 = arith.constant 2 : i32
        %add3A_1325 = arith.addi %add3A_1323, %add3A_1324 : i32
        %get3A_1326 = arith.constant 1 : i32
        %get3A_1327 = arith.index_cast %get3A_1326 : i32 to index
        %get3A_1328 = arith.index_cast %add3A_1325 : i32 to index
        %get3A_1329 = arith.constant 32 : index
        %get3A_1330 = tpu.vector_load %arg10[%get3A_1327, %get3A_1328, %get3A_1329] {strides = array<i32>} : memref<2x400x64xbf16, #tpu.memory_space<vmem>>, vector<32xbf16>,
        %get3A_1331 = arith.constant 1 : i32
        %get3A_1332 = arith.index_cast %get3A_1331 : i32 to index
        %get3A_1333 = arith.index_cast %add3A_1325 : i32 to index
        %get3A_1334 = arith.constant 32 : index
        %get3A_1335 = tpu.vector_load %arg11[%get3A_1332, %get3A_1333, %get3A_1334] {strides = array<i32>} : memref<2x400x64xbf16, #tpu.memory_space<vmem>>, vector<32xbf16>,
        %add3A_1336 = arith.addf %get3A_1330, %get3A_1335 : vector<32xbf16>
        %max3A_1337 = arith.constant 0.000000e+00 : bf16
        %max3A_1338 = vector.broadcast %max3A_1337 : bf16 to vector<32xbf16>
        %max3A_1339 = arith.maximumf %add3A_1336, %max3A_1338 : vector<32xbf16>
        %mul3A_1340 = arith.mulf %max3A_1339, %pack3A_20 : vector<32xbf16>
        %add3A_1341 = arith.addf %mul3A_1254, %mul3A_1340 : vector<32xbf16>
        %mul3A_1342 = arith.constant 16 : i32
        %mul3A_1343 = arith.muli %scan3A_1002, %mul3A_1342 : i32
        %add3A_1344 = arith.constant 4 : i32
        %add3A_1345 = arith.addi %mul3A_1343, %add3A_1344 : i32
        %add3A_1346 = arith.constant 3 : i32
        %add3A_1347 = arith.addi %add3A_1345, %add3A_1346 : i32
        %get3A_1348 = arith.constant 1 : i32
        %get3A_1349 = arith.index_cast %get3A_1348 : i32 to index
        %get3A_1350 = arith.index_cast %add3A_1347 : i32 to index
        %get3A_1351 = arith.constant 32 : index
        %get3A_1352 = tpu.vector_load %arg10[%get3A_1349, %get3A_1350, %get3A_1351] {strides = array<i32>} : memref<2x400x64xbf16, #tpu.memory_space<vmem>>, vector<32xbf16>,
        %get3A_1353 = arith.constant 1 : i32
        %get3A_1354 = arith.index_cast %get3A_1353 : i32 to index
        %get3A_1355 = arith.index_cast %add3A_1347 : i32 to index
        %get3A_1356 = arith.constant 32 : index
        %get3A_1357 = tpu.vector_load %arg11[%get3A_1354, %get3A_1355, %get3A_1356] {strides = array<i32>} : memref<2x400x64xbf16, #tpu.memory_space<vmem>>, vector<32xbf16>,
        %add3A_1358 = arith.addf %get3A_1352, %get3A_1357 : vector<32xbf16>
        %max3A_1359 = arith.constant 0.000000e+00 : bf16
        %max3A_1360 = vector.broadcast %max3A_1359 : bf16 to vector<32xbf16>
        %max3A_1361 = arith.maximumf %add3A_1358, %max3A_1360 : vector<32xbf16>
        %mul3A_1362 = arith.mulf %max3A_1361, %pack3A_20 : vector<32xbf16>
        %add3A_1363 = arith.addf %mul3A_1275, %mul3A_1362 : vector<32xbf16>
        %unpack3A_1364 = tpu.unpack_subelements %add3A_1297, 0 {pack_format = #tpu.pack_format<interleaved>} : vector<32xbf16> -> vector<16xf32>
        %unpack3A_1365 = tpu.unpack_subelements %add3A_1297, 1 {pack_format = #tpu.pack_format<interleaved>} : vector<32xbf16> -> vector<16xf32>
        %add3A_1366 = arith.addf %unpack3A_1364, %unpack3A_1365 : vector<16xf32>
        %swap3A_1367 = arith.constant 64 : index
        %swap3A_1368 = tpu.vector_load %arg14[%swap3A_1367] {strides = array<i32>} : memref<256xf32, #tpu.memory_space<vmem>>, vector<16xf32>,
        tpu.vector_store %arg14[%swap3A_1367], %add3A_1366 {strides = array<i32>} : memref<256xf32, #tpu.memory_space<vmem>>, vector<16xf32>,
        %unpack3A_1369 = tpu.unpack_subelements %add3A_1319, 0 {pack_format = #tpu.pack_format<interleaved>} : vector<32xbf16> -> vector<16xf32>
        %unpack3A_1370 = tpu.unpack_subelements %add3A_1319, 1 {pack_format = #tpu.pack_format<interleaved>} : vector<32xbf16> -> vector<16xf32>
        %add3A_1371 = arith.addf %unpack3A_1369, %unpack3A_1370 : vector<16xf32>
        %swap3A_1372 = arith.constant 80 : index
        %swap3A_1373 = tpu.vector_load %arg14[%swap3A_1372] {strides = array<i32>} : memref<256xf32, #tpu.memory_space<vmem>>, vector<16xf32>,
        tpu.vector_store %arg14[%swap3A_1372], %add3A_1371 {strides = array<i32>} : memref<256xf32, #tpu.memory_space<vmem>>, vector<16xf32>,
        %unpack3A_1374 = tpu.unpack_subelements %add3A_1341, 0 {pack_format = #tpu.pack_format<interleaved>} : vector<32xbf16> -> vector<16xf32>
        %unpack3A_1375 = tpu.unpack_subelements %add3A_1341, 1 {pack_format = #tpu.pack_format<interleaved>} : vector<32xbf16> -> vector<16xf32>
        %add3A_1376 = arith.addf %unpack3A_1374, %unpack3A_1375 : vector<16xf32>
        %swap3A_1377 = arith.constant 96 : index
        %swap3A_1378 = tpu.vector_load %arg14[%swap3A_1377] {strides = array<i32>} : memref<256xf32, #tpu.memory_space<vmem>>, vector<16xf32>,
        tpu.vector_store %arg14[%swap3A_1377], %add3A_1376 {strides = array<i32>} : memref<256xf32, #tpu.memory_space<vmem>>, vector<16xf32>,
        %unpack3A_1379 = tpu.unpack_subelements %add3A_1363, 0 {pack_format = #tpu.pack_format<interleaved>} : vector<32xbf16> -> vector<16xf32>
        %unpack3A_1380 = tpu.unpack_subelements %add3A_1363, 1 {pack_format = #tpu.pack_format<interleaved>} : vector<32xbf16> -> vector<16xf32>
        %add3A_1381 = arith.addf %unpack3A_1379, %unpack3A_1380 : vector<16xf32>
        %swap3A_1382 = arith.constant 112 : index
        %swap3A_1383 = tpu.vector_load %arg14[%swap3A_1382] {strides = array<i32>} : memref<256xf32, #tpu.memory_space<vmem>>, vector<16xf32>,
        tpu.vector_store %arg14[%swap3A_1382], %add3A_1381 {strides = array<i32>} : memref<256xf32, #tpu.memory_space<vmem>>, vector<16xf32>,
        %mul3A_1384 = arith.constant 16 : i32
        %mul3A_1385 = arith.muli %scan3A_1002, %mul3A_1384 : i32
        %add3A_1386 = arith.constant 8 : i32
        %add3A_1387 = arith.addi %mul3A_1385, %add3A_1386 : i32
        %add3A_1388 = arith.constant 0 : i32
        %add3A_1389 = arith.addi %add3A_1387, %add3A_1388 : i32
        %get3A_1390 = arith.constant 1 : i32
        %get3A_1391 = arith.index_cast %get3A_1390 : i32 to index
        %get3A_1392 = arith.index_cast %add3A_1389 : i32 to index
        %get3A_1393 = arith.constant 0 : index
        %get3A_1394 = tpu.vector_load %arg10[%get3A_1391, %get3A_1392, %get3A_1393] {strides = array<i32>} : memref<2x400x64xbf16, #tpu.memory_space<vmem>>, vector<32xbf16>,
        %get3A_1395 = arith.constant 1 : i32
        %get3A_1396 = arith.index_cast %get3A_1395 : i32 to index
        %get3A_1397 = arith.index_cast %add3A_1389 : i32 to index
        %get3A_1398 = arith.constant 0 : index
        %get3A_1399 = tpu.vector_load %arg11[%get3A_1396, %get3A_1397, %get3A_1398] {strides = array<i32>} : memref<2x400x64xbf16, #tpu.memory_space<vmem>>, vector<32xbf16>,
        %add3A_1400 = arith.addf %get3A_1394, %get3A_1399 : vector<32xbf16>
        %max3A_1401 = arith.constant 0.000000e+00 : bf16
        %max3A_1402 = vector.broadcast %max3A_1401 : bf16 to vector<32xbf16>
        %max3A_1403 = arith.maximumf %add3A_1400, %max3A_1402 : vector<32xbf16>
        %mul3A_1404 = arith.mulf %max3A_1403, %pack3A : vector<32xbf16>
        %mul3A_1405 = arith.constant 16 : i32
        %mul3A_1406 = arith.muli %scan3A_1002, %mul3A_1405 : i32
        %add3A_1407 = arith.constant 8 : i32
        %add3A_1408 = arith.addi %mul3A_1406, %add3A_1407 : i32
        %add3A_1409 = arith.constant 1 : i32
        %add3A_1410 = arith.addi %add3A_1408, %add3A_1409 : i32
        %get3A_1411 = arith.constant 1 : i32
        %get3A_1412 = arith.index_cast %get3A_1411 : i32 to index
        %get3A_1413 = arith.index_cast %add3A_1410 : i32 to index
        %get3A_1414 = arith.constant 0 : index
        %get3A_1415 = tpu.vector_load %arg10[%get3A_1412, %get3A_1413, %get3A_1414] {strides = array<i32>} : memref<2x400x64xbf16, #tpu.memory_space<vmem>>, vector<32xbf16>,
        %get3A_1416 = arith.constant 1 : i32
        %get3A_1417 = arith.index_cast %get3A_1416 : i32 to index
        %get3A_1418 = arith.index_cast %add3A_1410 : i32 to index
        %get3A_1419 = arith.constant 0 : index
        %get3A_1420 = tpu.vector_load %arg11[%get3A_1417, %get3A_1418, %get3A_1419] {strides = array<i32>} : memref<2x400x64xbf16, #tpu.memory_space<vmem>>, vector<32xbf16>,
        %add3A_1421 = arith.addf %get3A_1415, %get3A_1420 : vector<32xbf16>
        %max3A_1422 = arith.constant 0.000000e+00 : bf16
        %max3A_1423 = vector.broadcast %max3A_1422 : bf16 to vector<32xbf16>
        %max3A_1424 = arith.maximumf %add3A_1421, %max3A_1423 : vector<32xbf16>
        %mul3A_1425 = arith.mulf %max3A_1424, %pack3A : vector<32xbf16>
        %mul3A_1426 = arith.constant 16 : i32
        %mul3A_1427 = arith.muli %scan3A_1002, %mul3A_1426 : i32
        %add3A_1428 = arith.constant 8 : i32
        %add3A_1429 = arith.addi %mul3A_1427, %add3A_1428 : i32
        %add3A_1430 = arith.constant 2 : i32
        %add3A_1431 = arith.addi %add3A_1429, %add3A_1430 : i32
        %get3A_1432 = arith.constant 1 : i32
        %get3A_1433 = arith.index_cast %get3A_1432 : i32 to index
        %get3A_1434 = arith.index_cast %add3A_1431 : i32 to index
        %get3A_1435 = arith.constant 0 : index
        %get3A_1436 = tpu.vector_load %arg10[%get3A_1433, %get3A_1434, %get3A_1435] {strides = array<i32>} : memref<2x400x64xbf16, #tpu.memory_space<vmem>>, vector<32xbf16>,
        %get3A_1437 = arith.constant 1 : i32
        %get3A_1438 = arith.index_cast %get3A_1437 : i32 to index
        %get3A_1439 = arith.index_cast %add3A_1431 : i32 to index
        %get3A_1440 = arith.constant 0 : index
        %get3A_1441 = tpu.vector_load %arg11[%get3A_1438, %get3A_1439, %get3A_1440] {strides = array<i32>} : memref<2x400x64xbf16, #tpu.memory_space<vmem>>, vector<32xbf16>,
        %add3A_1442 = arith.addf %get3A_1436, %get3A_1441 : vector<32xbf16>
        %max3A_1443 = arith.constant 0.000000e+00 : bf16
        %max3A_1444 = vector.broadcast %max3A_1443 : bf16 to vector<32xbf16>
        %max3A_1445 = arith.maximumf %add3A_1442, %max3A_1444 : vector<32xbf16>
        %mul3A_1446 = arith.mulf %max3A_1445, %pack3A : vector<32xbf16>
        %mul3A_1447 = arith.constant 16 : i32
        %mul3A_1448 = arith.muli %scan3A_1002, %mul3A_1447 : i32
        %add3A_1449 = arith.constant 8 : i32
        %add3A_1450 = arith.addi %mul3A_1448, %add3A_1449 : i32
        %add3A_1451 = arith.constant 3 : i32
        %add3A_1452 = arith.addi %add3A_1450, %add3A_1451 : i32
        %get3A_1453 = arith.constant 1 : i32
        %get3A_1454 = arith.index_cast %get3A_1453 : i32 to index
        %get3A_1455 = arith.index_cast %add3A_1452 : i32 to index
        %get3A_1456 = arith.constant 0 : index
        %get3A_1457 = tpu.vector_load %arg10[%get3A_1454, %get3A_1455, %get3A_1456] {strides = array<i32>} : memref<2x400x64xbf16, #tpu.memory_space<vmem>>, vector<32xbf16>,
        %get3A_1458 = arith.constant 1 : i32
        %get3A_1459 = arith.index_cast %get3A_1458 : i32 to index
        %get3A_1460 = arith.index_cast %add3A_1452 : i32 to index
        %get3A_1461 = arith.constant 0 : index
        %get3A_1462 = tpu.vector_load %arg11[%get3A_1459, %get3A_1460, %get3A_1461] {strides = array<i32>} : memref<2x400x64xbf16, #tpu.memory_space<vmem>>, vector<32xbf16>,
        %add3A_1463 = arith.addf %get3A_1457, %get3A_1462 : vector<32xbf16>
        %max3A_1464 = arith.constant 0.000000e+00 : bf16
        %max3A_1465 = vector.broadcast %max3A_1464 : bf16 to vector<32xbf16>
        %max3A_1466 = arith.maximumf %add3A_1463, %max3A_1465 : vector<32xbf16>
        %mul3A_1467 = arith.mulf %max3A_1466, %pack3A : vector<32xbf16>
        %mul3A_1468 = arith.constant 16 : i32
        %mul3A_1469 = arith.muli %scan3A_1002, %mul3A_1468 : i32
        %add3A_1470 = arith.constant 8 : i32
        %add3A_1471 = arith.addi %mul3A_1469, %add3A_1470 : i32
        %add3A_1472 = arith.constant 0 : i32
        %add3A_1473 = arith.addi %add3A_1471, %add3A_1472 : i32
        %get3A_1474 = arith.constant 1 : i32
        %get3A_1475 = arith.index_cast %get3A_1474 : i32 to index
        %get3A_1476 = arith.index_cast %add3A_1473 : i32 to index
        %get3A_1477 = arith.constant 32 : index
        %get3A_1478 = tpu.vector_load %arg10[%get3A_1475, %get3A_1476, %get3A_1477] {strides = array<i32>} : memref<2x400x64xbf16, #tpu.memory_space<vmem>>, vector<32xbf16>,
        %get3A_1479 = arith.constant 1 : i32
        %get3A_1480 = arith.index_cast %get3A_1479 : i32 to index
        %get3A_1481 = arith.index_cast %add3A_1473 : i32 to index
        %get3A_1482 = arith.constant 32 : index
        %get3A_1483 = tpu.vector_load %arg11[%get3A_1480, %get3A_1481, %get3A_1482] {strides = array<i32>} : memref<2x400x64xbf16, #tpu.memory_space<vmem>>, vector<32xbf16>,
        %add3A_1484 = arith.addf %get3A_1478, %get3A_1483 : vector<32xbf16>
        %max3A_1485 = arith.constant 0.000000e+00 : bf16
        %max3A_1486 = vector.broadcast %max3A_1485 : bf16 to vector<32xbf16>
        %max3A_1487 = arith.maximumf %add3A_1484, %max3A_1486 : vector<32xbf16>
        %mul3A_1488 = arith.mulf %max3A_1487, %pack3A_20 : vector<32xbf16>
        %add3A_1489 = arith.addf %mul3A_1404, %mul3A_1488 : vector<32xbf16>
        %mul3A_1490 = arith.constant 16 : i32
        %mul3A_1491 = arith.muli %scan3A_1002, %mul3A_1490 : i32
        %add3A_1492 = arith.constant 8 : i32
        %add3A_1493 = arith.addi %mul3A_1491, %add3A_1492 : i32
        %add3A_1494 = arith.constant 1 : i32
        %add3A_1495 = arith.addi %add3A_1493, %add3A_1494 : i32
        %get3A_1496 = arith.constant 1 : i32
        %get3A_1497 = arith.index_cast %get3A_1496 : i32 to index
        %get3A_1498 = arith.index_cast %add3A_1495 : i32 to index
        %get3A_1499 = arith.constant 32 : index
        %get3A_1500 = tpu.vector_load %arg10[%get3A_1497, %get3A_1498, %get3A_1499] {strides = array<i32>} : memref<2x400x64xbf16, #tpu.memory_space<vmem>>, vector<32xbf16>,
        %get3A_1501 = arith.constant 1 : i32
        %get3A_1502 = arith.index_cast %get3A_1501 : i32 to index
        %get3A_1503 = arith.index_cast %add3A_1495 : i32 to index
        %get3A_1504 = arith.constant 32 : index
        %get3A_1505 = tpu.vector_load %arg11[%get3A_1502, %get3A_1503, %get3A_1504] {strides = array<i32>} : memref<2x400x64xbf16, #tpu.memory_space<vmem>>, vector<32xbf16>,
        %add3A_1506 = arith.addf %get3A_1500, %get3A_1505 : vector<32xbf16>
        %max3A_1507 = arith.constant 0.000000e+00 : bf16
        %max3A_1508 = vector.broadcast %max3A_1507 : bf16 to vector<32xbf16>
        %max3A_1509 = arith.maximumf %add3A_1506, %max3A_1508 : vector<32xbf16>
        %mul3A_1510 = arith.mulf %max3A_1509, %pack3A_20 : vector<32xbf16>
        %add3A_1511 = arith.addf %mul3A_1425, %mul3A_1510 : vector<32xbf16>
        %mul3A_1512 = arith.constant 16 : i32
        %mul3A_1513 = arith.muli %scan3A_1002, %mul3A_1512 : i32
        %add3A_1514 = arith.constant 8 : i32
        %add3A_1515 = arith.addi %mul3A_1513, %add3A_1514 : i32
        %add3A_1516 = arith.constant 2 : i32
        %add3A_1517 = arith.addi %add3A_1515, %add3A_1516 : i32
        %get3A_1518 = arith.constant 1 : i32
        %get3A_1519 = arith.index_cast %get3A_1518 : i32 to index
        %get3A_1520 = arith.index_cast %add3A_1517 : i32 to index
        %get3A_1521 = arith.constant 32 : index
        %get3A_1522 = tpu.vector_load %arg10[%get3A_1519, %get3A_1520, %get3A_1521] {strides = array<i32>} : memref<2x400x64xbf16, #tpu.memory_space<vmem>>, vector<32xbf16>,
        %get3A_1523 = arith.constant 1 : i32
        %get3A_1524 = arith.index_cast %get3A_1523 : i32 to index
        %get3A_1525 = arith.index_cast %add3A_1517 : i32 to index
        %get3A_1526 = arith.constant 32 : index
        %get3A_1527 = tpu.vector_load %arg11[%get3A_1524, %get3A_1525, %get3A_1526] {strides = array<i32>} : memref<2x400x64xbf16, #tpu.memory_space<vmem>>, vector<32xbf16>,
        %add3A_1528 = arith.addf %get3A_1522, %get3A_1527 : vector<32xbf16>
        %max3A_1529 = arith.constant 0.000000e+00 : bf16
        %max3A_1530 = vector.broadcast %max3A_1529 : bf16 to vector<32xbf16>
        %max3A_1531 = arith.maximumf %add3A_1528, %max3A_1530 : vector<32xbf16>
        %mul3A_1532 = arith.mulf %max3A_1531, %pack3A_20 : vector<32xbf16>
        %add3A_1533 = arith.addf %mul3A_1446, %mul3A_1532 : vector<32xbf16>
        %mul3A_1534 = arith.constant 16 : i32
        %mul3A_1535 = arith.muli %scan3A_1002, %mul3A_1534 : i32
        %add3A_1536 = arith.constant 8 : i32
        %add3A_1537 = arith.addi %mul3A_1535, %add3A_1536 : i32
        %add3A_1538 = arith.constant 3 : i32
        %add3A_1539 = arith.addi %add3A_1537, %add3A_1538 : i32
        %get3A_1540 = arith.constant 1 : i32
        %get3A_1541 = arith.index_cast %get3A_1540 : i32 to index
        %get3A_1542 = arith.index_cast %add3A_1539 : i32 to index
        %get3A_1543 = arith.constant 32 : index
        %get3A_1544 = tpu.vector_load %arg10[%get3A_1541, %get3A_1542, %get3A_1543] {strides = array<i32>} : memref<2x400x64xbf16, #tpu.memory_space<vmem>>, vector<32xbf16>,
        %get3A_1545 = arith.constant 1 : i32
        %get3A_1546 = arith.index_cast %get3A_1545 : i32 to index
        %get3A_1547 = arith.index_cast %add3A_1539 : i32 to index
        %get3A_1548 = arith.constant 32 : index
        %get3A_1549 = tpu.vector_load %arg11[%get3A_1546, %get3A_1547, %get3A_1548] {strides = array<i32>} : memref<2x400x64xbf16, #tpu.memory_space<vmem>>, vector<32xbf16>,
        %add3A_1550 = arith.addf %get3A_1544, %get3A_1549 : vector<32xbf16>
        %max3A_1551 = arith.constant 0.000000e+00 : bf16
        %max3A_1552 = vector.broadcast %max3A_1551 : bf16 to vector<32xbf16>
        %max3A_1553 = arith.maximumf %add3A_1550, %max3A_1552 : vector<32xbf16>
        %mul3A_1554 = arith.mulf %max3A_1553, %pack3A_20 : vector<32xbf16>
        %add3A_1555 = arith.addf %mul3A_1467, %mul3A_1554 : vector<32xbf16>
        %unpack3A_1556 = tpu.unpack_subelements %add3A_1489, 0 {pack_format = #tpu.pack_format<interleaved>} : vector<32xbf16> -> vector<16xf32>
        %unpack3A_1557 = tpu.unpack_subelements %add3A_1489, 1 {pack_format = #tpu.pack_format<interleaved>} : vector<32xbf16> -> vector<16xf32>
        %add3A_1558 = arith.addf %unpack3A_1556, %unpack3A_1557 : vector<16xf32>
        %swap3A_1559 = arith.constant 128 : index
        %swap3A_1560 = tpu.vector_load %arg14[%swap3A_1559] {strides = array<i32>} : memref<256xf32, #tpu.memory_space<vmem>>, vector<16xf32>,
        tpu.vector_store %arg14[%swap3A_1559], %add3A_1558 {strides = array<i32>} : memref<256xf32, #tpu.memory_space<vmem>>, vector<16xf32>,
        %unpack3A_1561 = tpu.unpack_subelements %add3A_1511, 0 {pack_format = #tpu.pack_format<interleaved>} : vector<32xbf16> -> vector<16xf32>
        %unpack3A_1562 = tpu.unpack_subelements %add3A_1511, 1 {pack_format = #tpu.pack_format<interleaved>} : vector<32xbf16> -> vector<16xf32>
        %add3A_1563 = arith.addf %unpack3A_1561, %unpack3A_1562 : vector<16xf32>
        %swap3A_1564 = arith.constant 144 : index
        %swap3A_1565 = tpu.vector_load %arg14[%swap3A_1564] {strides = array<i32>} : memref<256xf32, #tpu.memory_space<vmem>>, vector<16xf32>,
        tpu.vector_store %arg14[%swap3A_1564], %add3A_1563 {strides = array<i32>} : memref<256xf32, #tpu.memory_space<vmem>>, vector<16xf32>,
        %unpack3A_1566 = tpu.unpack_subelements %add3A_1533, 0 {pack_format = #tpu.pack_format<interleaved>} : vector<32xbf16> -> vector<16xf32>
        %unpack3A_1567 = tpu.unpack_subelements %add3A_1533, 1 {pack_format = #tpu.pack_format<interleaved>} : vector<32xbf16> -> vector<16xf32>
        %add3A_1568 = arith.addf %unpack3A_1566, %unpack3A_1567 : vector<16xf32>
        %swap3A_1569 = arith.constant 160 : index
        %swap3A_1570 = tpu.vector_load %arg14[%swap3A_1569] {strides = array<i32>} : memref<256xf32, #tpu.memory_space<vmem>>, vector<16xf32>,
        tpu.vector_store %arg14[%swap3A_1569], %add3A_1568 {strides = array<i32>} : memref<256xf32, #tpu.memory_space<vmem>>, vector<16xf32>,
        %unpack3A_1571 = tpu.unpack_subelements %add3A_1555, 0 {pack_format = #tpu.pack_format<interleaved>} : vector<32xbf16> -> vector<16xf32>
        %unpack3A_1572 = tpu.unpack_subelements %add3A_1555, 1 {pack_format = #tpu.pack_format<interleaved>} : vector<32xbf16> -> vector<16xf32>
        %add3A_1573 = arith.addf %unpack3A_1571, %unpack3A_1572 : vector<16xf32>
        %swap3A_1574 = arith.constant 176 : index
        %swap3A_1575 = tpu.vector_load %arg14[%swap3A_1574] {strides = array<i32>} : memref<256xf32, #tpu.memory_space<vmem>>, vector<16xf32>,
        tpu.vector_store %arg14[%swap3A_1574], %add3A_1573 {strides = array<i32>} : memref<256xf32, #tpu.memory_space<vmem>>, vector<16xf32>,
        %mul3A_1576 = arith.constant 16 : i32
        %mul3A_1577 = arith.muli %scan3A_1002, %mul3A_1576 : i32
        %add3A_1578 = arith.constant 12 : i32
        %add3A_1579 = arith.addi %mul3A_1577, %add3A_1578 : i32
        %add3A_1580 = arith.constant 0 : i32
        %add3A_1581 = arith.addi %add3A_1579, %add3A_1580 : i32
        %get3A_1582 = arith.constant 1 : i32
        %get3A_1583 = arith.index_cast %get3A_1582 : i32 to index
        %get3A_1584 = arith.index_cast %add3A_1581 : i32 to index
        %get3A_1585 = arith.constant 0 : index
        %get3A_1586 = tpu.vector_load %arg10[%get3A_1583, %get3A_1584, %get3A_1585] {strides = array<i32>} : memref<2x400x64xbf16, #tpu.memory_space<vmem>>, vector<32xbf16>,
        %get3A_1587 = arith.constant 1 : i32
        %get3A_1588 = arith.index_cast %get3A_1587 : i32 to index
        %get3A_1589 = arith.index_cast %add3A_1581 : i32 to index
        %get3A_1590 = arith.constant 0 : index
        %get3A_1591 = tpu.vector_load %arg11[%get3A_1588, %get3A_1589, %get3A_1590] {strides = array<i32>} : memref<2x400x64xbf16, #tpu.memory_space<vmem>>, vector<32xbf16>,
        %add3A_1592 = arith.addf %get3A_1586, %get3A_1591 : vector<32xbf16>
        %max3A_1593 = arith.constant 0.000000e+00 : bf16
        %max3A_1594 = vector.broadcast %max3A_1593 : bf16 to vector<32xbf16>
        %max3A_1595 = arith.maximumf %add3A_1592, %max3A_1594 : vector<32xbf16>
        %mul3A_1596 = arith.mulf %max3A_1595, %pack3A : vector<32xbf16>
        %mul3A_1597 = arith.constant 16 : i32
        %mul3A_1598 = arith.muli %scan3A_1002, %mul3A_1597 : i32
        %add3A_1599 = arith.constant 12 : i32
        %add3A_1600 = arith.addi %mul3A_1598, %add3A_1599 : i32
        %add3A_1601 = arith.constant 1 : i32
        %add3A_1602 = arith.addi %add3A_1600, %add3A_1601 : i32
        %get3A_1603 = arith.constant 1 : i32
        %get3A_1604 = arith.index_cast %get3A_1603 : i32 to index
        %get3A_1605 = arith.index_cast %add3A_1602 : i32 to index
        %get3A_1606 = arith.constant 0 : index
        %get3A_1607 = tpu.vector_load %arg10[%get3A_1604, %get3A_1605, %get3A_1606] {strides = array<i32>} : memref<2x400x64xbf16, #tpu.memory_space<vmem>>, vector<32xbf16>,
        %get3A_1608 = arith.constant 1 : i32
        %get3A_1609 = arith.index_cast %get3A_1608 : i32 to index
        %get3A_1610 = arith.index_cast %add3A_1602 : i32 to index
        %get3A_1611 = arith.constant 0 : index
        %get3A_1612 = tpu.vector_load %arg11[%get3A_1609, %get3A_1610, %get3A_1611] {strides = array<i32>} : memref<2x400x64xbf16, #tpu.memory_space<vmem>>, vector<32xbf16>,
        %add3A_1613 = arith.addf %get3A_1607, %get3A_1612 : vector<32xbf16>
        %max3A_1614 = arith.constant 0.000000e+00 : bf16
        %max3A_1615 = vector.broadcast %max3A_1614 : bf16 to vector<32xbf16>
        %max3A_1616 = arith.maximumf %add3A_1613, %max3A_1615 : vector<32xbf16>
        %mul3A_1617 = arith.mulf %max3A_1616, %pack3A : vector<32xbf16>
        %mul3A_1618 = arith.constant 16 : i32
        %mul3A_1619 = arith.muli %scan3A_1002, %mul3A_1618 : i32
        %add3A_1620 = arith.constant 12 : i32
        %add3A_1621 = arith.addi %mul3A_1619, %add3A_1620 : i32
        %add3A_1622 = arith.constant 2 : i32
        %add3A_1623 = arith.addi %add3A_1621, %add3A_1622 : i32
        %get3A_1624 = arith.constant 1 : i32
        %get3A_1625 = arith.index_cast %get3A_1624 : i32 to index
        %get3A_1626 = arith.index_cast %add3A_1623 : i32 to index
        %get3A_1627 = arith.constant 0 : index
        %get3A_1628 = tpu.vector_load %arg10[%get3A_1625, %get3A_1626, %get3A_1627] {strides = array<i32>} : memref<2x400x64xbf16, #tpu.memory_space<vmem>>, vector<32xbf16>,
        %get3A_1629 = arith.constant 1 : i32
        %get3A_1630 = arith.index_cast %get3A_1629 : i32 to index
        %get3A_1631 = arith.index_cast %add3A_1623 : i32 to index
        %get3A_1632 = arith.constant 0 : index
        %get3A_1633 = tpu.vector_load %arg11[%get3A_1630, %get3A_1631, %get3A_1632] {strides = array<i32>} : memref<2x400x64xbf16, #tpu.memory_space<vmem>>, vector<32xbf16>,
        %add3A_1634 = arith.addf %get3A_1628, %get3A_1633 : vector<32xbf16>
        %max3A_1635 = arith.constant 0.000000e+00 : bf16
        %max3A_1636 = vector.broadcast %max3A_1635 : bf16 to vector<32xbf16>
        %max3A_1637 = arith.maximumf %add3A_1634, %max3A_1636 : vector<32xbf16>
        %mul3A_1638 = arith.mulf %max3A_1637, %pack3A : vector<32xbf16>
        %mul3A_1639 = arith.constant 16 : i32
        %mul3A_1640 = arith.muli %scan3A_1002, %mul3A_1639 : i32
        %add3A_1641 = arith.constant 12 : i32
        %add3A_1642 = arith.addi %mul3A_1640, %add3A_1641 : i32
        %add3A_1643 = arith.constant 3 : i32
        %add3A_1644 = arith.addi %add3A_1642, %add3A_1643 : i32
        %get3A_1645 = arith.constant 1 : i32
        %get3A_1646 = arith.index_cast %get3A_1645 : i32 to index
        %get3A_1647 = arith.index_cast %add3A_1644 : i32 to index
        %get3A_1648 = arith.constant 0 : index
        %get3A_1649 = tpu.vector_load %arg10[%get3A_1646, %get3A_1647, %get3A_1648] {strides = array<i32>} : memref<2x400x64xbf16, #tpu.memory_space<vmem>>, vector<32xbf16>,
        %get3A_1650 = arith.constant 1 : i32
        %get3A_1651 = arith.index_cast %get3A_1650 : i32 to index
        %get3A_1652 = arith.index_cast %add3A_1644 : i32 to index
        %get3A_1653 = arith.constant 0 : index
        %get3A_1654 = tpu.vector_load %arg11[%get3A_1651, %get3A_1652, %get3A_1653] {strides = array<i32>} : memref<2x400x64xbf16, #tpu.memory_space<vmem>>, vector<32xbf16>,
        %add3A_1655 = arith.addf %get3A_1649, %get3A_1654 : vector<32xbf16>
        %max3A_1656 = arith.constant 0.000000e+00 : bf16
        %max3A_1657 = vector.broadcast %max3A_1656 : bf16 to vector<32xbf16>
        %max3A_1658 = arith.maximumf %add3A_1655, %max3A_1657 : vector<32xbf16>
        %mul3A_1659 = arith.mulf %max3A_1658, %pack3A : vector<32xbf16>
        %mul3A_1660 = arith.constant 16 : i32
        %mul3A_1661 = arith.muli %scan3A_1002, %mul3A_1660 : i32
        %add3A_1662 = arith.constant 12 : i32
        %add3A_1663 = arith.addi %mul3A_1661, %add3A_1662 : i32
        %add3A_1664 = arith.constant 0 : i32
        %add3A_1665 = arith.addi %add3A_1663, %add3A_1664 : i32
        %get3A_1666 = arith.constant 1 : i32
        %get3A_1667 = arith.index_cast %get3A_1666 : i32 to index
        %get3A_1668 = arith.index_cast %add3A_1665 : i32 to index
        %get3A_1669 = arith.constant 32 : index
        %get3A_1670 = tpu.vector_load %arg10[%get3A_1667, %get3A_1668, %get3A_1669] {strides = array<i32>} : memref<2x400x64xbf16, #tpu.memory_space<vmem>>, vector<32xbf16>,
        %get3A_1671 = arith.constant 1 : i32
        %get3A_1672 = arith.index_cast %get3A_1671 : i32 to index
        %get3A_1673 = arith.index_cast %add3A_1665 : i32 to index
        %get3A_1674 = arith.constant 32 : index
        %get3A_1675 = tpu.vector_load %arg11[%get3A_1672, %get3A_1673, %get3A_1674] {strides = array<i32>} : memref<2x400x64xbf16, #tpu.memory_space<vmem>>, vector<32xbf16>,
        %add3A_1676 = arith.addf %get3A_1670, %get3A_1675 : vector<32xbf16>
        %max3A_1677 = arith.constant 0.000000e+00 : bf16
        %max3A_1678 = vector.broadcast %max3A_1677 : bf16 to vector<32xbf16>
        %max3A_1679 = arith.maximumf %add3A_1676, %max3A_1678 : vector<32xbf16>
        %mul3A_1680 = arith.mulf %max3A_1679, %pack3A_20 : vector<32xbf16>
        %add3A_1681 = arith.addf %mul3A_1596, %mul3A_1680 : vector<32xbf16>
        %mul3A_1682 = arith.constant 16 : i32
        %mul3A_1683 = arith.muli %scan3A_1002, %mul3A_1682 : i32
        %add3A_1684 = arith.constant 12 : i32
        %add3A_1685 = arith.addi %mul3A_1683, %add3A_1684 : i32
        %add3A_1686 = arith.constant 1 : i32
        %add3A_1687 = arith.addi %add3A_1685, %add3A_1686 : i32
        %get3A_1688 = arith.constant 1 : i32
        %get3A_1689 = arith.index_cast %get3A_1688 : i32 to index
        %get3A_1690 = arith.index_cast %add3A_1687 : i32 to index
        %get3A_1691 = arith.constant 32 : index
        %get3A_1692 = tpu.vector_load %arg10[%get3A_1689, %get3A_1690, %get3A_1691] {strides = array<i32>} : memref<2x400x64xbf16, #tpu.memory_space<vmem>>, vector<32xbf16>,
        %get3A_1693 = arith.constant 1 : i32
        %get3A_1694 = arith.index_cast %get3A_1693 : i32 to index
        %get3A_1695 = arith.index_cast %add3A_1687 : i32 to index
        %get3A_1696 = arith.constant 32 : index
        %get3A_1697 = tpu.vector_load %arg11[%get3A_1694, %get3A_1695, %get3A_1696] {strides = array<i32>} : memref<2x400x64xbf16, #tpu.memory_space<vmem>>, vector<32xbf16>,
        %add3A_1698 = arith.addf %get3A_1692, %get3A_1697 : vector<32xbf16>
        %max3A_1699 = arith.constant 0.000000e+00 : bf16
        %max3A_1700 = vector.broadcast %max3A_1699 : bf16 to vector<32xbf16>
        %max3A_1701 = arith.maximumf %add3A_1698, %max3A_1700 : vector<32xbf16>
        %mul3A_1702 = arith.mulf %max3A_1701, %pack3A_20 : vector<32xbf16>
        %add3A_1703 = arith.addf %mul3A_1617, %mul3A_1702 : vector<32xbf16>
        %mul3A_1704 = arith.constant 16 : i32
        %mul3A_1705 = arith.muli %scan3A_1002, %mul3A_1704 : i32
        %add3A_1706 = arith.constant 12 : i32
        %add3A_1707 = arith.addi %mul3A_1705, %add3A_1706 : i32
        %add3A_1708 = arith.constant 2 : i32
        %add3A_1709 = arith.addi %add3A_1707, %add3A_1708 : i32
        %get3A_1710 = arith.constant 1 : i32
        %get3A_1711 = arith.index_cast %get3A_1710 : i32 to index
        %get3A_1712 = arith.index_cast %add3A_1709 : i32 to index
        %get3A_1713 = arith.constant 32 : index
        %get3A_1714 = tpu.vector_load %arg10[%get3A_1711, %get3A_1712, %get3A_1713] {strides = array<i32>} : memref<2x400x64xbf16, #tpu.memory_space<vmem>>, vector<32xbf16>,
        %get3A_1715 = arith.constant 1 : i32
        %get3A_1716 = arith.index_cast %get3A_1715 : i32 to index
        %get3A_1717 = arith.index_cast %add3A_1709 : i32 to index
        %get3A_1718 = arith.constant 32 : index
        %get3A_1719 = tpu.vector_load %arg11[%get3A_1716, %get3A_1717, %get3A_1718] {strides = array<i32>} : memref<2x400x64xbf16, #tpu.memory_space<vmem>>, vector<32xbf16>,
        %add3A_1720 = arith.addf %get3A_1714, %get3A_1719 : vector<32xbf16>
        %max3A_1721 = arith.constant 0.000000e+00 : bf16
        %max3A_1722 = vector.broadcast %max3A_1721 : bf16 to vector<32xbf16>
        %max3A_1723 = arith.maximumf %add3A_1720, %max3A_1722 : vector<32xbf16>
        %mul3A_1724 = arith.mulf %max3A_1723, %pack3A_20 : vector<32xbf16>
        %add3A_1725 = arith.addf %mul3A_1638, %mul3A_1724 : vector<32xbf16>
        %mul3A_1726 = arith.constant 16 : i32
        %mul3A_1727 = arith.muli %scan3A_1002, %mul3A_1726 : i32
        %add3A_1728 = arith.constant 12 : i32
        %add3A_1729 = arith.addi %mul3A_1727, %add3A_1728 : i32
        %add3A_1730 = arith.constant 3 : i32
        %add3A_1731 = arith.addi %add3A_1729, %add3A_1730 : i32
        %get3A_1732 = arith.constant 1 : i32
        %get3A_1733 = arith.index_cast %get3A_1732 : i32 to index
        %get3A_1734 = arith.index_cast %add3A_1731 : i32 to index
        %get3A_1735 = arith.constant 32 : index
        %get3A_1736 = tpu.vector_load %arg10[%get3A_1733, %get3A_1734, %get3A_1735] {strides = array<i32>} : memref<2x400x64xbf16, #tpu.memory_space<vmem>>, vector<32xbf16>,
        %get3A_1737 = arith.constant 1 : i32
        %get3A_1738 = arith.index_cast %get3A_1737 : i32 to index
        %get3A_1739 = arith.index_cast %add3A_1731 : i32 to index
        %get3A_1740 = arith.constant 32 : index
        %get3A_1741 = tpu.vector_load %arg11[%get3A_1738, %get3A_1739, %get3A_1740] {strides = array<i32>} : memref<2x400x64xbf16, #tpu.memory_space<vmem>>, vector<32xbf16>,
        %add3A_1742 = arith.addf %get3A_1736, %get3A_1741 : vector<32xbf16>
        %max3A_1743 = arith.constant 0.000000e+00 : bf16
        %max3A_1744 = vector.broadcast %max3A_1743 : bf16 to vector<32xbf16>
        %max3A_1745 = arith.maximumf %add3A_1742, %max3A_1744 : vector<32xbf16>
        %mul3A_1746 = arith.mulf %max3A_1745, %pack3A_20 : vector<32xbf16>
        %add3A_1747 = arith.addf %mul3A_1659, %mul3A_1746 : vector<32xbf16>
        %unpack3A_1748 = tpu.unpack_subelements %add3A_1681, 0 {pack_format = #tpu.pack_format<interleaved>} : vector<32xbf16> -> vector<16xf32>
        %unpack3A_1749 = tpu.unpack_subelements %add3A_1681, 1 {pack_format = #tpu.pack_format<interleaved>} : vector<32xbf16> -> vector<16xf32>
        %add3A_1750 = arith.addf %unpack3A_1748, %unpack3A_1749 : vector<16xf32>
        %swap3A_1751 = arith.constant 192 : index
        %swap3A_1752 = tpu.vector_load %arg14[%swap3A_1751] {strides = array<i32>} : memref<256xf32, #tpu.memory_space<vmem>>, vector<16xf32>,
        tpu.vector_store %arg14[%swap3A_1751], %add3A_1750 {strides = array<i32>} : memref<256xf32, #tpu.memory_space<vmem>>, vector<16xf32>,
        %unpack3A_1753 = tpu.unpack_subelements %add3A_1703, 0 {pack_format = #tpu.pack_format<interleaved>} : vector<32xbf16> -> vector<16xf32>
        %unpack3A_1754 = tpu.unpack_subelements %add3A_1703, 1 {pack_format = #tpu.pack_format<interleaved>} : vector<32xbf16> -> vector<16xf32>
        %add3A_1755 = arith.addf %unpack3A_1753, %unpack3A_1754 : vector<16xf32>
        %swap3A_1756 = arith.constant 208 : index
        %swap3A_1757 = tpu.vector_load %arg14[%swap3A_1756] {strides = array<i32>} : memref<256xf32, #tpu.memory_space<vmem>>, vector<16xf32>,
        tpu.vector_store %arg14[%swap3A_1756], %add3A_1755 {strides = array<i32>} : memref<256xf32, #tpu.memory_space<vmem>>, vector<16xf32>,
        %unpack3A_1758 = tpu.unpack_subelements %add3A_1725, 0 {pack_format = #tpu.pack_format<interleaved>} : vector<32xbf16> -> vector<16xf32>
        %unpack3A_1759 = tpu.unpack_subelements %add3A_1725, 1 {pack_format = #tpu.pack_format<interleaved>} : vector<32xbf16> -> vector<16xf32>
        %add3A_1760 = arith.addf %unpack3A_1758, %unpack3A_1759 : vector<16xf32>
        %swap3A_1761 = arith.constant 224 : index
        %swap3A_1762 = tpu.vector_load %arg14[%swap3A_1761] {strides = array<i32>} : memref<256xf32, #tpu.memory_space<vmem>>, vector<16xf32>,
        tpu.vector_store %arg14[%swap3A_1761], %add3A_1760 {strides = array<i32>} : memref<256xf32, #tpu.memory_space<vmem>>, vector<16xf32>,
        %unpack3A_1763 = tpu.unpack_subelements %add3A_1747, 0 {pack_format = #tpu.pack_format<interleaved>} : vector<32xbf16> -> vector<16xf32>
        %unpack3A_1764 = tpu.unpack_subelements %add3A_1747, 1 {pack_format = #tpu.pack_format<interleaved>} : vector<32xbf16> -> vector<16xf32>
        %add3A_1765 = arith.addf %unpack3A_1763, %unpack3A_1764 : vector<16xf32>
        %swap3A_1766 = arith.constant 240 : index
        %swap3A_1767 = tpu.vector_load %arg14[%swap3A_1766] {strides = array<i32>} : memref<256xf32, #tpu.memory_space<vmem>>, vector<16xf32>,
        tpu.vector_store %arg14[%swap3A_1766], %add3A_1765 {strides = array<i32>} : memref<256xf32, #tpu.memory_space<vmem>>, vector<16xf32>,
        %gather3A = tpu.vector_load_idx %arg14[%add3A_28] : memref<256xf32, #tpu.memory_space<vmem>>[vector<16xi32>], vector<16xf32>,
        %add3A_1768 = arith.addf %get3A_22, %gather3A : vector<16xf32>
        %gather3A_1769 = tpu.vector_load_idx %arg14[%add3A_35] : memref<256xf32, #tpu.memory_space<vmem>>[vector<16xi32>], vector<16xf32>,
        %add3A_1770 = arith.addf %add3A_1768, %gather3A_1769 : vector<16xf32>
        %gather3A_1771 = tpu.vector_load_idx %arg14[%add3A_42] : memref<256xf32, #tpu.memory_space<vmem>>[vector<16xi32>], vector<16xf32>,
        %add3A_1772 = arith.addf %add3A_1770, %gather3A_1771 : vector<16xf32>
        %gather3A_1773 = tpu.vector_load_idx %arg14[%add3A_49] : memref<256xf32, #tpu.memory_space<vmem>>[vector<16xi32>], vector<16xf32>,
        %add3A_1774 = arith.addf %add3A_1772, %gather3A_1773 : vector<16xf32>
        %gather3A_1775 = tpu.vector_load_idx %arg14[%add3A_56] : memref<256xf32, #tpu.memory_space<vmem>>[vector<16xi32>], vector<16xf32>,
        %add3A_1776 = arith.addf %add3A_1774, %gather3A_1775 : vector<16xf32>
        %gather3A_1777 = tpu.vector_load_idx %arg14[%add3A_63] : memref<256xf32, #tpu.memory_space<vmem>>[vector<16xi32>], vector<16xf32>,
        %add3A_1778 = arith.addf %add3A_1776, %gather3A_1777 : vector<16xf32>
        %gather3A_1779 = tpu.vector_load_idx %arg14[%add3A_70] : memref<256xf32, #tpu.memory_space<vmem>>[vector<16xi32>], vector<16xf32>,
        %add3A_1780 = arith.addf %add3A_1778, %gather3A_1779 : vector<16xf32>
        %gather3A_1781 = tpu.vector_load_idx %arg14[%add3A_77] : memref<256xf32, #tpu.memory_space<vmem>>[vector<16xi32>], vector<16xf32>,
        %add3A_1782 = arith.addf %add3A_1780, %gather3A_1781 : vector<16xf32>
        %gather3A_1783 = tpu.vector_load_idx %arg14[%add3A_84] : memref<256xf32, #tpu.memory_space<vmem>>[vector<16xi32>], vector<16xf32>,
        %add3A_1784 = arith.addf %add3A_1782, %gather3A_1783 : vector<16xf32>
        %gather3A_1785 = tpu.vector_load_idx %arg14[%add3A_91] : memref<256xf32, #tpu.memory_space<vmem>>[vector<16xi32>], vector<16xf32>,
        %add3A_1786 = arith.addf %add3A_1784, %gather3A_1785 : vector<16xf32>
        %gather3A_1787 = tpu.vector_load_idx %arg14[%add3A_98] : memref<256xf32, #tpu.memory_space<vmem>>[vector<16xi32>], vector<16xf32>,
        %add3A_1788 = arith.addf %add3A_1786, %gather3A_1787 : vector<16xf32>
        %gather3A_1789 = tpu.vector_load_idx %arg14[%add3A_105] : memref<256xf32, #tpu.memory_space<vmem>>[vector<16xi32>], vector<16xf32>,
        %add3A_1790 = arith.addf %add3A_1788, %gather3A_1789 : vector<16xf32>
        %gather3A_1791 = tpu.vector_load_idx %arg14[%add3A_112] : memref<256xf32, #tpu.memory_space<vmem>>[vector<16xi32>], vector<16xf32>,
        %add3A_1792 = arith.addf %add3A_1790, %gather3A_1791 : vector<16xf32>
        %gather3A_1793 = tpu.vector_load_idx %arg14[%add3A_119] : memref<256xf32, #tpu.memory_space<vmem>>[vector<16xi32>], vector<16xf32>,
        %add3A_1794 = arith.addf %add3A_1792, %gather3A_1793 : vector<16xf32>
        %gather3A_1795 = tpu.vector_load_idx %arg14[%add3A_126] : memref<256xf32, #tpu.memory_space<vmem>>[vector<16xi32>], vector<16xf32>,
        %add3A_1796 = arith.addf %add3A_1794, %gather3A_1795 : vector<16xf32>
        %gather3A_1797 = tpu.vector_load_idx %arg14[%add3A_133] : memref<256xf32, #tpu.memory_space<vmem>>[vector<16xi32>], vector<16xf32>,
        %add3A_1798 = arith.addf %add3A_1796, %gather3A_1797 : vector<16xf32>
        %mul3A_1799 = arith.constant 16 : i32
        %mul3A_1800 = arith.muli %scan3A_1002, %mul3A_1799 : i32
        %swap3A_1801 = arith.constant 1 : i32
        %swap3A_1802 = arith.index_cast %swap3A_1801 : i32 to index
        %swap3A_1803 = arith.index_cast %mul3A_1800 : i32 to index
        %swap3A_1804 = tpu.vector_load %arg12[%swap3A_1802, %swap3A_1803] {strides = array<i32>} : memref<2x400xf32, #tpu.memory_space<vmem>>, vector<16xf32>,
        tpu.vector_store %arg12[%swap3A_1802, %swap3A_1803], %add3A_1798 {strides = array<i32>} : memref<2x400xf32, #tpu.memory_space<vmem>>, vector<16xf32>,
      }
      %scan3A_984 = arith.constant 25 : i32
      %mul3A_985 = arith.constant 10000 : i32
      %mul3A_986 = arith.muli %add3A, %mul3A_985 : i32
      %mul3A_987 = arith.constant 400 : i32
      %mul3A_988 = arith.muli %min3A_973, %mul3A_987 : i32
      %add3A_989 = arith.addi %mul3A_986, %mul3A_988 : i32
      %dma_start3A_990 = arith.constant 1 : i32
      %dma_start3A_991 = arith.constant 1 : i32
      %dma_start3A_992 = arith.constant 0 : i32
      %dma_start3A_993 = tpu.memref_slice %arg12[%dma_start3A_990, %dma_start3A_992] : memref<2x400xf32, #tpu.memory_space<vmem>> -> memref<1x400xf32, #tpu.memory_space<vmem>>
      %dma_start3A_994 = tpu.memref_squeeze %dma_start3A_993 : memref<1x400xf32, #tpu.memory_space<vmem>> -> memref<400xf32, #tpu.memory_space<vmem>>
      %dma_start3A_995 = tpu.memref_slice %arg7[%add3A_989] : memref<320000xf32, #tpu.memory_space<hbm>> -> memref<400xf32, #tpu.memory_space<hbm>>
      %dma_start3A_996 = tpu.memref_slice %arg18[%dma_start3A_991] : memref<2x!tpu.dma_semaphore, #tpu.memory_space<semaphore_mem>> -> memref<1x!tpu.dma_semaphore, #tpu.memory_space<semaphore_mem>>
      %dma_start3A_997 = tpu.memref_squeeze %dma_start3A_996 : memref<1x!tpu.dma_semaphore, #tpu.memory_space<semaphore_mem>> -> memref<!tpu.dma_semaphore, #tpu.memory_space<semaphore_mem>>
      %dma_start3A_998 = tpu.memref_slice %arg7[%add3A_989] : memref<320000xf32, #tpu.memory_space<hbm>> -> memref<400xf32, #tpu.memory_space<hbm>>
      %dma_start3A_999 = arith.constant 0 : i32
      %dma_start3A_1000 = tpu.memref_slice %arg12[%dma_start3A_990, %dma_start3A_999] : memref<2x400xf32, #tpu.memory_space<vmem>> -> memref<1x400xf32, #tpu.memory_space<vmem>>
      %dma_start3A_1001 = tpu.memref_squeeze %dma_start3A_1000 : memref<1x400xf32, #tpu.memory_space<vmem>> -> memref<400xf32, #tpu.memory_space<vmem>>
      tpu.enqueue_dma source(%dma_start3A_1001 : memref<400xf32, #tpu.memory_space<vmem>>) target(%dma_start3A_998 : memref<400xf32, #tpu.memory_space<hbm>>) target_semaphore(%dma_start3A_997 : memref<!tpu.dma_semaphore, #tpu.memory_space<semaphore_mem>>)
    }
    %scan3A_267 = arith.constant 13 : i32
    %dma_wait3A = arith.constant 0 : i32
    %dma_wait3A_268 = arith.constant 0 : i32
    %dma_wait3A_269 = arith.constant 0 : i32
    %dma_wait3A_270 = tpu.memref_slice %arg12[%dma_wait3A, %dma_wait3A_269] : memref<2x400xf32, #tpu.memory_space<vmem>> -> memref<1x400xf32, #tpu.memory_space<vmem>>
    %dma_wait3A_271 = tpu.memref_squeeze %dma_wait3A_270 : memref<1x400xf32, #tpu.memory_space<vmem>> -> memref<400xf32, #tpu.memory_space<vmem>>
    %dma_wait3A_272 = arith.constant 0 : i32
    %dma_wait3A_273 = tpu.memref_slice %arg7[%dma_wait3A_272] : memref<320000xf32, #tpu.memory_space<hbm>> -> memref<400xf32, #tpu.memory_space<hbm>>
    %dma_wait3A_274 = tpu.memref_slice %arg18[%dma_wait3A_268] : memref<2x!tpu.dma_semaphore, #tpu.memory_space<semaphore_mem>> -> memref<1x!tpu.dma_semaphore, #tpu.memory_space<semaphore_mem>>
    %dma_wait3A_275 = tpu.memref_squeeze %dma_wait3A_274 : memref<1x!tpu.dma_semaphore, #tpu.memory_space<semaphore_mem>> -> memref<!tpu.dma_semaphore, #tpu.memory_space<semaphore_mem>>
    %dma_wait3A_276 = arith.constant 0 : i32
    %dma_wait3A_277 = tpu.memref_slice %arg7[%dma_wait3A_276] : memref<320000xf32, #tpu.memory_space<hbm>> -> memref<400xf32, #tpu.memory_space<hbm>>
    %dma_wait3A_278 = arith.constant 0 : i32
    %dma_wait3A_279 = tpu.memref_slice %arg12[%dma_wait3A, %dma_wait3A_278] : memref<2x400xf32, #tpu.memory_space<vmem>> -> memref<1x400xf32, #tpu.memory_space<vmem>>
    %dma_wait3A_280 = tpu.memref_squeeze %dma_wait3A_279 : memref<1x400xf32, #tpu.memory_space<vmem>> -> memref<400xf32, #tpu.memory_space<vmem>>
    tpu.wait_dma2 semaphore(%dma_wait3A_275 : memref<!tpu.dma_semaphore, #tpu.memory_space<semaphore_mem>>) src(%dma_wait3A_280 : memref<400xf32, #tpu.memory_space<vmem>>) dst(%dma_wait3A_277 : memref<400xf32, #tpu.memory_space<hbm>>)
    %dma_wait3A_281 = arith.constant 1 : i32
    %dma_wait3A_282 = arith.constant 1 : i32
    %dma_wait3A_283 = arith.constant 0 : i32
    %dma_wait3A_284 = tpu.memref_slice %arg12[%dma_wait3A_281, %dma_wait3A_283] : memref<2x400xf32, #tpu.memory_space<vmem>> -> memref<1x400xf32, #tpu.memory_space<vmem>>
    %dma_wait3A_285 = tpu.memref_squeeze %dma_wait3A_284 : memref<1x400xf32, #tpu.memory_space<vmem>> -> memref<400xf32, #tpu.memory_space<vmem>>
    %dma_wait3A_286 = arith.constant 0 : i32
    %dma_wait3A_287 = tpu.memref_slice %arg7[%dma_wait3A_286] : memref<320000xf32, #tpu.memory_space<hbm>> -> memref<400xf32, #tpu.memory_space<hbm>>
    %dma_wait3A_288 = tpu.memref_slice %arg18[%dma_wait3A_282] : memref<2x!tpu.dma_semaphore, #tpu.memory_space<semaphore_mem>> -> memref<1x!tpu.dma_semaphore, #tpu.memory_space<semaphore_mem>>
    %dma_wait3A_289 = tpu.memref_squeeze %dma_wait3A_288 : memref<1x!tpu.dma_semaphore, #tpu.memory_space<semaphore_mem>> -> memref<!tpu.dma_semaphore, #tpu.memory_space<semaphore_mem>>
    %dma_wait3A_290 = arith.constant 0 : i32
    %dma_wait3A_291 = tpu.memref_slice %arg7[%dma_wait3A_290] : memref<320000xf32, #tpu.memory_space<hbm>> -> memref<400xf32, #tpu.memory_space<hbm>>
    %dma_wait3A_292 = arith.constant 0 : i32
    %dma_wait3A_293 = tpu.memref_slice %arg12[%dma_wait3A_281, %dma_wait3A_292] : memref<2x400xf32, #tpu.memory_space<vmem>> -> memref<1x400xf32, #tpu.memory_space<vmem>>
    %dma_wait3A_294 = tpu.memref_squeeze %dma_wait3A_293 : memref<1x400xf32, #tpu.memory_space<vmem>> -> memref<400xf32, #tpu.memory_space<vmem>>
    tpu.wait_dma2 semaphore(%dma_wait3A_289 : memref<!tpu.dma_semaphore, #tpu.memory_space<semaphore_mem>>) src(%dma_wait3A_294 : memref<400xf32, #tpu.memory_space<vmem>>) dst(%dma_wait3A_291 : memref<400xf32, #tpu.memory_space<hbm>>)
    return
  }
}

module attributes {stable_mosaic.version = 14 : i64} {
  func.func @_proj_body(%arg0: memref<10000x128xf32, #tpu.memory_space<vmem>>, %arg1: memref<128x64xf32, #tpu.memory_space<vmem>>, %arg2: memref<128x64xf32, #tpu.memory_space<vmem>>, %arg3: memref<1x64xf32, #tpu.memory_space<vmem>>, %arg4: memref<10000x64xbf16, #tpu.memory_space<vmem>>, %arg5: memref<10000x64xbf16, #tpu.memory_space<vmem>>) attributes {dimension_semantics = [], scalar_prefetch = 0 : i64, scratch_operands = 0 : i64, tpu.core_type = #tpu.core_type<tc>} {
    %get3A = arith.constant 0 : index
    %get3A_0 = arith.constant 0 : index
    %get3A_1 = vector.load %arg0[%get3A, %get3A_0] : memref<10000x128xf32, #tpu.memory_space<vmem>>, vector<10000x128xf32>
    %get3A_2 = arith.constant 0 : index
    %get3A_3 = arith.constant 0 : index
    %get3A_4 = vector.load %arg1[%get3A_2, %get3A_3] : memref<128x64xf32, #tpu.memory_space<vmem>>, vector<128x64xf32>
    %dot_general3A = arith.constant dense<0.000000e+00> : vector<10000x64xf32>
    %dot_general3A_5 = tpu.matmul %get3A_1, %get3A_4, %dot_general3A {dimension_numbers = #tpu.dot_dimension_numbers<[1], [0], [0], [1], [0, 0, 1, 1], [], []>, transpose_lhs_hint = false} : vector<10000x128xf32>, vector<128x64xf32>, vector<10000x64xf32> -> vector<10000x64xf32>
    %get3A_6 = arith.constant 0 : index
    %get3A_7 = arith.constant 0 : index
    %get3A_8 = vector.load %arg3[%get3A_6, %get3A_7] : memref<1x64xf32, #tpu.memory_space<vmem>>, vector<1x64xf32>
    %add3A = vector.broadcast %get3A_8 : vector<1x64xf32> to vector<10000x64xf32>
    %add3A_9 = arith.addf %dot_general3A_5, %add3A : vector<10000x64xf32>
    %convert_element_type3A = arith.truncf %add3A_9 : vector<10000x64xf32> to vector<10000x64xbf16>
    %swap3A = arith.constant 0 : index
    %swap3A_10 = arith.constant 0 : index
    %swap3A_11 = vector.load %arg4[%swap3A, %swap3A_10] : memref<10000x64xbf16, #tpu.memory_space<vmem>>, vector<10000x64xbf16>
    tpu.vector_store %arg4[%swap3A, %swap3A_10], %convert_element_type3A {strides = array<i32>} : memref<10000x64xbf16, #tpu.memory_space<vmem>>, vector<10000x64xbf16>,
    %get3A_12 = arith.constant 0 : index
    %get3A_13 = arith.constant 0 : index
    %get3A_14 = vector.load %arg2[%get3A_12, %get3A_13] : memref<128x64xf32, #tpu.memory_space<vmem>>, vector<128x64xf32>
    %dot_general3A_15 = arith.constant dense<0.000000e+00> : vector<10000x64xf32>
    %dot_general3A_16 = tpu.matmul %get3A_1, %get3A_14, %dot_general3A_15 {dimension_numbers = #tpu.dot_dimension_numbers<[1], [0], [0], [1], [0, 0, 1, 1], [], []>, transpose_lhs_hint = false} : vector<10000x128xf32>, vector<128x64xf32>, vector<10000x64xf32> -> vector<10000x64xf32>
    %convert_element_type3A_17 = arith.truncf %dot_general3A_16 : vector<10000x64xf32> to vector<10000x64xbf16>
    %swap3A_18 = arith.constant 0 : index
    %swap3A_19 = arith.constant 0 : index
    %swap3A_20 = vector.load %arg5[%swap3A_18, %swap3A_19] : memref<10000x64xbf16, #tpu.memory_space<vmem>>, vector<10000x64xbf16>
    tpu.vector_store %arg5[%swap3A_18, %swap3A_19], %convert_element_type3A_17 {strides = array<i32>} : memref<10000x64xbf16, #tpu.memory_space<vmem>>, vector<10000x64xbf16>,
    return
  }
}

</mosaic_0001>

<sc_bundles>
// kernel: kernel.4.cloned.1.call-start
scs
__scs_entry_jumppad:
0x0: {  	(pc) =	sbr.rel $0x88, $3  }
0x1: {  	(tag) =	ssettag $0x0;
	lr =	simm.s32 $0x1  }
0x2: {  	[smem:$0x3F9A] =	sst lr;
	_ =	strace $0xD0000000  }
0x3: {  	_ = 	snop  }
0x4: {  	_ = 	snop  }
0x5: {  	_ = 	snop  }
0x6: {  	_ = 	snop  }
0x7: {  	_ = 	snop  }
__scs_overlays_trampoline_lowered:
0x8: {  	[smem:$0x3FA9] =	sst s0  }
0x9: {  	[smem:$0x3FAA] =	sst s1  }
0xa: {  	[smem:$0x3FAB] =	sst s2  }
0xb: {  	[smem:$0x3FAC] =	sst s3  }
0xc: {  	[smem:$0x3FAD] =	sst s4  }
0xd: {  	[smem:$0x3FAE] =	sst s5  }
0xe: {  	[smem:$0x3FAF] =	sst s6  }
0xf: {  	[smem:$0x3FB0] =	sst s7  }
0x10: {  	[smem:$0x3FB1] =	sst s8  }
0x11: {  	[smem:$0x3FB2] =	sst s9;
	s0 =	simm.s32 @!p0 $0x0  }
0x12: {  	s1 =	sld [smem:$0x3F98];
	s0 =	simm.s32 @p0 $0x1  }
0x13: {  	[smem:$0x3FB3] =	sst s0;
	s0 =	simm.s32 @!p1 $0x0  }
0x14: {  	s2 =	sld [smem:$0x3F97];
	s0 =	simm.s32 @p1 $0x1  }
0x15: {  	[smem:$0x3FB4] =	sst s0;
	s0 =	simm.s32 @!p2 $0x0  }
0x16: {  	s3 =	sld [smem:$0x3FDB];
	s0 =	simm.s32 @p2 $0x1  }
0x17: {  	s4 =	simm.s32 $0x1BF5;
	[smem:$0x3FB6] =	sst s0  }
0x18: {  	s0 =	sld [smem:$0x3F99];
	_ =	swait.ge [sflag:s4], $0x0  }
0x19: {  	s7 =	sld [smem:$0x3F9A]  }
0x1a: {  	s8 =	sadd.s32 $0xFFFFE003, lr  }
0x1b: {  	s9 =	sadd.s32 $0xFFFFFEF7, lr;
	s5 =	simm.s32 $0xFFFFFFFF;
	p2 =	slt.u32 s8, $0xFFFFF086  }
0x1c: {  	p1 =	slt.u32 s9, $0xF7A;
	s5 =	simm.s32 @!p2 $0x0  }
0x1d: {  	s5 =	simm.s32 @p1 $0x1;
	p0 =	seq.s32 s7, s2  }
0x1e: {  	s7 =	smul.u32 @!p0 $0xF7A, s2;
	p2 =	seq.s32 @!p0 s5, $0x0  }
0x1f: {  	s9 =	smul.u32 $0xF7A, s1;
	s8 =	simm.s32 @!p0 $0x1BF5;
	p2 =	por !p2, p0  }
0x20: {  	[sflag:s8] =	ssyncset.s32 @!p0 $0xFFFFF086;
	s6 =	sadd.s32 @!p0 s3, s7;
	s7 =	simm.s32 @!p0 $0x108  }
0x21: {  	s3 =	sadd.s32 s3, s9;
	s6 =	sadd.s32 @!p0 $0x88, s6;
	s7 =	simm.s32 @p2 $0x1082  }
0x22: {  	[simem:s7], [sflag:s8] =	dma.local @!p0 [hbm:s6], $0xF7A  }
0x23: {  	s9 =	sor.u32 $0xD0000000, s2;
	s6 =	simm.s32 $0x108;
	_ =	swait.ge @!p0 [sflag:s8], $0x0  }
0x24: {  	s3 =	sadd.s32 $0x88, s3;
	s6 =	simm.s32 @!p1 $0x1082;
	[sflag:s4] =	ssyncset.s32 $0xFFFFF086  }
0x25: {  	[simem:s6], [sflag:s4] =	dma.local [hbm:s3], $0xF7A  }
0x26: {  	[smem:$0x3F9A] =	sst s1;
	(tag) =	ssettag s2;
	_ =	strace s9  }
0x27: {  	s1 =	sld [smem:$0x3FAA]  }
0x28: {  	s2 =	sld [smem:$0x3FAB]  }
0x29: {  	s4 =	sld [smem:$0x3FAD]  }
0x2a: {  	p0 =	seq.s32 s5, $0x0;
	s5 =	sld [smem:$0x3FAE]  }
0x2b: {  	s6 =	sld [smem:$0x3FAF]  }
0x2c: {  	s7 =	sld [smem:$0x3FB0]  }
0x2d: {  	s3 =	simm.s32 $0x108;
	s8 =	sld [smem:$0x3FB1]  }
0x2e: {  	s3 =	simm.s32 @!p0 $0x1082;
	s9 =	sld [smem:$0x3FB2]  }
0x2f: {  	lr =	sadd.s32 s0, s3;
	s0 =	sld [smem:$0x3FA9]  }
0x30: {  	s3 =	sld [smem:$0x3FAC]  }
0x31: {  	[smem:$0x3FB5] =	sst s10  }
0x32: {  	s10 =	sld [smem:$0x3FB3];
	_ =	sdelay $0x3  }
0x33: {  	p0 =	seq.s32 s10, $0x1;
	s10 =	sld [smem:$0x3FB5];
	_ =	sdelay $0x3  }
0x34: {  	[smem:$0x3FB5] =	sst s10  }
0x35: {  	s10 =	sld [smem:$0x3FB4];
	_ =	sdelay $0x3  }
0x36: {  	p1 =	seq.s32 s10, $0x1;
	s10 =	sld [smem:$0x3FB5];
	_ =	sdelay $0x3  }
0x37: {  	[smem:$0x3FB5] =	sst s10  }
0x38: {  	s10 =	sld [smem:$0x3FB6]  }
0x39: {  	_ = 	snop;
	(pc) =	sbr.ind lr, $3  }
0x3a: {  	_ = 	snop  }
0x3b: {  	_ = 	snop  }
0x3c: {  	p2 =	seq.s32 s10, $0x1;
	s10 =	sld [smem:$0x3FB5]  }
0x3d: {  	_ =	shalt  }
0x3e: {  	_ =	shalt  }
0x3f: {  	_ =	shalt  }
0x40: {  	_ =	shalt  }
0x41: {  	_ =	shalt  }
0x42: {  	_ =	shalt  }
0x43: {  	_ =	shalt  }
0x44: {  	_ =	shalt  }
0x45: {  	_ =	shalt  }
0x46: {  	_ =	shalt  }
0x47: {  	_ =	shalt  }
0x48: {  	_ =	shalt  }
0x49: {  	_ =	shalt  }
0x4a: {  	_ =	shalt  }
0x4b: {  	_ =	shalt  }
0x4c: {  	_ =	shalt  }
0x4d: {  	_ =	shalt  }
0x4e: {  	_ =	shalt  }
0x4f: {  	_ =	shalt  }
0x50: {  	_ =	shalt  }
0x51: {  	_ =	shalt  }
0x52: {  	_ =	shalt  }
0x53: {  	_ =	shalt  }
0x54: {  	_ =	shalt  }
0x55: {  	_ =	shalt  }
0x56: {  	_ =	shalt  }
0x57: {  	_ =	shalt  }
0x58: {  	_ =	shalt  }
0x59: {  	_ =	shalt  }
0x5a: {  	_ =	shalt  }
0x5b: {  	_ =	shalt  }
0x5c: {  	_ =	shalt  }
0x5d: {  	_ =	shalt  }
0x5e: {  	_ =	shalt  }
0x5f: {  	_ =	shalt  }
0x60: {  	_ =	shalt  }
0x61: {  	_ =	shalt  }
0x62: {  	_ =	shalt  }
0x63: {  	_ =	shalt  }
0x64: {  	_ =	shalt  }
0x65: {  	_ =	shalt  }
0x66: {  	_ =	shalt  }
0x67: {  	_ =	shalt  }
0x68: {  	_ =	shalt  }
0x69: {  	_ =	shalt  }
0x6a: {  	_ =	shalt  }
0x6b: {  	_ =	shalt  }
0x6c: {  	_ =	shalt  }
0x6d: {  	_ =	shalt  }
0x6e: {  	_ =	shalt  }
0x6f: {  	_ =	shalt  }
0x70: {  	_ =	shalt  }
0x71: {  	_ =	shalt  }
0x72: {  	_ =	shalt  }
0x73: {  	_ =	shalt  }
0x74: {  	_ =	shalt  }
0x75: {  	_ =	shalt  }
0x76: {  	_ =	shalt  }
0x77: {  	_ =	shalt  }
0x78: {  	_ =	shalt  }
0x79: {  	_ =	shalt  }
0x7a: {  	_ =	shalt  }
0x7b: {  	_ =	shalt  }
0x7c: {  	_ =	shalt  }
0x7d: {  	_ =	shalt  }
0x7e: {  	_ =	shalt  }
0x7f: {  	_ =	shalt  }
0x80: {  	_ =	shalt  }
0x81: {  	_ =	shalt  }
0x82: {  	_ =	shalt  }
0x83: {  	_ =	shalt  }
0x84: {  	_ =	shalt  }
0x85: {  	_ =	shalt  }
0x86: {  	_ =	shalt  }
0x87: {  	_ =	shalt  }
.Lfunc_end0:
.L_simem_size_0:
called_computation_lowered:
.L_overlay_start_0:
0x88: {  	s2 =	sld [smem:$0x3FD9]  }
0x89: {  	s3 =	sld [smem:$0x3FFE];
	_ =	sdelay $0x1  }
0x8a: {  	s1 =	srdreg.scid  }
0x8b: {  	s0 =	sand.u32 $0x1, s1  }
0x8c: {  	s17 =	sshll.u32 s0, $0xA;
	s2 =	sadd.s32 s3, s2  }
0x8d: {  	s2 =	sadd.s32 s2, s17  }
0x8e: {  	[smem:$0x3FC1] =	sst s2  }
0x8f: {  	_ = 	snop  }
0x90: {  	s2 =	sld [smem:$0x3FC8]  }
0x91: {  	s18 =	sld [smem:$0x3FC7]  }
0x92: {  	s4 =	sld [smem:$0x3FD0];
	(tm) =	ssettm $0x1  }
0x93: {  	s5 =	sld [smem:$0x3FFB];
	_ =	sdelay $0x3  }
0x94: {  	_ =	strace s5  }
0x95: {  	s5 =	sld [smem:$0x3FFC];
	_ =	sdelay $0x3  }
0x96: {  	_ =	strace s5  }
0x97: {  	s5 =	sld [smem:$0x3FFD];
	_ =	sdelay $0x3  }
0x98: {  	_ =	strace s5  }
0x99: {  	_ =	strace $0x8FFFFFFF  }
0x9a: {  	s19 =	sld [smem:$0x3FDB];
	_ =	sdelay $0x1  }
0x9b: {  	s6 =	simm.s32 $_scs_section_size  }
0x9c: {  	s7 =	simm.s32 $_size__tile_overlayer_lowered;
	s8 =	simm.s32 $_tile_overlayer_lowered  }
0x9d: {  	s22 =	simm.s32 $0x1BFF;
	s21 =	sshll.u32 s8, $0x1;
	s5 =	sadd.s32 s6, s19  }
0x9e: {  	s9 =	simm.s32 $0x0;
	s20 =	sshll.u32 s7, $0x1;
	s7 =	sadd.s32 s21, s5  }
0x9f: {  	[timem:s9], [sflag:s22] =	dma.local [hbm:s7], s20  }
0xa0: {  	_ =	swait.ge [sflag:s22], s20  }
0xa1: {  	s6 =	ssub.s32 $0x0, s20;
	[sflag:s22] =	ssyncset.done $0x0  }
0xa2: {  	[sflag:s22] =	ssyncadd.s32 s6;
	_ =	sdelay $0x1  }
0xa3: {  	s23 =	simm.s32 $0x1B8B  }
0xa4: {  	_ =	swait.ge [sflag:s23], $0x1  }
0xa5: {  	[sflag:s23] =	ssyncset.done $0x0  }
0xa6: {  	s25 =	simm.s32 $0x1B8E;
	s24 =	sld [smem:$0x3FFE];
	[sflag:s23] =	ssyncadd.s32 $0xFFFFFFFF  }
0xa7: {  	s26 =	simm.s32 $execute0_lowered;
	[smem:$0x3FD2] =	sst s25  }
0xa8: {  	s7 =	sshll.u32 s26, $0x1;
	_ =	strace $0x80000046;
	[dreg:$0x1] =	wrdreg $0xFFFFFFFF  }
0xa9: {  	s28 =	simm.s32 $_size_execute0_lowered;
	s5 =	sadd.s32 s5, s7;
	[dreg:$0x0] =	wrdreg $0x0  }
0xaa: {  	s7 =	sshll.u32 s28, $0x1;
	[dreg:$0x2] =	wrdreg s5  }
0xab: {  	[dreg:$0x3] =	wrdreg s7  }
0xac: {  	[dreg:$0x4] =	wrdreg $0xC0  }
0xad: {  	_ =	task [dreg:s9], $0x5FFFF  }
0xae: {  	[dreg:$0x1] =	wrdreg $0xFFFFFFFF  }
0xaf: {  	[dreg:$0x0] =	wrdreg $0x60  }
0xb0: {  	[dreg:$0x2] =	wrdreg s4  }
0xb1: {  	[dreg:$0x3] =	wrdreg s24  }
0xb2: {  	[dreg:$0x4] =	wrdreg s2  }
0xb3: {  	[dreg:$0x5] =	wrdreg s18  }
0xb4: {  	[dreg:$0x6] =	wrdreg $0x11A900  }
0xb5: {  	[dreg:$0x7] =	wrdreg $0x168B00  }
0xb6: {  	[dreg:$0x8] =	wrdreg $0x9  }
0xb7: {  	_ =	task.clear_ibuf [dreg:s9], $0x9FFFF;
	_ =	strace $0x90000046  }
0xb8: {  	s29 =	simm.s32 $0x9;
	_ =	strace $0x80000048  }
0xb9: {  	_ =	swait.ge [sflag:s29], $0x1  }
0xba: {  	[sflag:s29] =	ssyncadd.s32 $0xFFFFFFFF  }
0xbb: {  	_ =	strace $0x90000048  }
0xbc: {  	_ =	sfence  }
0xbd: {  	s30 =	sld [smem:$0x0];
	_ =	sdelay $0x2  }
0xbe: {  	s31 =	sshll.u32 s1, $0xD;
	s1 =	sshrl.u32 s1, $0x2  }
0xbf: {  	s3 =	sand.u32 $0x4000, s31;
	s1 =	sadd.s32 s1, s30  }
0xc0: {  	s0 =	sor.u32 s3, s0;
	s1 =	sshll.u32 s1, $0x11  }
0xc1: {  	s0 =	sor.u32 s1, s0  }
0xc2: {  	s0 =	sadd.s32 $0x8F2B, s0  }
0xc3: {  	[sflag:s0] =	ssyncadd.remote.s32 $0x1  }
0xc4: {  	_ =	sfence.sel $0xFFFF  }
0xc5: {  	[dreg:$0x0] =	wrdreg $0xFFFFFFFF;
	(pc) =	sbr.abs _section_cstart, $3  }
0xc6: {  	[dreg:$0x1] =	wrdreg $0xFFFFFFFF  }
0xc7: {  	_ =	task.clear_ibuf [dreg:s9], $0x2FFFF;
	_ =	strace $0x9FFFFFFF  }
0xc8: {  	(tm) =	ssettm $0x7FFFFFFF  }
0xc9: {  	_ =	shalt  }
tec
execute0_lowered:
.L_overlay_start_1:
0x0: {  	(tag) =	ssettag $0x1  }
0x1: {  	s0 =	rddreg [dreg:$0x0]  }
0x2: {  	s1 =	rddreg [dreg:$0x1]  }
0x3: {  	s5 =	rddreg [dreg:$0x2]  }
0x4: {  	s8 =	rddreg [dreg:$0x3]  }
0x5: {  	s2 =	rddreg [dreg:$0x4];
	s14 =	stileid.u32  }
0x6: {  	s3 =	rddreg [dreg:$0x5];
	s4 =	simm.s32 $0x0;
	s6 =	srdreg.scid  }
0x7: {  	s29 =	simm.s32 $0xC620;
	s31 =	simm.s32 $0x6C20;
	s28 =	simm.s32 $0xDA20  }
0x8: {  	s17 =	simm.s32 $0xF820;
	s16 =	simm.s32 $0x11620;
	s15 =	simm.s32 $0x117B0  }
0x9: {  	s7 =	smul.u32 $0x9C40, s14;
	[smem:$0x7FF] =	sst s4;
	s11 =	sand.u32 $0x1, s6  }
0xa: {  	s19 =	sadd.s32 $0xAA00, s1;
	s13 =	sshll.u32 s14, $0x1;
	s6 =	sadd.s32 $0xAC00, s1  }
0xb: {  	s23 =	sshll.u32 s14, $0x6;
	s14 =	simm.s32 $0x11990;
	_ =	strace $0x80000047  }
0xc: {  	[dreg:$0x7] =	wrdreg s19;
	s12 =	ssub.s32 $0x2, s11;
	s11 =	sor.u32 s11, s13  }
0xd: {  	s19 =	simm.s32 $0x50;
	s13 =	simm.s32 $0x1;
	s9 =	sshrl.u32 s7, $0x4  }
0xe: {  	s20 =	sshrl.u32 s12, $0x1;
	s21 =	sshrl.u32 s7, $0x1;
	s7 =	smul.u32 $0x2710, s11  }
0xf: {  	s11 =	simm.s32 $0xA820;
	s10 =	sadd.s32 s9, s1;
	s1 =	ssub.s32 s12, s20  }
0x10: {  	s22 =	sadd.s32 s21, s2;
	s0 =	sadd.s32 s0, s9;
	s24 =	sadd.s32 s21, s3  }
0x11: {  	s12 =	simm.s32 $0x10C20;
	[dreg:$0x8] =	wrdreg s0;
	s0 =	sor.u32 $0x1C05, s23  }
0x12: {  	v0 =	vlaneseq.u32;
	s9 =	simm.s32 $0x2;
	s10 =	sadd.s32 $0xC00, s10;
	[dreg:$0x9] =	wrdreg s0  }
0x13: {  	v0 =	vmul.u32 $0x10, v0;
	s20 =	simm.s32 $0x0;
	s1 =	smax.u32 s1, $0x1;
	[dreg:$0xa] =	wrdreg s10  }
0x14: {  	v1 =	vimm.bf16 $0.0e+00;
	s25 =	sshrl.u32 s7, $0x3;
	s30 =	sshrl.u32 s22, $0x3;
	[dreg:$0xd] =	wrdreg s1  }
0x15: {  	v2 =	vor.u32 $0x1, v0;
	v3 =	vor.u32 $0x2, v0;
	v4 =	vor.u32 $0x3, v0;
	s22 =	simm.s32 $0x5820;
	s5 =	sadd.s32 s5, s25;
	[dreg:$0xe] =	wrdreg s30  }
0x16: {  	v5 =	vor.u32 $0x4, v0;
	v6 =	vor.u32 $0x5, v0;
	v7 =	vor.u32 $0x6, v0;
	s23 =	simm.s32 $0x7620;
	s26 =	sadd.s32 s8, s25;
	[dreg:$0xb] =	wrdreg s5  }
0x17: {  	v8 =	vor.u32 $0x7, v0;
	v9 =	vor.u32 $0x8, v0;
	v10 =	vor.u32 $0x9, v0;
	s0 =	sshrl.u32 s24, $0x3;
	s24 =	simm.s32 $0xBC20;
	[dreg:$0xc] =	wrdreg s26  }
0x18: {  	v11 =	vor.u32 $0xA, v0;
	v12 =	vor.u32 $0xB, v0;
	v13 =	vor.u32 $0xC, v0;
	s8 =	simm.s32 $0x9E20;
	s10 =	simm.s32 $0x10220;
	[dreg:$0xf] =	wrdreg s0  }
0x19: {  	v14 =	vor.u32 $0xD, v0;
	v15 =	vor.u32 $0xE, v0;
	v16 =	vor.u32 $0xF, v0;
	s26 =	simm.s32 $0x6220;
	s0 =	simm.s32 $0xD020;
	s5 =	simm.s32 $0x9420  }
.LBB2_1:
0x1a: {  	[dreg:$0x10] =	wrdreg s20  }
0x1b: {  	s1 =	rddreg [dreg:$0x8]  }
0x1c: {  	s18 =	rddreg [dreg:$0x9]  }
0x1d: {  	s21 =	rddreg [dreg:$0xe];
	s20 =	simm.s32 $0x5  }
0x1e: {  	[spmem:s21], [sflag:s18] =	dma.local [hbm:s1], $0x9C4  }
0x1f: {  	_ =	swait.ge [sflag:s20], $0x9C4  }
0x20: {  	[sflag:s20] =	ssyncset.done $0x0;
	s25 =	rddreg [dreg:$0xa]  }
0x21: {  	s21 =	rddreg [dreg:$0xf];
	[sflag:s20] =	ssyncadd.s32 $0xFFFFF63C  }
0x22: {  	[spmem:s21], [sflag:s18] =	dma.local [hbm:s25], $0x9C4  }
0x23: {  	_ =	swait.ge [sflag:s20], $0x9C4  }
0x24: {  	[sflag:s20] =	ssyncset.done $0x0  }
0x25: {  	s21 =	rddreg [dreg:$0xb];
	[sflag:s20] =	ssyncadd.s32 $0xFFFFF63C  }
0x26: {  	[tilespmem:s4], [sflag:$0x5] =	stream.linear.gather [hbm4b:s21+s4], $0x2710, $0x38;
	[tilespmem:$0x1B6D0] =	vst v63  }
0x27: {  	_ =	swait.ge [sflag:s20], $0x2710  }
0x28: {  	[sflag:s20] =	ssyncset.done $0x0  }
0x29: {  	s18 =	simm.s32 $0x2710;
	s25 =	rddreg [dreg:$0xc];
	[sflag:s20] =	ssyncadd.s32 $0xFFFFD8F0  }
0x2a: {  	[tilespmem:s18], [sflag:$0x5] =	stream.linear.gather [hbm4b:s25+s4], $0x2710, $0x38;
	[tilespmem:$0x1B6D0] =	vst v63  }
0x2b: {  	_ =	swait.ge [sflag:s20], $0x2710  }
0x2c: {  	[sflag:s20] =	ssyncset.done $0x0  }
0x2d: {  	s25 =	simm.s32 $0x11940;
	s21 =	rddreg [dreg:$0x7];
	[sflag:s20] =	ssyncadd.s32 $0xFFFFD8F0  }
0x2e: {  	[tilespmem:s25], [sflag:$0x5] =	stream.linear.gather [hbm4b:s21+s4], $0x50, $0x38;
	[tilespmem:$0x1B6D0] =	vst v63  }
0x2f: {  	_ =	swait.ge [sflag:s20], $0x50  }
0x30: {  	[sflag:s20] =	ssyncset.done $0x0  }
0x31: {  	[sflag:s20] =	ssyncadd.s32 $0xFFFFFFB0  }
0x32: {  	[bflag:$0x0] =	sbarrier.arrive $0xFFFF  }
0x33: {  	v18 =	vld [tilespmem:$0x11940]  }
0x34: {  	v19 =	vld [tilespmem:$0x11950]  }
0x35: {  	v20 =	vld [tilespmem:$0x11960]  }
0x36: {  	s21 =	simm.s32 $0x4E20;
	v21 =	vld [tilespmem:$0x11970]  }
0x37: {  	v17 =	vld [tilespmem:$0x11980];
	[tilespmem:s21], [sflag:$0x1] =	stream.indirect.gather [spmem:s2], $0x20, s4, s19, $0xb8  }
0x38: {  	s25 =	simm.s32 $0xB220  }
0x39: {  	[tilespmem:s25], [sflag:$0x1] =	stream.indirect.gather [spmem:s3], $0x20, s18, s19, $0xb8;
	[tilespmem:$0x1B6D0] =	vst v63  }
0x3a: {  	_ = 	snop  }
0x3b: {  	[tilespmem:s22], [sflag:$0x1] =	stream.indirect.gather [spmem:s2], $0x20, s19, s19, $0xb8;
	[tilespmem:$0x1B6D0] =	vst v63  }
0x3c: {  	s20 =	simm.s32 $0x2760  }
0x3d: {  	[tilespmem:s24], [sflag:$0x1] =	stream.indirect.gather [spmem:s3], $0x20, s20, s19, $0xb8;
	[tilespmem:$0x1B6D0] =	vst v63  }
0x3e: {  	s21 =	simm.s32 $0xA0  }
0x3f: {  	[tilespmem:s26], [sflag:$0x1] =	stream.indirect.gather [spmem:s2], $0x20, s21, s19, $0xb8;
	[tilespmem:$0x1B6D0] =	vst v63  }
0x40: {  	s25 =	simm.s32 $0x27B0  }
0x41: {  	[tilespmem:s29], [sflag:$0x1] =	stream.indirect.gather [spmem:s3], $0x20, s25, s19, $0xb8;
	[tilespmem:$0x1B6D0] =	vst v63  }
0x42: {  	s18 =	simm.s32 $0xF0  }
0x43: {  	[tilespmem:s31], [sflag:$0x1] =	stream.indirect.gather [spmem:s2], $0x20, s18, s19, $0xb8;
	[tilespmem:$0x1B6D0] =	vst v63  }
0x44: {  	s20 =	simm.s32 $0x2800  }
0x45: {  	[tilespmem:s0], [sflag:$0x1] =	stream.indirect.gather [spmem:s3], $0x20, s20, s19, $0xb8;
	[tilespmem:$0x1B6D0] =	vst v63  }
0x46: {  	s21 =	simm.s32 $0x140  }
0x47: {  	[tilespmem:s23], [sflag:$0x1] =	stream.indirect.gather [spmem:s2], $0x20, s21, s19, $0xb8;
	[tilespmem:$0x1B6D0] =	vst v63  }
0x48: {  	s30 =	simm.s32 $0x0;
	s25 =	simm.s32 $0x2850  }
0x49: {  	v18 =	vpack.i.f32.bf16 v19, v18;
	v19 =	vpack.i.f32.bf16 v21, v20;
	[tilespmem:s28], [sflag:$0x1] =	stream.indirect.gather [spmem:s3], $0x20, s25, s19, $0xb8;
	[tilespmem:$0x1B6D0] =	vst v63  }
.LBB2_2:
0x4a: {  	s1 =	sshllo.u32 s30, $0x1  }
0x4b: {  	s1 =	smin.u32 s1, $0x18  }
0x4c: {  	s1 =	smul.u32 $0x190, s1  }
0x4d: {  	s18 =	simm.s32 $0x8020  }
0x4e: {  	[tilespmem:s18], [sflag:$0x2] =	stream.indirect.gather [spmem:s2], $0x20, s1, s19, $0xb8;
	[tilespmem:$0x1B6D0] =	vst v63  }
0x4f: {  	s20 =	simm.s32 $0xE420;
	s25 =	sadd.s32 $0x2710, s1  }
0x50: {  	[tilespmem:s20], [sflag:$0x2] =	stream.indirect.gather [spmem:s3], $0x20, s25, s19, $0xb8;
	[tilespmem:$0x1B6D0] =	vst v63  }
0x51: {  	s21 =	sadd.s32 $0x50, s1;
	s25 =	simm.s32 $0x8A20  }
0x52: {  	[tilespmem:s25], [sflag:$0x2] =	stream.indirect.gather [spmem:s2], $0x20, s21, s19, $0xb8;
	[tilespmem:$0x1B6D0] =	vst v63  }
0x53: {  	s21 =	sadd.s32 $0x2760, s1;
	s25 =	simm.s32 $0xEE20  }
0x54: {  	[tilespmem:s25], [sflag:$0x2] =	stream.indirect.gather [spmem:s3], $0x20, s21, s19, $0xb8;
	[tilespmem:$0x1B6D0] =	vst v63  }
0x55: {  	s20 =	sadd.s32 $0xA0, s1  }
0x56: {  	[tilespmem:s5], [sflag:$0x2] =	stream.indirect.gather [spmem:s2], $0x20, s20, s19, $0xb8;
	[tilespmem:$0x1B6D0] =	vst v63  }
0x57: {  	s21 =	sadd.s32 $0x27B0, s1  }
0x58: {  	[tilespmem:s17], [sflag:$0x2] =	stream.indirect.gather [spmem:s3], $0x20, s21, s19, $0xb8;
	[tilespmem:$0x1B6D0] =	vst v63  }
0x59: {  	s25 =	sadd.s32 $0xF0, s1  }
0x5a: {  	[tilespmem:s8], [sflag:$0x2] =	stream.indirect.gather [spmem:s2], $0x20, s25, s19, $0xb8;
	[tilespmem:$0x1B6D0] =	vst v63  }
0x5b: {  	s20 =	sadd.s32 $0x2800, s1  }
0x5c: {  	[tilespmem:s10], [sflag:$0x2] =	stream.indirect.gather [spmem:s3], $0x20, s20, s19, $0xb8;
	[tilespmem:$0x1B6D0] =	vst v63  }
0x5d: {  	s21 =	sadd.s32 $0x140, s1  }
0x5e: {  	[tilespmem:s11], [sflag:$0x2] =	stream.indirect.gather [spmem:s2], $0x20, s21, s19, $0xb8;
	[tilespmem:$0x1B6D0] =	vst v63  }
0x5f: {  	s25 =	sadd.s32 $0x2850, s1  }
0x60: {  	[tilespmem:s12], [sflag:$0x2] =	stream.indirect.gather [spmem:s3], $0x20, s25, s19, $0xb8;
	[tilespmem:$0x1B6D0] =	vst v63  }
0x61: {  	_ =	swait.ge [sflag:s13], $0xA00  }
0x62: {  	[sflag:s13] =	ssyncset.done $0x0  }
0x63: {  	[sflag:s13] =	ssyncadd.s32 $0xFFFFF600  }
0x64: {  	_ =	swait.ge [sflag:s13], $0xA00  }
0x65: {  	[sflag:s13] =	ssyncset.done $0x0  }
0x66: {  	[sflag:s13] =	ssyncadd.s32 $0xFFFFF600  }
0x67: {  	_ =	swait.ge [sflag:s13], $0xA00  }
0x68: {  	[sflag:s13] =	ssyncset.done $0x0  }
0x69: {  	[sflag:s13] =	ssyncadd.s32 $0xFFFFF600  }
0x6a: {  	_ =	swait.ge [sflag:s13], $0xA00  }
0x6b: {  	[sflag:s13] =	ssyncset.done $0x0  }
0x6c: {  	[sflag:s13] =	ssyncadd.s32 $0xFFFFF600  }
0x6d: {  	_ =	swait.ge [sflag:s13], $0xA00  }
0x6e: {  	[sflag:s13] =	ssyncset.done $0x0  }
0x6f: {  	[sflag:s13] =	ssyncadd.s32 $0xFFFFF600  }
0x70: {  	_ =	swait.ge [sflag:s13], $0xA00  }
0x71: {  	[sflag:s13] =	ssyncset.done $0x0  }
0x72: {  	[sflag:s13] =	ssyncadd.s32 $0xFFFFF600  }
0x73: {  	_ =	swait.ge [sflag:s13], $0xA00  }
0x74: {  	[sflag:s13] =	ssyncset.done $0x0  }
0x75: {  	[sflag:s13] =	ssyncadd.s32 $0xFFFFF600  }
0x76: {  	_ =	swait.ge [sflag:s13], $0xA00  }
0x77: {  	[sflag:s13] =	ssyncset.done $0x0  }
0x78: {  	[sflag:s13] =	ssyncadd.s32 $0xFFFFF600  }
0x79: {  	_ =	swait.ge [sflag:s13], $0xA00  }
0x7a: {  	[sflag:s13] =	ssyncset.done $0x0  }
0x7b: {  	[sflag:s13] =	ssyncadd.s32 $0xFFFFF600  }
0x7c: {  	_ =	swait.ge [sflag:s13], $0xA00  }
0x7d: {  	p0 =	seq.s32 s30, $0x0;
	[sflag:s13] =	ssyncset.done $0x0  }
0x7e: {  	s20 =	simm.s32 @!p0 $0x3;
	[sflag:s13] =	ssyncadd.s32 $0xFFFFF600  }
0x7f: {  	_ =	swait.ge @!p0 [sflag:s20], $0x190  }
0x80: {  	s18 =	sshll.u32 s30, $0x1;
	[sflag:s20] =	ssyncset.done @!p0 $0x0  }
0x81: {  	s21 =	simm.s32 $0x11620;
	[sflag:s20] =	ssyncadd.s32 @!p0 $0xFFFFFE70;
	s20 =	simm.s32 $0x7C0  }
.LBB2_3:
0x82: {  	s25 =	sshra.s32 s20, $0x2  }
0x83: {  	v20 =	vld [tilespmem:s25+$0x4C30]  }
0x84: {  	v21 =	vld [tilespmem:s25+$0xB030]  }
0x85: {  	v22 =	vld [tilespmem:s25+$0x4C50]  }
0x86: {  	v23 =	vld [tilespmem:s25+$0xB050]  }
0x87: {  	v24 =	vld [tilespmem:s25+$0x4C70]  }
0x88: {  	v25 =	vld [tilespmem:s25+$0xB070]  }
0x89: {  	v26 =	vld [tilespmem:s25+$0x4C90]  }
0x8a: {  	v27 =	vld [tilespmem:s25+$0xB090]  }
0x8b: {  	v28 =	vld [tilespmem:s25+$0x4C40]  }
0x8c: {  	v29 =	vld [tilespmem:s25+$0xB040]  }
0x8d: {  	v30 =	vld [tilespmem:s25+$0x4C60]  }
0x8e: {  	v31 =	vld [tilespmem:s25+$0xB060]  }
0x8f: {  	v32 =	vld [tilespmem:s25+$0x4C80]  }
0x90: {  	v33 =	vld [tilespmem:s25+$0xB080]  }
0x91: {  	v38 =	vld [tilespmem:s25+$0x4CA0]  }
0x92: {  	v39 =	vld [tilespmem:s25+$0xB0A0]  }
0x93: {  	v20 =	vadd.bf16 v21, v20  }
0x94: {  	v37 =	vadd.bf16 v23, v22;
	v24 =	vadd.bf16 v25, v24  }
0x95: {  	v40 =	vadd.bf16 v27, v26;
	v41 =	vadd.bf16 v29, v28  }
0x96: {  	v42 =	vadd.bf16 v31, v30;
	v43 =	vadd.bf16 v33, v32  }
0x97: {  	v22 =	vadd.bf16 v39, v38;
	v20 =	vmax.bf16 v20, v1;
	v21 =	vmax.bf16 v37, v1  }
0x98: {  	v24 =	vmax.bf16 v24, v1;
	v25 =	vmax.bf16 v40, v1;
	v26 =	vmax.bf16 v41, v1  }
0x99: {  	v45 =	vmax.bf16 v42, v1;
	v20 =	vmul.bf16 v20, v18;
	v21 =	vmul.bf16 v21, v18  }
0x9a: {  	v46 =	vmax.bf16 v43, v1;
	v24 =	vmul.bf16 v24, v18;
	v44 =	vmul.bf16 v26, v19  }
0x9b: {  	v22 =	vmax.bf16 v22, v1;
	v26 =	vmul.bf16 v45, v19;
	v27 =	vmul.bf16 v46, v19  }
0x9c: {  	v25 =	vmul.bf16 v25, v18;
	v22 =	vmul.bf16 v22, v19;
	v20 =	vadd.bf16 v44, v20  }
0x9d: {  	v21 =	vadd.bf16 v26, v21;
	v47 =	vadd.bf16 v27, v24  }
0x9e: {  	v22 =	vadd.bf16 v22, v25;
	v48 =	vunpack.i.u.bf16.f32 v20;
	v20 =	vunpack.i.l.bf16.f32 v20  }
0x9f: {  	v49 =	vunpack.i.u.bf16.f32 v21;
	v21 =	vunpack.i.l.bf16.f32 v21;
	v20 =	vadd.f32 v20, v48  }
0xa0: {  	v51 =	vunpack.i.u.bf16.f32 v22;
	v22 =	vunpack.i.l.bf16.f32 v22;
	v21 =	vadd.f32 v21, v49  }
0xa1: {  	v50 =	vunpack.i.u.bf16.f32 v47;
	v23 =	vunpack.i.l.bf16.f32 v47;
	v52 =	vadd.f32 v22, v51;
	[tilespmem:$0x11990] =	vst v20  }
0xa2: {  	v20 =	vadd.f32 v23, v50;
	[tilespmem:$0x119A0] =	vst v21  }
0xa3: {  	[tilespmem:$0x119C0] =	vst v52  }
0xa4: {  	[tilespmem:$0x119B0] =	vst v20  }
0xa5: {  	v20 =	vld [tilespmem:s25+$0x4CB0]  }
0xa6: {  	v21 =	vld [tilespmem:s25+$0xB0B0]  }
0xa7: {  	v53 =	vld [tilespmem:s25+$0x4CD0]  }
0xa8: {  	v54 =	vld [tilespmem:s25+$0xB0D0]  }
0xa9: {  	v55 =	vld [tilespmem:s25+$0x4CF0]  }
0xaa: {  	v56 =	vld [tilespmem:s25+$0xB0F0]  }
0xab: {  	v57 =	vld [tilespmem:s25+$0x4D10]  }
0xac: {  	v58 =	vld [tilespmem:s25+$0xB110]  }
0xad: {  	v59 =	vld [tilespmem:s25+$0x4CC0]  }
0xae: {  	v60 =	vld [tilespmem:s25+$0xB0C0]  }
0xaf: {  	v61 =	vld [tilespmem:s25+$0x4CE0]  }
0xb0: {  	v62 =	vld [tilespmem:s25+$0xB0E0]  }
0xb1: {  	v63 =	vld [tilespmem:s25+$0x4D00]  }
0xb2: {  	v36 =	vld [tilespmem:s25+$0xB100]  }
0xb3: {  	v38 =	vld [tilespmem:s25+$0x4D20]  }
0xb4: {  	v39 =	vld [tilespmem:s25+$0xB120]  }
0xb5: {  	v20 =	vadd.bf16 v21, v20  }
0xb6: {  	v37 =	vadd.bf16 v54, v53;
	v24 =	vadd.bf16 v56, v55  }
0xb7: {  	v40 =	vadd.bf16 v58, v57;
	v41 =	vadd.bf16 v60, v59  }
0xb8: {  	v42 =	vadd.bf16 v62, v61;
	v43 =	vadd.bf16 v36, v63  }
0xb9: {  	v22 =	vadd.bf16 v39, v38;
	v20 =	vmax.bf16 v20, v1;
	v21 =	vmax.bf16 v37, v1  }
0xba: {  	v24 =	vmax.bf16 v24, v1;
	v25 =	vmax.bf16 v40, v1;
	v26 =	vmax.bf16 v41, v1  }
0xbb: {  	v45 =	vmax.bf16 v42, v1;
	v20 =	vmul.bf16 v20, v18;
	v21 =	vmul.bf16 v21, v18  }
0xbc: {  	v46 =	vmax.bf16 v43, v1;
	v24 =	vmul.bf16 v24, v18;
	v44 =	vmul.bf16 v26, v19  }
0xbd: {  	v22 =	vmax.bf16 v22, v1;
	v26 =	vmul.bf16 v45, v19;
	v27 =	vmul.bf16 v46, v19  }
0xbe: {  	v25 =	vmul.bf16 v25, v18;
	v22 =	vmul.bf16 v22, v19;
	v20 =	vadd.bf16 v44, v20  }
0xbf: {  	v21 =	vadd.bf16 v26, v21;
	v47 =	vadd.bf16 v27, v24  }
0xc0: {  	v22 =	vadd.bf16 v22, v25;
	v48 =	vunpack.i.u.bf16.f32 v20;
	v20 =	vunpack.i.l.bf16.f32 v20  }
0xc1: {  	v49 =	vunpack.i.u.bf16.f32 v21;
	v21 =	vunpack.i.l.bf16.f32 v21;
	v20 =	vadd.f32 v20, v48  }
0xc2: {  	v51 =	vunpack.i.u.bf16.f32 v22;
	v22 =	vunpack.i.l.bf16.f32 v22;
	v21 =	vadd.f32 v21, v49  }
0xc3: {  	v50 =	vunpack.i.u.bf16.f32 v47;
	v23 =	vunpack.i.l.bf16.f32 v47;
	v52 =	vadd.f32 v22, v51;
	[tilespmem:$0x119D0] =	vst v20  }
0xc4: {  	v20 =	vadd.f32 v23, v50;
	[tilespmem:$0x119E0] =	vst v21  }
0xc5: {  	[tilespmem:$0x11A00] =	vst v52  }
0xc6: {  	[tilespmem:$0x119F0] =	vst v20  }
0xc7: {  	v20 =	vld [tilespmem:s25+$0x4D30]  }
0xc8: {  	v21 =	vld [tilespmem:s25+$0xB130]  }
0xc9: {  	v53 =	vld [tilespmem:s25+$0x4D50]  }
0xca: {  	v54 =	vld [tilespmem:s25+$0xB150]  }
0xcb: {  	v55 =	vld [tilespmem:s25+$0x4D70]  }
0xcc: {  	v56 =	vld [tilespmem:s25+$0xB170]  }
0xcd: {  	v57 =	vld [tilespmem:s25+$0x4D90]  }
0xce: {  	v58 =	vld [tilespmem:s25+$0xB190]  }
0xcf: {  	v59 =	vld [tilespmem:s25+$0x4D40]  }
0xd0: {  	v60 =	vld [tilespmem:s25+$0xB140]  }
0xd1: {  	v61 =	vld [tilespmem:s25+$0x4D60]  }
0xd2: {  	v62 =	vld [tilespmem:s25+$0xB160]  }
0xd3: {  	v63 =	vld [tilespmem:s25+$0x4D80]  }
0xd4: {  	v36 =	vld [tilespmem:s25+$0xB180]  }
0xd5: {  	v38 =	vld [tilespmem:s25+$0x4DA0]  }
0xd6: {  	v39 =	vld [tilespmem:s25+$0xB1A0]  }
0xd7: {  	v20 =	vadd.bf16 v21, v20  }
0xd8: {  	v37 =	vadd.bf16 v54, v53;
	v24 =	vadd.bf16 v56, v55  }
0xd9: {  	v40 =	vadd.bf16 v58, v57;
	v41 =	vadd.bf16 v60, v59  }
0xda: {  	v42 =	vadd.bf16 v62, v61;
	v43 =	vadd.bf16 v36, v63  }
0xdb: {  	v22 =	vadd.bf16 v39, v38;
	v20 =	vmax.bf16 v20, v1;
	v21 =	vmax.bf16 v37, v1  }
0xdc: {  	v24 =	vmax.bf16 v24, v1;
	v25 =	vmax.bf16 v40, v1;
	v26 =	vmax.bf16 v41, v1  }
0xdd: {  	v45 =	vmax.bf16 v42, v1;
	v20 =	vmul.bf16 v20, v18;
	v21 =	vmul.bf16 v21, v18  }
0xde: {  	v46 =	vmax.bf16 v43, v1;
	v24 =	vmul.bf16 v24, v18;
	v44 =	vmul.bf16 v26, v19  }
0xdf: {  	v22 =	vmax.bf16 v22, v1;
	v26 =	vmul.bf16 v45, v19;
	v27 =	vmul.bf16 v46, v19  }
0xe0: {  	v25 =	vmul.bf16 v25, v18;
	v22 =	vmul.bf16 v22, v19;
	v20 =	vadd.bf16 v44, v20  }
0xe1: {  	v21 =	vadd.bf16 v26, v21;
	v47 =	vadd.bf16 v27, v24  }
0xe2: {  	v22 =	vadd.bf16 v22, v25;
	v48 =	vunpack.i.u.bf16.f32 v20;
	v20 =	vunpack.i.l.bf16.f32 v20  }
0xe3: {  	v49 =	vunpack.i.u.bf16.f32 v21;
	v21 =	vunpack.i.l.bf16.f32 v21;
	v20 =	vadd.f32 v20, v48  }
0xe4: {  	v51 =	vunpack.i.u.bf16.f32 v22;
	v22 =	vunpack.i.l.bf16.f32 v22;
	v21 =	vadd.f32 v21, v49  }
0xe5: {  	v50 =	vunpack.i.u.bf16.f32 v47;
	v23 =	vunpack.i.l.bf16.f32 v47;
	v52 =	vadd.f32 v22, v51;
	[tilespmem:$0x11A10] =	vst v20  }
0xe6: {  	v20 =	vadd.f32 v23, v50;
	[tilespmem:$0x11A20] =	vst v21  }
0xe7: {  	[tilespmem:$0x11A40] =	vst v52  }
0xe8: {  	[tilespmem:$0x11A30] =	vst v20  }
0xe9: {  	v20 =	vld [tilespmem:s25+$0x4DB0]  }
0xea: {  	v21 =	vld [tilespmem:s25+$0xB1B0]  }
0xeb: {  	v53 =	vld [tilespmem:s25+$0x4DD0]  }
0xec: {  	v54 =	vld [tilespmem:s25+$0xB1D0]  }
0xed: {  	v55 =	vld [tilespmem:s25+$0x4DF0]  }
0xee: {  	v56 =	vld [tilespmem:s25+$0xB1F0]  }
0xef: {  	v57 =	vld [tilespmem:s25+$0x4E10]  }
0xf0: {  	v58 =	vld [tilespmem:s25+$0xB210]  }
0xf1: {  	v59 =	vld [tilespmem:s25+$0x4DC0]  }
0xf2: {  	v60 =	vld [tilespmem:s25+$0xB1C0]  }
0xf3: {  	v61 =	vld [tilespmem:s25+$0x4DE0]  }
0xf4: {  	v62 =	vld [tilespmem:s25+$0xB1E0]  }
0xf5: {  	v63 =	vld [tilespmem:s25+$0x4E00]  }
0xf6: {  	v36 =	vld [tilespmem:s25+$0xB200]  }
0xf7: {  	v34 =	vld [tilespmem:s25+$0x4E20]  }
0xf8: {  	v35 =	vld [tilespmem:s25+$0xB220]  }
0xf9: {  	v20 =	vadd.bf16 v21, v20  }
0xfa: {  	v37 =	vadd.bf16 v54, v53;
	v38 =	vadd.bf16 v56, v55  }
0xfb: {  	v39 =	vadd.bf16 v58, v57;
	v40 =	vadd.bf16 v60, v59  }
0xfc: {  	v41 =	vadd.bf16 v62, v61;
	v42 =	vadd.bf16 v36, v63  }
0xfd: {  	v43 =	vadd.bf16 v35, v34;
	v20 =	vmax.bf16 v20, v1;
	v21 =	vmax.bf16 v37, v1  }
0xfe: {  	v22 =	vmax.bf16 v38, v1;
	v23 =	vmax.bf16 v39, v1;
	v24 =	vmax.bf16 v40, v1  }
0xff: {  	v25 =	vmax.bf16 v41, v1;
	v20 =	vmul.bf16 v20, v18;
	v21 =	vmul.bf16 v21, v18  }
0x100: {  	v26 =	vmax.bf16 v42, v1;
	v22 =	vmul.bf16 v22, v18;
	v24 =	vmul.bf16 v24, v19  }
0x101: {  	v27 =	vmax.bf16 v43, v1;
	v25 =	vmul.bf16 v25, v19;
	v26 =	vmul.bf16 v26, v19  }
0x102: {  	v23 =	vmul.bf16 v23, v18;
	v44 =	vmul.bf16 v27, v19;
	v20 =	vadd.bf16 v24, v20  }
0x103: {  	v21 =	vadd.bf16 v25, v21;
	v22 =	vadd.bf16 v26, v22  }
0x104: {  	v23 =	vadd.bf16 v44, v23;
	v45 =	vunpack.i.u.bf16.f32 v20;
	v20 =	vunpack.i.l.bf16.f32 v20  }
0x105: {  	v46 =	vunpack.i.u.bf16.f32 v21;
	v21 =	vunpack.i.l.bf16.f32 v21;
	v20 =	vadd.f32 v20, v45  }
0x106: {  	v48 =	vunpack.i.u.bf16.f32 v23;
	v23 =	vunpack.i.l.bf16.f32 v23;
	v21 =	vadd.f32 v21, v46  }
0x107: {  	v47 =	vunpack.i.u.bf16.f32 v22;
	v22 =	vunpack.i.l.bf16.f32 v22;
	v49 =	vadd.f32 v23, v48;
	[tilespmem:$0x11A50] =	vst v20  }
0x108: {  	v20 =	vadd.f32 v22, v47;
	[tilespmem:$0x11A60] =	vst v21  }
0x109: {  	[tilespmem:$0x11A80] =	vst v49  }
0x10a: {  	[tilespmem:$0x11A70] =	vst v20  }
0x10b: {  	v20 =	vld.idx.msk [tilespmem:v0+s14+$0x0], $0xffff;
	_ =	sdelay $0x1  }
0x10c: {  	v21 =	vld.idx.msk [tilespmem:v2+s14+$0x0], $0xffff;
	_ =	sdelay $0x1  }
0x10d: {  	v50 =	vld.idx.msk [tilespmem:v3+s14+$0x0], $0xffff  }
0x10e: {  	v20 =	vadd.f32 v20, v17  }
0x10f: {  	v51 =	vld.idx.msk [tilespmem:v4+s14+$0x0], $0xffff  }
0x110: {  	v20 =	vadd.f32 v21, v20  }
0x111: {  	v52 =	vld.idx.msk [tilespmem:v5+s14+$0x0], $0xffff  }
0x112: {  	v20 =	vadd.f32 v50, v20  }
0x113: {  	v53 =	vld.idx.msk [tilespmem:v6+s14+$0x0], $0xffff  }
0x114: {  	v20 =	vadd.f32 v51, v20  }
0x115: {  	v54 =	vld.idx.msk [tilespmem:v7+s14+$0x0], $0xffff  }
0x116: {  	v20 =	vadd.f32 v52, v20  }
0x117: {  	v55 =	vld.idx.msk [tilespmem:v8+s14+$0x0], $0xffff  }
0x118: {  	v20 =	vadd.f32 v53, v20  }
0x119: {  	v56 =	vld.idx.msk [tilespmem:v9+s14+$0x0], $0xffff  }
0x11a: {  	v20 =	vadd.f32 v54, v20  }
0x11b: {  	v57 =	vld.idx.msk [tilespmem:v10+s14+$0x0], $0xffff  }
0x11c: {  	v20 =	vadd.f32 v55, v20  }
0x11d: {  	v58 =	vld.idx.msk [tilespmem:v11+s14+$0x0], $0xffff  }
0x11e: {  	v20 =	vadd.f32 v56, v20  }
0x11f: {  	v59 =	vld.idx.msk [tilespmem:v12+s14+$0x0], $0xffff  }
0x120: {  	v20 =	vadd.f32 v57, v20  }
0x121: {  	v60 =	vld.idx.msk [tilespmem:v13+s14+$0x0], $0xffff  }
0x122: {  	v20 =	vadd.f32 v58, v20  }
0x123: {  	v61 =	vld.idx.msk [tilespmem:v14+s14+$0x0], $0xffff  }
0x124: {  	v20 =	vadd.f32 v59, v20  }
0x125: {  	v62 =	vld.idx.msk [tilespmem:v15+s14+$0x0], $0xffff  }
0x126: {  	v20 =	vadd.f32 v60, v20  }
0x127: {  	v63 =	vld.idx.msk [tilespmem:v16+s14+$0x0], $0xffff  }
0x128: {  	v20 =	vadd.f32 v61, v20  }
0x129: {  	p1 =	sne.s32 s20, $0xC7C0  }
.Ltmp0:
0x12a: {  	v20 =	vadd.f32 v62, v20;
	(pc) =	sbr.rel @p1 .LBB2_3-.Ltmp0, $3  }
0x12b: {  	_ = 	snop  }
0x12c: {  	v20 =	vadd.f32 v63, v20;
	_ =	sdelay $0x1  }
0x12d: {  	s20 =	sadd.s32 $0x800, s20;
	[tilespmem:s21+$0x0] =	vst v20;
	s21 =	sadd.s32 $0x10, s21  }
0x12e: {  	s20 =	smul.u32 $0x320, s30;
	_ =	sdelay $0x1  }
0x12f: {  	s20 =	sadd.s32 s7, s20  }
0x130: {  	s18 =	smin.u32 s18, $0x16;
	s20 =	sshrl.u32 s20, $0x3  }
0x131: {  	s18 =	smul.u32 $0x190, s18;
	s20 =	sadd.s32 s6, s20  }
0x132: {  	[hbm4b:s20+s4] =	stream.linear.scatter [tilespmem:s16], [sflag:$0x3], $0x190, $0x38;
	[tilespmem:$0x1B6D0] =	vst v63  }
0x133: {  	s21 =	simm.s32 $0x4E20;
	s25 =	sadd.s32 $0x320, s18  }
0x134: {  	[tilespmem:s21], [sflag:$0x1] =	stream.indirect.gather [spmem:s2], $0x20, s25, s19, $0xb8;
	[tilespmem:$0x1B6D0] =	vst v63  }
0x135: {  	s21 =	sadd.s32 $0x2A30, s18;
	s25 =	simm.s32 $0xB220  }
0x136: {  	[tilespmem:s25], [sflag:$0x1] =	stream.indirect.gather [spmem:s3], $0x20, s21, s19, $0xb8;
	[tilespmem:$0x1B6D0] =	vst v63  }
0x137: {  	s25 =	sadd.s32 $0x370, s18  }
0x138: {  	[tilespmem:s22], [sflag:$0x1] =	stream.indirect.gather [spmem:s2], $0x20, s25, s19, $0xb8;
	[tilespmem:$0x1B6D0] =	vst v63  }
0x139: {  	s21 =	sadd.s32 $0x2A80, s18  }
0x13a: {  	[tilespmem:s24], [sflag:$0x1] =	stream.indirect.gather [spmem:s3], $0x20, s21, s19, $0xb8;
	[tilespmem:$0x1B6D0] =	vst v63  }
0x13b: {  	s25 =	sadd.s32 $0x3C0, s18  }
0x13c: {  	[tilespmem:s26], [sflag:$0x1] =	stream.indirect.gather [spmem:s2], $0x20, s25, s19, $0xb8;
	[tilespmem:$0x1B6D0] =	vst v63  }
0x13d: {  	s21 =	sadd.s32 $0x2AD0, s18  }
0x13e: {  	[tilespmem:s29], [sflag:$0x1] =	stream.indirect.gather [spmem:s3], $0x20, s21, s19, $0xb8;
	[tilespmem:$0x1B6D0] =	vst v63  }
0x13f: {  	s25 =	sadd.s32 $0x410, s18  }
0x140: {  	[tilespmem:s31], [sflag:$0x1] =	stream.indirect.gather [spmem:s2], $0x20, s25, s19, $0xb8;
	[tilespmem:$0x1B6D0] =	vst v63  }
0x141: {  	s21 =	sadd.s32 $0x2B20, s18  }
0x142: {  	[tilespmem:s0], [sflag:$0x1] =	stream.indirect.gather [spmem:s3], $0x20, s21, s19, $0xb8;
	[tilespmem:$0x1B6D0] =	vst v63  }
0x143: {  	s25 =	sadd.s32 $0x460, s18  }
0x144: {  	[tilespmem:s23], [sflag:$0x1] =	stream.indirect.gather [spmem:s2], $0x20, s25, s19, $0xb8;
	[tilespmem:$0x1B6D0] =	vst v63  }
0x145: {  	s18 =	sadd.s32 $0x2B70, s18  }
0x146: {  	[tilespmem:s28], [sflag:$0x1] =	stream.indirect.gather [spmem:s3], $0x20, s18, s19, $0xb8;
	[tilespmem:$0x1B6D0] =	vst v63  }
0x147: {  	_ =	swait.ge [sflag:s9], $0xA00  }
0x148: {  	[sflag:s9] =	ssyncset.done $0x0  }
0x149: {  	[sflag:s9] =	ssyncadd.s32 $0xFFFFF600  }
0x14a: {  	_ =	swait.ge [sflag:s9], $0xA00  }
0x14b: {  	[sflag:s9] =	ssyncset.done $0x0  }
0x14c: {  	[sflag:s9] =	ssyncadd.s32 $0xFFFFF600  }
0x14d: {  	_ =	swait.ge [sflag:s9], $0xA00  }
0x14e: {  	[sflag:s9] =	ssyncset.done $0x0  }
0x14f: {  	[sflag:s9] =	ssyncadd.s32 $0xFFFFF600  }
0x150: {  	_ =	swait.ge [sflag:s9], $0xA00  }
0x151: {  	[sflag:s9] =	ssyncset.done $0x0  }
0x152: {  	[sflag:s9] =	ssyncadd.s32 $0xFFFFF600  }
0x153: {  	_ =	swait.ge [sflag:s9], $0xA00  }
0x154: {  	[sflag:s9] =	ssyncset.done $0x0  }
0x155: {  	[sflag:s9] =	ssyncadd.s32 $0xFFFFF600  }
0x156: {  	_ =	swait.ge [sflag:s9], $0xA00  }
0x157: {  	[sflag:s9] =	ssyncset.done $0x0  }
0x158: {  	[sflag:s9] =	ssyncadd.s32 $0xFFFFF600  }
0x159: {  	_ =	swait.ge [sflag:s9], $0xA00  }
0x15a: {  	[sflag:s9] =	ssyncset.done $0x0  }
0x15b: {  	[sflag:s9] =	ssyncadd.s32 $0xFFFFF600  }
0x15c: {  	_ =	swait.ge [sflag:s9], $0xA00  }
0x15d: {  	[sflag:s9] =	ssyncset.done $0x0  }
0x15e: {  	[sflag:s9] =	ssyncadd.s32 $0xFFFFF600  }
0x15f: {  	_ =	swait.ge [sflag:s9], $0xA00  }
0x160: {  	[sflag:s9] =	ssyncset.done $0x0  }
0x161: {  	[sflag:s9] =	ssyncadd.s32 $0xFFFFF600  }
0x162: {  	_ =	swait.ge [sflag:s9], $0xA00  }
0x163: {  	[sflag:s9] =	ssyncset.done $0x0  }
0x164: {  	s18 =	simm.s32 @!p0 $0x4;
	[sflag:s9] =	ssyncadd.s32 $0xFFFFF600  }
0x165: {  	_ =	swait.ge @!p0 [sflag:s18], $0x190  }
0x166: {  	[sflag:s18] =	ssyncset.done @!p0 $0x0  }
0x167: {  	s20 =	simm.s32 $0x117B0;
	[sflag:s18] =	ssyncadd.s32 @!p0 $0xFFFFFE70;
	s18 =	simm.s32 $0x0  }
.LBB2_5:
0x168: {  	s21 =	sshra.s32 s18, $0x2  }
0x169: {  	v20 =	vld [tilespmem:s21+$0x8020]  }
0x16a: {  	v21 =	vld [tilespmem:s21+$0xE420]  }
0x16b: {  	v22 =	vld [tilespmem:s21+$0x8040]  }
0x16c: {  	v23 =	vld [tilespmem:s21+$0xE440]  }
0x16d: {  	v24 =	vld [tilespmem:s21+$0x8060]  }
0x16e: {  	v25 =	vld [tilespmem:s21+$0xE460]  }
0x16f: {  	v26 =	vld [tilespmem:s21+$0x8080]  }
0x170: {  	v27 =	vld [tilespmem:s21+$0xE480]  }
0x171: {  	v28 =	vld [tilespmem:s21+$0x8030]  }
0x172: {  	v29 =	vld [tilespmem:s21+$0xE430]  }
0x173: {  	v30 =	vld [tilespmem:s21+$0x8050]  }
0x174: {  	v31 =	vld [tilespmem:s21+$0xE450]  }
0x175: {  	v32 =	vld [tilespmem:s21+$0x8070]  }
0x176: {  	v33 =	vld [tilespmem:s21+$0xE470]  }
0x177: {  	v38 =	vld [tilespmem:s21+$0x8090]  }
0x178: {  	v39 =	vld [tilespmem:s21+$0xE490]  }
0x179: {  	v20 =	vadd.bf16 v21, v20  }
0x17a: {  	v37 =	vadd.bf16 v23, v22;
	v24 =	vadd.bf16 v25, v24  }
0x17b: {  	v40 =	vadd.bf16 v27, v26;
	v41 =	vadd.bf16 v29, v28  }
0x17c: {  	v42 =	vadd.bf16 v31, v30;
	v43 =	vadd.bf16 v33, v32  }
0x17d: {  	v22 =	vadd.bf16 v39, v38;
	v20 =	vmax.bf16 v20, v1;
	v21 =	vmax.bf16 v37, v1  }
0x17e: {  	v24 =	vmax.bf16 v24, v1;
	v25 =	vmax.bf16 v40, v1;
	v26 =	vmax.bf16 v41, v1  }
0x17f: {  	v45 =	vmax.bf16 v42, v1;
	v20 =	vmul.bf16 v20, v18;
	v21 =	vmul.bf16 v21, v18  }
0x180: {  	v46 =	vmax.bf16 v43, v1;
	v24 =	vmul.bf16 v24, v18;
	v44 =	vmul.bf16 v26, v19  }
0x181: {  	v22 =	vmax.bf16 v22, v1;
	v26 =	vmul.bf16 v45, v19;
	v27 =	vmul.bf16 v46, v19  }
0x182: {  	v25 =	vmul.bf16 v25, v18;
	v22 =	vmul.bf16 v22, v19;
	v20 =	vadd.bf16 v44, v20  }
0x183: {  	v21 =	vadd.bf16 v26, v21;
	v47 =	vadd.bf16 v27, v24  }
0x184: {  	v22 =	vadd.bf16 v22, v25;
	v48 =	vunpack.i.u.bf16.f32 v20;
	v20 =	vunpack.i.l.bf16.f32 v20  }
0x185: {  	v49 =	vunpack.i.u.bf16.f32 v21;
	v21 =	vunpack.i.l.bf16.f32 v21;
	v20 =	vadd.f32 v20, v48  }
0x186: {  	v51 =	vunpack.i.u.bf16.f32 v22;
	v22 =	vunpack.i.l.bf16.f32 v22;
	v21 =	vadd.f32 v21, v49  }
0x187: {  	v50 =	vunpack.i.u.bf16.f32 v47;
	v23 =	vunpack.i.l.bf16.f32 v47;
	v52 =	vadd.f32 v22, v51;
	[tilespmem:$0x11990] =	vst v20  }
0x188: {  	v20 =	vadd.f32 v23, v50;
	[tilespmem:$0x119A0] =	vst v21  }
0x189: {  	[tilespmem:$0x119C0] =	vst v52  }
0x18a: {  	[tilespmem:$0x119B0] =	vst v20  }
0x18b: {  	v20 =	vld [tilespmem:s21+$0x80A0]  }
0x18c: {  	v21 =	vld [tilespmem:s21+$0xE4A0]  }
0x18d: {  	v53 =	vld [tilespmem:s21+$0x80C0]  }
0x18e: {  	v54 =	vld [tilespmem:s21+$0xE4C0]  }
0x18f: {  	v55 =	vld [tilespmem:s21+$0x80E0]  }
0x190: {  	v56 =	vld [tilespmem:s21+$0xE4E0]  }
0x191: {  	v57 =	vld [tilespmem:s21+$0x8100]  }
0x192: {  	v58 =	vld [tilespmem:s21+$0xE500]  }
0x193: {  	v59 =	vld [tilespmem:s21+$0x80B0]  }
0x194: {  	v60 =	vld [tilespmem:s21+$0xE4B0]  }
0x195: {  	v61 =	vld [tilespmem:s21+$0x80D0]  }
0x196: {  	v62 =	vld [tilespmem:s21+$0xE4D0]  }
0x197: {  	v63 =	vld [tilespmem:s21+$0x80F0]  }
0x198: {  	v36 =	vld [tilespmem:s21+$0xE4F0]  }
0x199: {  	v38 =	vld [tilespmem:s21+$0x8110]  }
0x19a: {  	v39 =	vld [tilespmem:s21+$0xE510]  }
0x19b: {  	v20 =	vadd.bf16 v21, v20  }
0x19c: {  	v37 =	vadd.bf16 v54, v53;
	v24 =	vadd.bf16 v56, v55  }
0x19d: {  	v40 =	vadd.bf16 v58, v57;
	v41 =	vadd.bf16 v60, v59  }
0x19e: {  	v42 =	vadd.bf16 v62, v61;
	v43 =	vadd.bf16 v36, v63  }
0x19f: {  	v22 =	vadd.bf16 v39, v38;
	v20 =	vmax.bf16 v20, v1;
	v21 =	vmax.bf16 v37, v1  }
0x1a0: {  	v24 =	vmax.bf16 v24, v1;
	v25 =	vmax.bf16 v40, v1;
	v26 =	vmax.bf16 v41, v1  }
0x1a1: {  	v45 =	vmax.bf16 v42, v1;
	v20 =	vmul.bf16 v20, v18;
	v21 =	vmul.bf16 v21, v18  }
0x1a2: {  	v46 =	vmax.bf16 v43, v1;
	v24 =	vmul.bf16 v24, v18;
	v44 =	vmul.bf16 v26, v19  }
0x1a3: {  	v22 =	vmax.bf16 v22, v1;
	v26 =	vmul.bf16 v45, v19;
	v27 =	vmul.bf16 v46, v19  }
0x1a4: {  	v25 =	vmul.bf16 v25, v18;
	v22 =	vmul.bf16 v22, v19;
	v20 =	vadd.bf16 v44, v20  }
0x1a5: {  	v21 =	vadd.bf16 v26, v21;
	v47 =	vadd.bf16 v27, v24  }
0x1a6: {  	v22 =	vadd.bf16 v22, v25;
	v48 =	vunpack.i.u.bf16.f32 v20;
	v20 =	vunpack.i.l.bf16.f32 v20  }
0x1a7: {  	v49 =	vunpack.i.u.bf16.f32 v21;
	v21 =	vunpack.i.l.bf16.f32 v21;
	v20 =	vadd.f32 v20, v48  }
0x1a8: {  	v51 =	vunpack.i.u.bf16.f32 v22;
	v22 =	vunpack.i.l.bf16.f32 v22;
	v21 =	vadd.f32 v21, v49  }
0x1a9: {  	v50 =	vunpack.i.u.bf16.f32 v47;
	v23 =	vunpack.i.l.bf16.f32 v47;
	v52 =	vadd.f32 v22, v51;
	[tilespmem:$0x119D0] =	vst v20  }
0x1aa: {  	v20 =	vadd.f32 v23, v50;
	[tilespmem:$0x119E0] =	vst v21  }
0x1ab: {  	[tilespmem:$0x11A00] =	vst v52  }
0x1ac: {  	[tilespmem:$0x119F0] =	vst v20  }
0x1ad: {  	v20 =	vld [tilespmem:s21+$0x8120]  }
0x1ae: {  	v21 =	vld [tilespmem:s21+$0xE520]  }
0x1af: {  	v53 =	vld [tilespmem:s21+$0x8140]  }
0x1b0: {  	v54 =	vld [tilespmem:s21+$0xE540]  }
0x1b1: {  	v55 =	vld [tilespmem:s21+$0x8160]  }
0x1b2: {  	v56 =	vld [tilespmem:s21+$0xE560]  }
0x1b3: {  	v57 =	vld [tilespmem:s21+$0x8180]  }
0x1b4: {  	v58 =	vld [tilespmem:s21+$0xE580]  }
0x1b5: {  	v59 =	vld [tilespmem:s21+$0x8130]  }
0x1b6: {  	v60 =	vld [tilespmem:s21+$0xE530]  }
0x1b7: {  	v61 =	vld [tilespmem:s21+$0x8150]  }
0x1b8: {  	v62 =	vld [tilespmem:s21+$0xE550]  }
0x1b9: {  	v63 =	vld [tilespmem:s21+$0x8170]  }
0x1ba: {  	v36 =	vld [tilespmem:s21+$0xE570]  }
0x1bb: {  	v38 =	vld [tilespmem:s21+$0x8190]  }
0x1bc: {  	v39 =	vld [tilespmem:s21+$0xE590]  }
0x1bd: {  	v20 =	vadd.bf16 v21, v20  }
0x1be: {  	v37 =	vadd.bf16 v54, v53;
	v24 =	vadd.bf16 v56, v55  }
0x1bf: {  	v40 =	vadd.bf16 v58, v57;
	v41 =	vadd.bf16 v60, v59  }
0x1c0: {  	v42 =	vadd.bf16 v62, v61;
	v43 =	vadd.bf16 v36, v63  }
0x1c1: {  	v22 =	vadd.bf16 v39, v38;
	v20 =	vmax.bf16 v20, v1;
	v21 =	vmax.bf16 v37, v1  }
0x1c2: {  	v24 =	vmax.bf16 v24, v1;
	v25 =	vmax.bf16 v40, v1;
	v26 =	vmax.bf16 v41, v1  }
0x1c3: {  	v45 =	vmax.bf16 v42, v1;
	v20 =	vmul.bf16 v20, v18;
	v21 =	vmul.bf16 v21, v18  }
0x1c4: {  	v46 =	vmax.bf16 v43, v1;
	v24 =	vmul.bf16 v24, v18;
	v44 =	vmul.bf16 v26, v19  }
0x1c5: {  	v22 =	vmax.bf16 v22, v1;
	v26 =	vmul.bf16 v45, v19;
	v27 =	vmul.bf16 v46, v19  }
0x1c6: {  	v25 =	vmul.bf16 v25, v18;
	v22 =	vmul.bf16 v22, v19;
	v20 =	vadd.bf16 v44, v20  }
0x1c7: {  	v21 =	vadd.bf16 v26, v21;
	v47 =	vadd.bf16 v27, v24  }
0x1c8: {  	v22 =	vadd.bf16 v22, v25;
	v48 =	vunpack.i.u.bf16.f32 v20;
	v20 =	vunpack.i.l.bf16.f32 v20  }
0x1c9: {  	v49 =	vunpack.i.u.bf16.f32 v21;
	v21 =	vunpack.i.l.bf16.f32 v21;
	v20 =	vadd.f32 v20, v48  }
0x1ca: {  	v51 =	vunpack.i.u.bf16.f32 v22;
	v22 =	vunpack.i.l.bf16.f32 v22;
	v21 =	vadd.f32 v21, v49  }
0x1cb: {  	v50 =	vunpack.i.u.bf16.f32 v47;
	v23 =	vunpack.i.l.bf16.f32 v47;
	v52 =	vadd.f32 v22, v51;
	[tilespmem:$0x11A10] =	vst v20  }
0x1cc: {  	v20 =	vadd.f32 v23, v50;
	[tilespmem:$0x11A20] =	vst v21  }
0x1cd: {  	[tilespmem:$0x11A40] =	vst v52  }
0x1ce: {  	[tilespmem:$0x11A30] =	vst v20  }
0x1cf: {  	v20 =	vld [tilespmem:s21+$0x81A0]  }
0x1d0: {  	v21 =	vld [tilespmem:s21+$0xE5A0]  }
0x1d1: {  	v53 =	vld [tilespmem:s21+$0x81C0]  }
0x1d2: {  	v54 =	vld [tilespmem:s21+$0xE5C0]  }
0x1d3: {  	v55 =	vld [tilespmem:s21+$0x81E0]  }
0x1d4: {  	v56 =	vld [tilespmem:s21+$0xE5E0]  }
0x1d5: {  	v57 =	vld [tilespmem:s21+$0x8200]  }
0x1d6: {  	v58 =	vld [tilespmem:s21+$0xE600]  }
0x1d7: {  	v59 =	vld [tilespmem:s21+$0x81B0]  }
0x1d8: {  	v60 =	vld [tilespmem:s21+$0xE5B0]  }
0x1d9: {  	v61 =	vld [tilespmem:s21+$0x81D0]  }
0x1da: {  	v62 =	vld [tilespmem:s21+$0xE5D0]  }
0x1db: {  	v63 =	vld [tilespmem:s21+$0x81F0]  }
0x1dc: {  	v36 =	vld [tilespmem:s21+$0xE5F0]  }
0x1dd: {  	v34 =	vld [tilespmem:s21+$0x8210]  }
0x1de: {  	v35 =	vld [tilespmem:s21+$0xE610]  }
0x1df: {  	v20 =	vadd.bf16 v21, v20  }
0x1e0: {  	v37 =	vadd.bf16 v54, v53;
	v38 =	vadd.bf16 v56, v55  }
0x1e1: {  	v39 =	vadd.bf16 v58, v57;
	v40 =	vadd.bf16 v60, v59  }
0x1e2: {  	v41 =	vadd.bf16 v62, v61;
	v42 =	vadd.bf16 v36, v63  }
0x1e3: {  	v43 =	vadd.bf16 v35, v34;
	v20 =	vmax.bf16 v20, v1;
	v21 =	vmax.bf16 v37, v1  }
0x1e4: {  	v22 =	vmax.bf16 v38, v1;
	v23 =	vmax.bf16 v39, v1;
	v24 =	vmax.bf16 v40, v1  }
0x1e5: {  	v25 =	vmax.bf16 v41, v1;
	v20 =	vmul.bf16 v20, v18;
	v21 =	vmul.bf16 v21, v18  }
0x1e6: {  	v26 =	vmax.bf16 v42, v1;
	v22 =	vmul.bf16 v22, v18;
	v24 =	vmul.bf16 v24, v19  }
0x1e7: {  	v27 =	vmax.bf16 v43, v1;
	v25 =	vmul.bf16 v25, v19;
	v26 =	vmul.bf16 v26, v19  }
0x1e8: {  	v23 =	vmul.bf16 v23, v18;
	v44 =	vmul.bf16 v27, v19;
	v20 =	vadd.bf16 v24, v20  }
0x1e9: {  	v21 =	vadd.bf16 v25, v21;
	v22 =	vadd.bf16 v26, v22  }
0x1ea: {  	v23 =	vadd.bf16 v44, v23;
	v45 =	vunpack.i.u.bf16.f32 v20;
	v20 =	vunpack.i.l.bf16.f32 v20  }
0x1eb: {  	v46 =	vunpack.i.u.bf16.f32 v21;
	v21 =	vunpack.i.l.bf16.f32 v21;
	v20 =	vadd.f32 v20, v45  }
0x1ec: {  	v48 =	vunpack.i.u.bf16.f32 v23;
	v23 =	vunpack.i.l.bf16.f32 v23;
	v21 =	vadd.f32 v21, v46  }
0x1ed: {  	v47 =	vunpack.i.u.bf16.f32 v22;
	v22 =	vunpack.i.l.bf16.f32 v22;
	v49 =	vadd.f32 v23, v48;
	[tilespmem:$0x11A50] =	vst v20  }
0x1ee: {  	v20 =	vadd.f32 v22, v47;
	[tilespmem:$0x11A60] =	vst v21  }
0x1ef: {  	[tilespmem:$0x11A80] =	vst v49  }
0x1f0: {  	[tilespmem:$0x11A70] =	vst v20  }
0x1f1: {  	v20 =	vld.idx.msk [tilespmem:v0+s14+$0x0], $0xffff;
	_ =	sdelay $0x1  }
0x1f2: {  	v21 =	vld.idx.msk [tilespmem:v2+s14+$0x0], $0xffff;
	_ =	sdelay $0x1  }
0x1f3: {  	v50 =	vld.idx.msk [tilespmem:v3+s14+$0x0], $0xffff  }
0x1f4: {  	v20 =	vadd.f32 v20, v17  }
0x1f5: {  	v51 =	vld.idx.msk [tilespmem:v4+s14+$0x0], $0xffff  }
0x1f6: {  	v20 =	vadd.f32 v21, v20  }
0x1f7: {  	v52 =	vld.idx.msk [tilespmem:v5+s14+$0x0], $0xffff  }
0x1f8: {  	v20 =	vadd.f32 v50, v20  }
0x1f9: {  	v53 =	vld.idx.msk [tilespmem:v6+s14+$0x0], $0xffff  }
0x1fa: {  	v20 =	vadd.f32 v51, v20  }
0x1fb: {  	v54 =	vld.idx.msk [tilespmem:v7+s14+$0x0], $0xffff  }
0x1fc: {  	v20 =	vadd.f32 v52, v20  }
0x1fd: {  	v55 =	vld.idx.msk [tilespmem:v8+s14+$0x0], $0xffff  }
0x1fe: {  	v20 =	vadd.f32 v53, v20  }
0x1ff: {  	v56 =	vld.idx.msk [tilespmem:v9+s14+$0x0], $0xffff  }
0x200: {  	v20 =	vadd.f32 v54, v20  }
0x201: {  	v57 =	vld.idx.msk [tilespmem:v10+s14+$0x0], $0xffff  }
0x202: {  	v20 =	vadd.f32 v55, v20  }
0x203: {  	v58 =	vld.idx.msk [tilespmem:v11+s14+$0x0], $0xffff  }
0x204: {  	v20 =	vadd.f32 v56, v20  }
0x205: {  	v59 =	vld.idx.msk [tilespmem:v12+s14+$0x0], $0xffff  }
0x206: {  	v20 =	vadd.f32 v57, v20  }
0x207: {  	v60 =	vld.idx.msk [tilespmem:v13+s14+$0x0], $0xffff  }
0x208: {  	v20 =	vadd.f32 v58, v20  }
0x209: {  	v61 =	vld.idx.msk [tilespmem:v14+s14+$0x0], $0xffff  }
0x20a: {  	v20 =	vadd.f32 v59, v20  }
0x20b: {  	v62 =	vld.idx.msk [tilespmem:v15+s14+$0x0], $0xffff  }
0x20c: {  	v20 =	vadd.f32 v60, v20  }
0x20d: {  	v63 =	vld.idx.msk [tilespmem:v16+s14+$0x0], $0xffff  }
0x20e: {  	v20 =	vadd.f32 v61, v20  }
0x20f: {  	p0 =	sne.s32 s18, $0xC000  }
.Ltmp1:
0x210: {  	v20 =	vadd.f32 v62, v20;
	(pc) =	sbr.rel @p0 .LBB2_5-.Ltmp1, $3  }
0x211: {  	_ = 	snop  }
0x212: {  	v20 =	vadd.f32 v63, v20;
	_ =	sdelay $0x1  }
0x213: {  	s18 =	sadd.s32 $0x800, s18;
	[tilespmem:s20+$0x0] =	vst v20;
	s20 =	sadd.s32 $0x10, s20  }
0x214: {  	s30 =	sadd.s32 $0x1, s30  }
0x215: {  	p0 =	sne.s32 s30, $0xD  }
.Ltmp2:
0x216: {  	_ = 	snop;
	(pc) =	sbr.rel @p0 .LBB2_2-.Ltmp2, $4  }
0x217: {  	s1 =	sadd.s32 s7, s1  }
0x218: {  	s1 =	sshrl.u32 s1, $0x3  }
0x219: {  	s1 =	sadd.s32 s6, s1  }
0x21a: {  	[hbm4b:s1+s4] =	stream.linear.scatter [tilespmem:s15], [sflag:$0x4], $0x190, $0x38;
	[tilespmem:$0x1B6D0] =	vst v63  }
0x21b: {  	s1 =	simm.s32 $0x3  }
0x21c: {  	_ =	swait.ge [sflag:s1], $0x190  }
0x21d: {  	[sflag:s1] =	ssyncset.done $0x0  }
0x21e: {  	s18 =	simm.s32 $0x4;
	[sflag:s1] =	ssyncadd.s32 $0xFFFFFE70  }
0x21f: {  	_ =	swait.ge [sflag:s18], $0x190  }
0x220: {  	s20 =	rddreg [dreg:$0x10]  }
0x221: {  	s30 =	rddreg [dreg:$0xd];
	s20 =	sadd.s32 $0x1, s20  }
0x222: {  	p0 =	sne.s32 s20, s30  }
.Ltmp3:
0x223: {  	_ = 	snop;
	(pc) =	sbr.rel @p0 .LBB2_1-.Ltmp3, $3  }
0x224: {  	_ =	sdelay $0x1  }
0x225: {  	[sflag:s18] =	ssyncset.done $0x0  }
0x226: {  	[sflag:s18] =	ssyncadd.s32 $0xFFFFFE70  }
0x227: {  	_ =	sfence.sel $0x180000  }
0x228: {  	[bflag:$0x0] =	sbarrier.arrive $0xFFFF  }
0x229: {  	_ =	strace $0x90000047  }
0x22a: {  	s0 =	stileid.u32;
	[bflag:$0x2] =	sbarrier.arrive $0xFFFF  }
0x22b: {  	p0 =	sne.s32 s0, $0x0;
	s0 =	rddreg [dreg:$0x6]  }
0x22c: {  	s0 =	sadd.s32 @!p0 $0x100000, s0  }
0x22d: {  	[sflag:s0] =	ssyncadd.tile.s32 @!p0 $0x1;
	_ =	shalt  }
.Lfunc_end2:
_tile_overlayer_lowered:
.L_overlay_start_2:
0x22e: {  	(tag) =	ssettag $0x2  }
0x22f: {  	s0 =	rddreg [dreg:$0x0];
	s2 =	stileid.u32  }
0x230: {  	s1 =	rddreg [dreg:$0x1];
	p0 =	sne.s32 s2, $0x0  }
0x231: {  	s3 =	rddreg [dreg:$0x2];
	[bflag:$0x3] =	sbarrier.arrive $0xFFFF;
	s2 =	simm.s32 @!p0 $0x1C05  }
0x232: {  	[timem:s3], [sflag:s2] =	dma.local @!p0 [hbm:s0], s1  }
0x233: {  	s0 =	simm.s32 @!p0 $0x5  }
0x234: {  	_ =	swait.ge @!p0 [sflag:s0], s1  }
0x235: {  	s1 =	ssub.s32 @!p0 $0x0, s1;
	[sflag:s0] =	ssyncset.done @!p0 $0x0  }
0x236: {  	[sflag:s0] =	ssyncadd.s32 @!p0 s1  }
0x237: {  	[bflag:$0x3] =	sbarrier.arrive $0xFFFF  }
0x238: {  	_ =	shalt  }

</sc_bundles>
